<compile_context>
chip_gen: v7x
topology: tpu7x:2x2x1
jax: 0.10.2.dev20260603
libtpu: 0.0.44.dev20260713+nightly
codegen_flags: <defaults>
</compile_context>

<pallas_src>
import functools

import jax
import jax.numpy as jnp
from jax import lax
from jax.experimental import pallas as pl
from jax.experimental.pallas import tpu as pltpu
from jax.experimental.pallas import tpu_sc as plsc

NUM_CAMERAS = 100000
BATCH = 16384

_info = plsc.get_sparse_core_info()
_NC, _NS = _info.num_cores, _info.num_subcores
_NW = _NC * _NS
_BPW = BATCH // _NW
_CHUNK = 128
_NCHUNK = _BPW // _CHUNK


@functools.partial(
    pl.kernel,
    mesh=plsc.VectorSubcoreMesh(core_axis_name="c", subcore_axis_name="s"),
    out_type=(
        jax.ShapeDtypeStruct((BATCH // _CHUNK, 4, _CHUNK), jnp.float32),
        jax.ShapeDtypeStruct((BATCH // _CHUNK, 8, _CHUNK), jnp.float32),
    ),
    scratch_types=[
        pltpu.VMEM((_NCHUNK, _CHUNK), jnp.int32),
        pltpu.VMEM((_NCHUNK, 3, _CHUNK), jnp.float32),
        pltpu.VMEM((_NCHUNK, 6, _CHUNK), jnp.float32),
        pltpu.SemaphoreType.DMA,
        pltpu.SemaphoreType.DMA,
        pltpu.SemaphoreType.DMA,
        pltpu.SemaphoreType.DMA,
    ],
    compiler_params=pltpu.CompilerParams(use_tc_tiling_on_sc=False),
)
def _gather_kernel(pos_hbm, rot_hbm, idx_hbm, pos_out, rot_out,
                   idx_v, pos_v, rot_v, *sems):
    wid = lax.axis_index("s") * _NC + lax.axis_index("c")
    pltpu.sync_copy(idx_hbm.at[pl.ds(wid * _NCHUNK, _NCHUNK)], idx_v)
    copies = [[] for _ in range(_NCHUNK)]
    for j in range(_NCHUNK):
        for r in range(3):
            copies[j].append(pltpu.async_copy(
                pos_hbm.at[r].at[idx_v.at[j]], pos_v.at[j, r], sems[j]))
        for r in range(6):
            copies[j].append(pltpu.async_copy(
                rot_hbm.at[r].at[idx_v.at[j]], rot_v.at[j, r], sems[j]))
    for j in range(_NCHUNK):
        for c in copies[j]:
            c.wait()
        gc = wid * _NCHUNK + j
        pltpu.sync_copy(pos_v.at[j], pos_out.at[gc, pl.ds(0, 3)])
        pltpu.sync_copy(rot_v.at[j], rot_out.at[gc, pl.ds(0, 6)])


def kernel(positions, rotations, camera_indices):
    idx2d = camera_indices.astype(jnp.int32).reshape(BATCH // _CHUNK, _CHUNK)
    pos3, rot3 = _gather_kernel(positions.T, rotations.T, idx2d)
    pos = pos3.transpose(0, 2, 1).reshape(BATCH, 4)[:, :3]
    rot = rot3.transpose(0, 2, 1).reshape(BATCH, 8)[:, :6]
    return pos, rot

# --- scband reference (transcript-rebuilt; emitter-appended) ---
"""Pipeline reference for scband-camera-optimizer-10720238371168 (READ-ONLY COPY).

The authoritative reference and input builder live on the scoring server;
editing this copy changes nothing except your own understanding.
"""

import jax, jax.numpy as jnp
import numpy as np

NUM_CAMERAS = 100000
BATCH = 16384


def setup_inputs(seed: int = 0) -> dict:
    key = jax.random.key(seed)
    k1, k2, k3 = jax.random.split(key, 3)
    camera_indices = jax.random.randint(k1, (BATCH,), 0, NUM_CAMERAS, dtype=jnp.int64 if jax.config.jax_enable_x64 else jnp.int32)
    # Learned parameters (nn.Parameter in torch; zero-init there, use small random here)
    positions = jax.random.normal(k2, (NUM_CAMERAS, 3), dtype=jnp.float32) * 0.01
    rotations = jax.random.normal(k3, (NUM_CAMERAS, 6), dtype=jnp.float32) * 0.01
    return {"positions": positions, "rotations": rotations, "camera_indices": camera_indices}


def reference(positions, rotations, camera_indices):
    # Faithful translation of CameraOptimizer.forward: two gathers (embedding lookups)
    pos = jnp.take(positions, camera_indices, axis=0)
    rot = jnp.take(rotations, camera_indices, axis=0)
    return (pos, rot)

if __name__ == "__main__":
    import jax
    _d = setup_inputs()
    print(jax.jit(kernel)(*tuple(_d.values())))

</pallas_src>

<mosaic_0001>
#map = affine_map<(d0, d1) -> (0, 0)>
#map1 = affine_map<(d0, d1) -> (0, 0, 0)>
module attributes {stable_mosaic.version = 14 : i64} {
  func.func @_gather_kernel(%arg0: i32, %arg1: i32, %arg2: memref<3x100000xf32, #tpu.memory_space<hbm>>, %arg3: memref<6x100000xf32, #tpu.memory_space<hbm>>, %arg4: memref<128x128xi32, #tpu.memory_space<hbm>>, %arg5: memref<128x4x128xf32, #tpu.memory_space<hbm>>, %arg6: memref<128x8x128xf32, #tpu.memory_space<hbm>>, %arg7: memref<4x128xi32, #tpu.memory_space<vmem>>, %arg8: memref<4x3x128xf32, #tpu.memory_space<vmem>>, %arg9: memref<4x6x128xf32, #tpu.memory_space<vmem>>, %arg10: memref<!tpu.dma_semaphore, #tpu.memory_space<semaphore_mem>>, %arg11: memref<!tpu.dma_semaphore, #tpu.memory_space<semaphore_mem>>, %arg12: memref<!tpu.dma_semaphore, #tpu.memory_space<semaphore_mem>>, %arg13: memref<!tpu.dma_semaphore, #tpu.memory_space<semaphore_mem>>) attributes {dimension_semantics = [#tpu.dimension_semantics<core_parallel>, #tpu.dimension_semantics<subcore_parallel>], iteration_bounds = array<i64: 2, 16>, scalar_prefetch = 0 : i64, scratch_operands = 7 : i64, tpu.core_type = #tpu.core_type<sc_vector_subcore>, window_params = [{transform_indices = #map}, {transform_indices = #map}, {transform_indices = #map}, {transform_indices = #map1}, {transform_indices = #map1}]} {
    %mul3A = arith.constant 2 : i32
    %mul3A_0 = arith.muli %arg1, %mul3A : i32
    %add3A = arith.addi %mul3A_0, %arg0 : i32
    %mul3A_1 = arith.constant 4 : i32
    %mul3A_2 = arith.muli %add3A, %mul3A_1 : i32
    "tpu.region"() ({
      %run_scoped3A_1104 = tpu.sem_alloc : memref<!tpu.dma_semaphore, #tpu.memory_space<semaphore_mem>>
      %dma_start3A_1105 = arith.constant 0 : i32
      %dma_start3A_1106 = tpu.memref_slice %arg4[%mul3A_2, %dma_start3A_1105] : memref<128x128xi32, #tpu.memory_space<hbm>> -> memref<4x128xi32, #tpu.memory_space<hbm>>
      %dma_start3A_1107 = arith.constant 0 : i32
      %dma_start3A_1108 = tpu.memref_slice %arg4[%mul3A_2, %dma_start3A_1107] : memref<128x128xi32, #tpu.memory_space<hbm>> -> memref<4x128xi32, #tpu.memory_space<hbm>>
      tpu.enqueue_dma source(%dma_start3A_1108 : memref<4x128xi32, #tpu.memory_space<hbm>>) target(%arg7 : memref<4x128xi32, #tpu.memory_space<vmem>>) target_semaphore(%run_scoped3A_1104 : memref<!tpu.dma_semaphore, #tpu.memory_space<semaphore_mem>>)
      %dma_wait3A_1109 = arith.constant 0 : i32
      %dma_wait3A_1110 = tpu.memref_slice %arg4[%mul3A_2, %dma_wait3A_1109] : memref<128x128xi32, #tpu.memory_space<hbm>> -> memref<4x128xi32, #tpu.memory_space<hbm>>
      %dma_wait3A_1111 = arith.constant 0 : i32
      %dma_wait3A_1112 = tpu.memref_slice %arg4[%mul3A_2, %dma_wait3A_1111] : memref<128x128xi32, #tpu.memory_space<hbm>> -> memref<4x128xi32, #tpu.memory_space<hbm>>
      tpu.wait_dma2 semaphore(%run_scoped3A_1104 : memref<!tpu.dma_semaphore, #tpu.memory_space<semaphore_mem>>) src(%dma_wait3A_1112 : memref<4x128xi32, #tpu.memory_space<hbm>>) dst(%arg7 : memref<4x128xi32, #tpu.memory_space<vmem>>)
      tpu.yield
    }) : () -> ()
    %dma_start3A = arith.constant 0 : i32
    %dma_start3A_3 = arith.constant 0 : i32
    %dma_start3A_4 = arith.constant 0 : i32
    %dma_start3A_5 = arith.constant 0 : i32
    %dma_start3A_6 = arith.constant 0 : i32
    %dma_start3A_7 = tpu.memref_slice %arg8[%dma_start3A_4, %dma_start3A_5, %dma_start3A_6] : memref<4x3x128xf32, #tpu.memory_space<vmem>> -> memref<1x1x128xf32, #tpu.memory_space<vmem>>
    %dma_start3A_8 = tpu.memref_squeeze %dma_start3A_7 : memref<1x1x128xf32, #tpu.memory_space<vmem>> -> memref<128xf32, #tpu.memory_space<vmem>>
    %dma_start3A_9 = arith.constant 0 : i32
    %dma_start3A_10 = tpu.memref_slice %arg7[%dma_start3A_3, %dma_start3A_9] : memref<4x128xi32, #tpu.memory_space<vmem>> -> memref<1x128xi32, #tpu.memory_space<vmem>>
    %dma_start3A_11 = tpu.memref_squeeze %dma_start3A_10 : memref<1x128xi32, #tpu.memory_space<vmem>> -> memref<128xi32, #tpu.memory_space<vmem>>
    %dma_start3A_12 = arith.constant 0 : i32
    %dma_start3A_13 = tpu.memref_slice %arg2[%dma_start3A, %dma_start3A_12] : memref<3x100000xf32, #tpu.memory_space<hbm>> -> memref<1x100000xf32, #tpu.memory_space<hbm>>
    %dma_start3A_14 = tpu.memref_squeeze %dma_start3A_13 : memref<1x100000xf32, #tpu.memory_space<hbm>> -> memref<100000xf32, #tpu.memory_space<hbm>>
    %dma_start3A_15 = arith.constant 0 : i32
    %dma_start3A_16 = tpu.memref_slice %dma_start3A_14[%dma_start3A_15] : memref<100000xf32, #tpu.memory_space<hbm>> -> memref<100000xf32, #tpu.memory_space<hbm>>
    tpu.enqueue_indirect_dma source(%dma_start3A_16 : memref<100000xf32, #tpu.memory_space<hbm>>) target(%dma_start3A_8 : memref<128xf32, #tpu.memory_space<vmem>>) offsets(%dma_start3A_11 : memref<128xi32, #tpu.memory_space<vmem>>) semaphore(%arg10 : memref<!tpu.dma_semaphore, #tpu.memory_space<semaphore_mem>>)
    %dma_start3A_17 = arith.constant 1 : i32
    %dma_start3A_18 = arith.constant 0 : i32
    %dma_start3A_19 = arith.constant 0 : i32
    %dma_start3A_20 = arith.constant 1 : i32
    %dma_start3A_21 = arith.constant 0 : i32
    %dma_start3A_22 = tpu.memref_slice %arg8[%dma_start3A_19, %dma_start3A_20, %dma_start3A_21] : memref<4x3x128xf32, #tpu.memory_space<vmem>> -> memref<1x1x128xf32, #tpu.memory_space<vmem>>
    %dma_start3A_23 = tpu.memref_squeeze %dma_start3A_22 : memref<1x1x128xf32, #tpu.memory_space<vmem>> -> memref<128xf32, #tpu.memory_space<vmem>>
    %dma_start3A_24 = arith.constant 0 : i32
    %dma_start3A_25 = tpu.memref_slice %arg7[%dma_start3A_18, %dma_start3A_24] : memref<4x128xi32, #tpu.memory_space<vmem>> -> memref<1x128xi32, #tpu.memory_space<vmem>>
    %dma_start3A_26 = tpu.memref_squeeze %dma_start3A_25 : memref<1x128xi32, #tpu.memory_space<vmem>> -> memref<128xi32, #tpu.memory_space<vmem>>
    %dma_start3A_27 = arith.constant 0 : i32
    %dma_start3A_28 = tpu.memref_slice %arg2[%dma_start3A_17, %dma_start3A_27] : memref<3x100000xf32, #tpu.memory_space<hbm>> -> memref<1x100000xf32, #tpu.memory_space<hbm>>
    %dma_start3A_29 = tpu.memref_squeeze %dma_start3A_28 : memref<1x100000xf32, #tpu.memory_space<hbm>> -> memref<100000xf32, #tpu.memory_space<hbm>>
    %dma_start3A_30 = arith.constant 0 : i32
    %dma_start3A_31 = tpu.memref_slice %dma_start3A_29[%dma_start3A_30] : memref<100000xf32, #tpu.memory_space<hbm>> -> memref<100000xf32, #tpu.memory_space<hbm>>
    tpu.enqueue_indirect_dma source(%dma_start3A_31 : memref<100000xf32, #tpu.memory_space<hbm>>) target(%dma_start3A_23 : memref<128xf32, #tpu.memory_space<vmem>>) offsets(%dma_start3A_26 : memref<128xi32, #tpu.memory_space<vmem>>) semaphore(%arg10 : memref<!tpu.dma_semaphore, #tpu.memory_space<semaphore_mem>>)
    %dma_start3A_32 = arith.constant 2 : i32
    %dma_start3A_33 = arith.constant 0 : i32
    %dma_start3A_34 = arith.constant 0 : i32
    %dma_start3A_35 = arith.constant 2 : i32
    %dma_start3A_36 = arith.constant 0 : i32
    %dma_start3A_37 = tpu.memref_slice %arg8[%dma_start3A_34, %dma_start3A_35, %dma_start3A_36] : memref<4x3x128xf32, #tpu.memory_space<vmem>> -> memref<1x1x128xf32, #tpu.memory_space<vmem>>
    %dma_start3A_38 = tpu.memref_squeeze %dma_start3A_37 : memref<1x1x128xf32, #tpu.memory_space<vmem>> -> memref<128xf32, #tpu.memory_space<vmem>>
    %dma_start3A_39 = arith.constant 0 : i32
    %dma_start3A_40 = tpu.memref_slice %arg7[%dma_start3A_33, %dma_start3A_39] : memref<4x128xi32, #tpu.memory_space<vmem>> -> memref<1x128xi32, #tpu.memory_space<vmem>>
    %dma_start3A_41 = tpu.memref_squeeze %dma_start3A_40 : memref<1x128xi32, #tpu.memory_space<vmem>> -> memref<128xi32, #tpu.memory_space<vmem>>
    %dma_start3A_42 = arith.constant 0 : i32
    %dma_start3A_43 = tpu.memref_slice %arg2[%dma_start3A_32, %dma_start3A_42] : memref<3x100000xf32, #tpu.memory_space<hbm>> -> memref<1x100000xf32, #tpu.memory_space<hbm>>
    %dma_start3A_44 = tpu.memref_squeeze %dma_start3A_43 : memref<1x100000xf32, #tpu.memory_space<hbm>> -> memref<100000xf32, #tpu.memory_space<hbm>>
    %dma_start3A_45 = arith.constant 0 : i32
    %dma_start3A_46 = tpu.memref_slice %dma_start3A_44[%dma_start3A_45] : memref<100000xf32, #tpu.memory_space<hbm>> -> memref<100000xf32, #tpu.memory_space<hbm>>
    tpu.enqueue_indirect_dma source(%dma_start3A_46 : memref<100000xf32, #tpu.memory_space<hbm>>) target(%dma_start3A_38 : memref<128xf32, #tpu.memory_space<vmem>>) offsets(%dma_start3A_41 : memref<128xi32, #tpu.memory_space<vmem>>) semaphore(%arg10 : memref<!tpu.dma_semaphore, #tpu.memory_space<semaphore_mem>>)
    %dma_start3A_47 = arith.constant 0 : i32
    %dma_start3A_48 = arith.constant 0 : i32
    %dma_start3A_49 = arith.constant 0 : i32
    %dma_start3A_50 = arith.constant 0 : i32
    %dma_start3A_51 = arith.constant 0 : i32
    %dma_start3A_52 = tpu.memref_slice %arg9[%dma_start3A_49, %dma_start3A_50, %dma_start3A_51] : memref<4x6x128xf32, #tpu.memory_space<vmem>> -> memref<1x1x128xf32, #tpu.memory_space<vmem>>
    %dma_start3A_53 = tpu.memref_squeeze %dma_start3A_52 : memref<1x1x128xf32, #tpu.memory_space<vmem>> -> memref<128xf32, #tpu.memory_space<vmem>>
    %dma_start3A_54 = arith.constant 0 : i32
    %dma_start3A_55 = tpu.memref_slice %arg7[%dma_start3A_48, %dma_start3A_54] : memref<4x128xi32, #tpu.memory_space<vmem>> -> memref<1x128xi32, #tpu.memory_space<vmem>>
    %dma_start3A_56 = tpu.memref_squeeze %dma_start3A_55 : memref<1x128xi32, #tpu.memory_space<vmem>> -> memref<128xi32, #tpu.memory_space<vmem>>
    %dma_start3A_57 = arith.constant 0 : i32
    %dma_start3A_58 = tpu.memref_slice %arg3[%dma_start3A_47, %dma_start3A_57] : memref<6x100000xf32, #tpu.memory_space<hbm>> -> memref<1x100000xf32, #tpu.memory_space<hbm>>
    %dma_start3A_59 = tpu.memref_squeeze %dma_start3A_58 : memref<1x100000xf32, #tpu.memory_space<hbm>> -> memref<100000xf32, #tpu.memory_space<hbm>>
    %dma_start3A_60 = arith.constant 0 : i32
    %dma_start3A_61 = tpu.memref_slice %dma_start3A_59[%dma_start3A_60] : memref<100000xf32, #tpu.memory_space<hbm>> -> memref<100000xf32, #tpu.memory_space<hbm>>
    tpu.enqueue_indirect_dma source(%dma_start3A_61 : memref<100000xf32, #tpu.memory_space<hbm>>) target(%dma_start3A_53 : memref<128xf32, #tpu.memory_space<vmem>>) offsets(%dma_start3A_56 : memref<128xi32, #tpu.memory_space<vmem>>) semaphore(%arg10 : memref<!tpu.dma_semaphore, #tpu.memory_space<semaphore_mem>>)
    %dma_start3A_62 = arith.constant 1 : i32
    %dma_start3A_63 = arith.constant 0 : i32
    %dma_start3A_64 = arith.constant 0 : i32
    %dma_start3A_65 = arith.constant 1 : i32
    %dma_start3A_66 = arith.constant 0 : i32
    %dma_start3A_67 = tpu.memref_slice %arg9[%dma_start3A_64, %dma_start3A_65, %dma_start3A_66] : memref<4x6x128xf32, #tpu.memory_space<vmem>> -> memref<1x1x128xf32, #tpu.memory_space<vmem>>
    %dma_start3A_68 = tpu.memref_squeeze %dma_start3A_67 : memref<1x1x128xf32, #tpu.memory_space<vmem>> -> memref<128xf32, #tpu.memory_space<vmem>>
    %dma_start3A_69 = arith.constant 0 : i32
    %dma_start3A_70 = tpu.memref_slice %arg7[%dma_start3A_63, %dma_start3A_69] : memref<4x128xi32, #tpu.memory_space<vmem>> -> memref<1x128xi32, #tpu.memory_space<vmem>>
    %dma_start3A_71 = tpu.memref_squeeze %dma_start3A_70 : memref<1x128xi32, #tpu.memory_space<vmem>> -> memref<128xi32, #tpu.memory_space<vmem>>
    %dma_start3A_72 = arith.constant 0 : i32
    %dma_start3A_73 = tpu.memref_slice %arg3[%dma_start3A_62, %dma_start3A_72] : memref<6x100000xf32, #tpu.memory_space<hbm>> -> memref<1x100000xf32, #tpu.memory_space<hbm>>
    %dma_start3A_74 = tpu.memref_squeeze %dma_start3A_73 : memref<1x100000xf32, #tpu.memory_space<hbm>> -> memref<100000xf32, #tpu.memory_space<hbm>>
    %dma_start3A_75 = arith.constant 0 : i32
    %dma_start3A_76 = tpu.memref_slice %dma_start3A_74[%dma_start3A_75] : memref<100000xf32, #tpu.memory_space<hbm>> -> memref<100000xf32, #tpu.memory_space<hbm>>
    tpu.enqueue_indirect_dma source(%dma_start3A_76 : memref<100000xf32, #tpu.memory_space<hbm>>) target(%dma_start3A_68 : memref<128xf32, #tpu.memory_space<vmem>>) offsets(%dma_start3A_71 : memref<128xi32, #tpu.memory_space<vmem>>) semaphore(%arg10 : memref<!tpu.dma_semaphore, #tpu.memory_space<semaphore_mem>>)
    %dma_start3A_77 = arith.constant 2 : i32
    %dma_start3A_78 = arith.constant 0 : i32
    %dma_start3A_79 = arith.constant 0 : i32
    %dma_start3A_80 = arith.constant 2 : i32
    %dma_start3A_81 = arith.constant 0 : i32
    %dma_start3A_82 = tpu.memref_slice %arg9[%dma_start3A_79, %dma_start3A_80, %dma_start3A_81] : memref<4x6x128xf32, #tpu.memory_space<vmem>> -> memref<1x1x128xf32, #tpu.memory_space<vmem>>
    %dma_start3A_83 = tpu.memref_squeeze %dma_start3A_82 : memref<1x1x128xf32, #tpu.memory_space<vmem>> -> memref<128xf32, #tpu.memory_space<vmem>>
    %dma_start3A_84 = arith.constant 0 : i32
    %dma_start3A_85 = tpu.memref_slice %arg7[%dma_start3A_78, %dma_start3A_84] : memref<4x128xi32, #tpu.memory_space<vmem>> -> memref<1x128xi32, #tpu.memory_space<vmem>>
    %dma_start3A_86 = tpu.memref_squeeze %dma_start3A_85 : memref<1x128xi32, #tpu.memory_space<vmem>> -> memref<128xi32, #tpu.memory_space<vmem>>
    %dma_start3A_87 = arith.constant 0 : i32
    %dma_start3A_88 = tpu.memref_slice %arg3[%dma_start3A_77, %dma_start3A_87] : memref<6x100000xf32, #tpu.memory_space<hbm>> -> memref<1x100000xf32, #tpu.memory_space<hbm>>
    %dma_start3A_89 = tpu.memref_squeeze %dma_start3A_88 : memref<1x100000xf32, #tpu.memory_space<hbm>> -> memref<100000xf32, #tpu.memory_space<hbm>>
    %dma_start3A_90 = arith.constant 0 : i32
    %dma_start3A_91 = tpu.memref_slice %dma_start3A_89[%dma_start3A_90] : memref<100000xf32, #tpu.memory_space<hbm>> -> memref<100000xf32, #tpu.memory_space<hbm>>
    tpu.enqueue_indirect_dma source(%dma_start3A_91 : memref<100000xf32, #tpu.memory_space<hbm>>) target(%dma_start3A_83 : memref<128xf32, #tpu.memory_space<vmem>>) offsets(%dma_start3A_86 : memref<128xi32, #tpu.memory_space<vmem>>) semaphore(%arg10 : memref<!tpu.dma_semaphore, #tpu.memory_space<semaphore_mem>>)
    %dma_start3A_92 = arith.constant 3 : i32
    %dma_start3A_93 = arith.constant 0 : i32
    %dma_start3A_94 = arith.constant 0 : i32
    %dma_start3A_95 = arith.constant 3 : i32
    %dma_start3A_96 = arith.constant 0 : i32
    %dma_start3A_97 = tpu.memref_slice %arg9[%dma_start3A_94, %dma_start3A_95, %dma_start3A_96] : memref<4x6x128xf32, #tpu.memory_space<vmem>> -> memref<1x1x128xf32, #tpu.memory_space<vmem>>
    %dma_start3A_98 = tpu.memref_squeeze %dma_start3A_97 : memref<1x1x128xf32, #tpu.memory_space<vmem>> -> memref<128xf32, #tpu.memory_space<vmem>>
    %dma_start3A_99 = arith.constant 0 : i32
    %dma_start3A_100 = tpu.memref_slice %arg7[%dma_start3A_93, %dma_start3A_99] : memref<4x128xi32, #tpu.memory_space<vmem>> -> memref<1x128xi32, #tpu.memory_space<vmem>>
    %dma_start3A_101 = tpu.memref_squeeze %dma_start3A_100 : memref<1x128xi32, #tpu.memory_space<vmem>> -> memref<128xi32, #tpu.memory_space<vmem>>
    %dma_start3A_102 = arith.constant 0 : i32
    %dma_start3A_103 = tpu.memref_slice %arg3[%dma_start3A_92, %dma_start3A_102] : memref<6x100000xf32, #tpu.memory_space<hbm>> -> memref<1x100000xf32, #tpu.memory_space<hbm>>
    %dma_start3A_104 = tpu.memref_squeeze %dma_start3A_103 : memref<1x100000xf32, #tpu.memory_space<hbm>> -> memref<100000xf32, #tpu.memory_space<hbm>>
    %dma_start3A_105 = arith.constant 0 : i32
    %dma_start3A_106 = tpu.memref_slice %dma_start3A_104[%dma_start3A_105] : memref<100000xf32, #tpu.memory_space<hbm>> -> memref<100000xf32, #tpu.memory_space<hbm>>
    tpu.enqueue_indirect_dma source(%dma_start3A_106 : memref<100000xf32, #tpu.memory_space<hbm>>) target(%dma_start3A_98 : memref<128xf32, #tpu.memory_space<vmem>>) offsets(%dma_start3A_101 : memref<128xi32, #tpu.memory_space<vmem>>) semaphore(%arg10 : memref<!tpu.dma_semaphore, #tpu.memory_space<semaphore_mem>>)
    %dma_start3A_107 = arith.constant 4 : i32
    %dma_start3A_108 = arith.constant 0 : i32
    %dma_start3A_109 = arith.constant 0 : i32
    %dma_start3A_110 = arith.constant 4 : i32
    %dma_start3A_111 = arith.constant 0 : i32
    %dma_start3A_112 = tpu.memref_slice %arg9[%dma_start3A_109, %dma_start3A_110, %dma_start3A_111] : memref<4x6x128xf32, #tpu.memory_space<vmem>> -> memref<1x1x128xf32, #tpu.memory_space<vmem>>
    %dma_start3A_113 = tpu.memref_squeeze %dma_start3A_112 : memref<1x1x128xf32, #tpu.memory_space<vmem>> -> memref<128xf32, #tpu.memory_space<vmem>>
    %dma_start3A_114 = arith.constant 0 : i32
    %dma_start3A_115 = tpu.memref_slice %arg7[%dma_start3A_108, %dma_start3A_114] : memref<4x128xi32, #tpu.memory_space<vmem>> -> memref<1x128xi32, #tpu.memory_space<vmem>>
    %dma_start3A_116 = tpu.memref_squeeze %dma_start3A_115 : memref<1x128xi32, #tpu.memory_space<vmem>> -> memref<128xi32, #tpu.memory_space<vmem>>
    %dma_start3A_117 = arith.constant 0 : i32
    %dma_start3A_118 = tpu.memref_slice %arg3[%dma_start3A_107, %dma_start3A_117] : memref<6x100000xf32, #tpu.memory_space<hbm>> -> memref<1x100000xf32, #tpu.memory_space<hbm>>
    %dma_start3A_119 = tpu.memref_squeeze %dma_start3A_118 : memref<1x100000xf32, #tpu.memory_space<hbm>> -> memref<100000xf32, #tpu.memory_space<hbm>>
    %dma_start3A_120 = arith.constant 0 : i32
    %dma_start3A_121 = tpu.memref_slice %dma_start3A_119[%dma_start3A_120] : memref<100000xf32, #tpu.memory_space<hbm>> -> memref<100000xf32, #tpu.memory_space<hbm>>
    tpu.enqueue_indirect_dma source(%dma_start3A_121 : memref<100000xf32, #tpu.memory_space<hbm>>) target(%dma_start3A_113 : memref<128xf32, #tpu.memory_space<vmem>>) offsets(%dma_start3A_116 : memref<128xi32, #tpu.memory_space<vmem>>) semaphore(%arg10 : memref<!tpu.dma_semaphore, #tpu.memory_space<semaphore_mem>>)
    %dma_start3A_122 = arith.constant 5 : i32
    %dma_start3A_123 = arith.constant 0 : i32
    %dma_start3A_124 = arith.constant 0 : i32
    %dma_start3A_125 = arith.constant 5 : i32
    %dma_start3A_126 = arith.constant 0 : i32
    %dma_start3A_127 = tpu.memref_slice %arg9[%dma_start3A_124, %dma_start3A_125, %dma_start3A_126] : memref<4x6x128xf32, #tpu.memory_space<vmem>> -> memref<1x1x128xf32, #tpu.memory_space<vmem>>
    %dma_start3A_128 = tpu.memref_squeeze %dma_start3A_127 : memref<1x1x128xf32, #tpu.memory_space<vmem>> -> memref<128xf32, #tpu.memory_space<vmem>>
    %dma_start3A_129 = arith.constant 0 : i32
    %dma_start3A_130 = tpu.memref_slice %arg7[%dma_start3A_123, %dma_start3A_129] : memref<4x128xi32, #tpu.memory_space<vmem>> -> memref<1x128xi32, #tpu.memory_space<vmem>>
    %dma_start3A_131 = tpu.memref_squeeze %dma_start3A_130 : memref<1x128xi32, #tpu.memory_space<vmem>> -> memref<128xi32, #tpu.memory_space<vmem>>
    %dma_start3A_132 = arith.constant 0 : i32
    %dma_start3A_133 = tpu.memref_slice %arg3[%dma_start3A_122, %dma_start3A_132] : memref<6x100000xf32, #tpu.memory_space<hbm>> -> memref<1x100000xf32, #tpu.memory_space<hbm>>
    %dma_start3A_134 = tpu.memref_squeeze %dma_start3A_133 : memref<1x100000xf32, #tpu.memory_space<hbm>> -> memref<100000xf32, #tpu.memory_space<hbm>>
    %dma_start3A_135 = arith.constant 0 : i32
    %dma_start3A_136 = tpu.memref_slice %dma_start3A_134[%dma_start3A_135] : memref<100000xf32, #tpu.memory_space<hbm>> -> memref<100000xf32, #tpu.memory_space<hbm>>
    tpu.enqueue_indirect_dma source(%dma_start3A_136 : memref<100000xf32, #tpu.memory_space<hbm>>) target(%dma_start3A_128 : memref<128xf32, #tpu.memory_space<vmem>>) offsets(%dma_start3A_131 : memref<128xi32, #tpu.memory_space<vmem>>) semaphore(%arg10 : memref<!tpu.dma_semaphore, #tpu.memory_space<semaphore_mem>>)
    %dma_start3A_137 = arith.constant 0 : i32
    %dma_start3A_138 = arith.constant 1 : i32
    %dma_start3A_139 = arith.constant 1 : i32
    %dma_start3A_140 = arith.constant 0 : i32
    %dma_start3A_141 = arith.constant 0 : i32
    %dma_start3A_142 = tpu.memref_slice %arg8[%dma_start3A_139, %dma_start3A_140, %dma_start3A_141] : memref<4x3x128xf32, #tpu.memory_space<vmem>> -> memref<1x1x128xf32, #tpu.memory_space<vmem>>
    %dma_start3A_143 = tpu.memref_squeeze %dma_start3A_142 : memref<1x1x128xf32, #tpu.memory_space<vmem>> -> memref<128xf32, #tpu.memory_space<vmem>>
    %dma_start3A_144 = arith.constant 0 : i32
    %dma_start3A_145 = tpu.memref_slice %arg7[%dma_start3A_138, %dma_start3A_144] : memref<4x128xi32, #tpu.memory_space<vmem>> -> memref<1x128xi32, #tpu.memory_space<vmem>>
    %dma_start3A_146 = tpu.memref_squeeze %dma_start3A_145 : memref<1x128xi32, #tpu.memory_space<vmem>> -> memref<128xi32, #tpu.memory_space<vmem>>
    %dma_start3A_147 = arith.constant 0 : i32
    %dma_start3A_148 = tpu.memref_slice %arg2[%dma_start3A_137, %dma_start3A_147] : memref<3x100000xf32, #tpu.memory_space<hbm>> -> memref<1x100000xf32, #tpu.memory_space<hbm>>
    %dma_start3A_149 = tpu.memref_squeeze %dma_start3A_148 : memref<1x100000xf32, #tpu.memory_space<hbm>> -> memref<100000xf32, #tpu.memory_space<hbm>>
    %dma_start3A_150 = arith.constant 0 : i32
    %dma_start3A_151 = tpu.memref_slice %dma_start3A_149[%dma_start3A_150] : memref<100000xf32, #tpu.memory_space<hbm>> -> memref<100000xf32, #tpu.memory_space<hbm>>
    tpu.enqueue_indirect_dma source(%dma_start3A_151 : memref<100000xf32, #tpu.memory_space<hbm>>) target(%dma_start3A_143 : memref<128xf32, #tpu.memory_space<vmem>>) offsets(%dma_start3A_146 : memref<128xi32, #tpu.memory_space<vmem>>) semaphore(%arg11 : memref<!tpu.dma_semaphore, #tpu.memory_space<semaphore_mem>>)
    %dma_start3A_152 = arith.constant 1 : i32
    %dma_start3A_153 = arith.constant 1 : i32
    %dma_start3A_154 = arith.constant 1 : i32
    %dma_start3A_155 = arith.constant 1 : i32
    %dma_start3A_156 = arith.constant 0 : i32
    %dma_start3A_157 = tpu.memref_slice %arg8[%dma_start3A_154, %dma_start3A_155, %dma_start3A_156] : memref<4x3x128xf32, #tpu.memory_space<vmem>> -> memref<1x1x128xf32, #tpu.memory_space<vmem>>
    %dma_start3A_158 = tpu.memref_squeeze %dma_start3A_157 : memref<1x1x128xf32, #tpu.memory_space<vmem>> -> memref<128xf32, #tpu.memory_space<vmem>>
    %dma_start3A_159 = arith.constant 0 : i32
    %dma_start3A_160 = tpu.memref_slice %arg7[%dma_start3A_153, %dma_start3A_159] : memref<4x128xi32, #tpu.memory_space<vmem>> -> memref<1x128xi32, #tpu.memory_space<vmem>>
    %dma_start3A_161 = tpu.memref_squeeze %dma_start3A_160 : memref<1x128xi32, #tpu.memory_space<vmem>> -> memref<128xi32, #tpu.memory_space<vmem>>
    %dma_start3A_162 = arith.constant 0 : i32
    %dma_start3A_163 = tpu.memref_slice %arg2[%dma_start3A_152, %dma_start3A_162] : memref<3x100000xf32, #tpu.memory_space<hbm>> -> memref<1x100000xf32, #tpu.memory_space<hbm>>
    %dma_start3A_164 = tpu.memref_squeeze %dma_start3A_163 : memref<1x100000xf32, #tpu.memory_space<hbm>> -> memref<100000xf32, #tpu.memory_space<hbm>>
    %dma_start3A_165 = arith.constant 0 : i32
    %dma_start3A_166 = tpu.memref_slice %dma_start3A_164[%dma_start3A_165] : memref<100000xf32, #tpu.memory_space<hbm>> -> memref<100000xf32, #tpu.memory_space<hbm>>
    tpu.enqueue_indirect_dma source(%dma_start3A_166 : memref<100000xf32, #tpu.memory_space<hbm>>) target(%dma_start3A_158 : memref<128xf32, #tpu.memory_space<vmem>>) offsets(%dma_start3A_161 : memref<128xi32, #tpu.memory_space<vmem>>) semaphore(%arg11 : memref<!tpu.dma_semaphore, #tpu.memory_space<semaphore_mem>>)
    %dma_start3A_167 = arith.constant 2 : i32
    %dma_start3A_168 = arith.constant 1 : i32
    %dma_start3A_169 = arith.constant 1 : i32
    %dma_start3A_170 = arith.constant 2 : i32
    %dma_start3A_171 = arith.constant 0 : i32
    %dma_start3A_172 = tpu.memref_slice %arg8[%dma_start3A_169, %dma_start3A_170, %dma_start3A_171] : memref<4x3x128xf32, #tpu.memory_space<vmem>> -> memref<1x1x128xf32, #tpu.memory_space<vmem>>
    %dma_start3A_173 = tpu.memref_squeeze %dma_start3A_172 : memref<1x1x128xf32, #tpu.memory_space<vmem>> -> memref<128xf32, #tpu.memory_space<vmem>>
    %dma_start3A_174 = arith.constant 0 : i32
    %dma_start3A_175 = tpu.memref_slice %arg7[%dma_start3A_168, %dma_start3A_174] : memref<4x128xi32, #tpu.memory_space<vmem>> -> memref<1x128xi32, #tpu.memory_space<vmem>>
    %dma_start3A_176 = tpu.memref_squeeze %dma_start3A_175 : memref<1x128xi32, #tpu.memory_space<vmem>> -> memref<128xi32, #tpu.memory_space<vmem>>
    %dma_start3A_177 = arith.constant 0 : i32
    %dma_start3A_178 = tpu.memref_slice %arg2[%dma_start3A_167, %dma_start3A_177] : memref<3x100000xf32, #tpu.memory_space<hbm>> -> memref<1x100000xf32, #tpu.memory_space<hbm>>
    %dma_start3A_179 = tpu.memref_squeeze %dma_start3A_178 : memref<1x100000xf32, #tpu.memory_space<hbm>> -> memref<100000xf32, #tpu.memory_space<hbm>>
    %dma_start3A_180 = arith.constant 0 : i32
    %dma_start3A_181 = tpu.memref_slice %dma_start3A_179[%dma_start3A_180] : memref<100000xf32, #tpu.memory_space<hbm>> -> memref<100000xf32, #tpu.memory_space<hbm>>
    tpu.enqueue_indirect_dma source(%dma_start3A_181 : memref<100000xf32, #tpu.memory_space<hbm>>) target(%dma_start3A_173 : memref<128xf32, #tpu.memory_space<vmem>>) offsets(%dma_start3A_176 : memref<128xi32, #tpu.memory_space<vmem>>) semaphore(%arg11 : memref<!tpu.dma_semaphore, #tpu.memory_space<semaphore_mem>>)
    %dma_start3A_182 = arith.constant 0 : i32
    %dma_start3A_183 = arith.constant 1 : i32
    %dma_start3A_184 = arith.constant 1 : i32
    %dma_start3A_185 = arith.constant 0 : i32
    %dma_start3A_186 = arith.constant 0 : i32
    %dma_start3A_187 = tpu.memref_slice %arg9[%dma_start3A_184, %dma_start3A_185, %dma_start3A_186] : memref<4x6x128xf32, #tpu.memory_space<vmem>> -> memref<1x1x128xf32, #tpu.memory_space<vmem>>
    %dma_start3A_188 = tpu.memref_squeeze %dma_start3A_187 : memref<1x1x128xf32, #tpu.memory_space<vmem>> -> memref<128xf32, #tpu.memory_space<vmem>>
    %dma_start3A_189 = arith.constant 0 : i32
    %dma_start3A_190 = tpu.memref_slice %arg7[%dma_start3A_183, %dma_start3A_189] : memref<4x128xi32, #tpu.memory_space<vmem>> -> memref<1x128xi32, #tpu.memory_space<vmem>>
    %dma_start3A_191 = tpu.memref_squeeze %dma_start3A_190 : memref<1x128xi32, #tpu.memory_space<vmem>> -> memref<128xi32, #tpu.memory_space<vmem>>
    %dma_start3A_192 = arith.constant 0 : i32
    %dma_start3A_193 = tpu.memref_slice %arg3[%dma_start3A_182, %dma_start3A_192] : memref<6x100000xf32, #tpu.memory_space<hbm>> -> memref<1x100000xf32, #tpu.memory_space<hbm>>
    %dma_start3A_194 = tpu.memref_squeeze %dma_start3A_193 : memref<1x100000xf32, #tpu.memory_space<hbm>> -> memref<100000xf32, #tpu.memory_space<hbm>>
    %dma_start3A_195 = arith.constant 0 : i32
    %dma_start3A_196 = tpu.memref_slice %dma_start3A_194[%dma_start3A_195] : memref<100000xf32, #tpu.memory_space<hbm>> -> memref<100000xf32, #tpu.memory_space<hbm>>
    tpu.enqueue_indirect_dma source(%dma_start3A_196 : memref<100000xf32, #tpu.memory_space<hbm>>) target(%dma_start3A_188 : memref<128xf32, #tpu.memory_space<vmem>>) offsets(%dma_start3A_191 : memref<128xi32, #tpu.memory_space<vmem>>) semaphore(%arg11 : memref<!tpu.dma_semaphore, #tpu.memory_space<semaphore_mem>>)
    %dma_start3A_197 = arith.constant 1 : i32
    %dma_start3A_198 = arith.constant 1 : i32
    %dma_start3A_199 = arith.constant 1 : i32
    %dma_start3A_200 = arith.constant 1 : i32
    %dma_start3A_201 = arith.constant 0 : i32
    %dma_start3A_202 = tpu.memref_slice %arg9[%dma_start3A_199, %dma_start3A_200, %dma_start3A_201] : memref<4x6x128xf32, #tpu.memory_space<vmem>> -> memref<1x1x128xf32, #tpu.memory_space<vmem>>
    %dma_start3A_203 = tpu.memref_squeeze %dma_start3A_202 : memref<1x1x128xf32, #tpu.memory_space<vmem>> -> memref<128xf32, #tpu.memory_space<vmem>>
    %dma_start3A_204 = arith.constant 0 : i32
    %dma_start3A_205 = tpu.memref_slice %arg7[%dma_start3A_198, %dma_start3A_204] : memref<4x128xi32, #tpu.memory_space<vmem>> -> memref<1x128xi32, #tpu.memory_space<vmem>>
    %dma_start3A_206 = tpu.memref_squeeze %dma_start3A_205 : memref<1x128xi32, #tpu.memory_space<vmem>> -> memref<128xi32, #tpu.memory_space<vmem>>
    %dma_start3A_207 = arith.constant 0 : i32
    %dma_start3A_208 = tpu.memref_slice %arg3[%dma_start3A_197, %dma_start3A_207] : memref<6x100000xf32, #tpu.memory_space<hbm>> -> memref<1x100000xf32, #tpu.memory_space<hbm>>
    %dma_start3A_209 = tpu.memref_squeeze %dma_start3A_208 : memref<1x100000xf32, #tpu.memory_space<hbm>> -> memref<100000xf32, #tpu.memory_space<hbm>>
    %dma_start3A_210 = arith.constant 0 : i32
    %dma_start3A_211 = tpu.memref_slice %dma_start3A_209[%dma_start3A_210] : memref<100000xf32, #tpu.memory_space<hbm>> -> memref<100000xf32, #tpu.memory_space<hbm>>
    tpu.enqueue_indirect_dma source(%dma_start3A_211 : memref<100000xf32, #tpu.memory_space<hbm>>) target(%dma_start3A_203 : memref<128xf32, #tpu.memory_space<vmem>>) offsets(%dma_start3A_206 : memref<128xi32, #tpu.memory_space<vmem>>) semaphore(%arg11 : memref<!tpu.dma_semaphore, #tpu.memory_space<semaphore_mem>>)
    %dma_start3A_212 = arith.constant 2 : i32
    %dma_start3A_213 = arith.constant 1 : i32
    %dma_start3A_214 = arith.constant 1 : i32
    %dma_start3A_215 = arith.constant 2 : i32
    %dma_start3A_216 = arith.constant 0 : i32
    %dma_start3A_217 = tpu.memref_slice %arg9[%dma_start3A_214, %dma_start3A_215, %dma_start3A_216] : memref<4x6x128xf32, #tpu.memory_space<vmem>> -> memref<1x1x128xf32, #tpu.memory_space<vmem>>
    %dma_start3A_218 = tpu.memref_squeeze %dma_start3A_217 : memref<1x1x128xf32, #tpu.memory_space<vmem>> -> memref<128xf32, #tpu.memory_space<vmem>>
    %dma_start3A_219 = arith.constant 0 : i32
    %dma_start3A_220 = tpu.memref_slice %arg7[%dma_start3A_213, %dma_start3A_219] : memref<4x128xi32, #tpu.memory_space<vmem>> -> memref<1x128xi32, #tpu.memory_space<vmem>>
    %dma_start3A_221 = tpu.memref_squeeze %dma_start3A_220 : memref<1x128xi32, #tpu.memory_space<vmem>> -> memref<128xi32, #tpu.memory_space<vmem>>
    %dma_start3A_222 = arith.constant 0 : i32
    %dma_start3A_223 = tpu.memref_slice %arg3[%dma_start3A_212, %dma_start3A_222] : memref<6x100000xf32, #tpu.memory_space<hbm>> -> memref<1x100000xf32, #tpu.memory_space<hbm>>
    %dma_start3A_224 = tpu.memref_squeeze %dma_start3A_223 : memref<1x100000xf32, #tpu.memory_space<hbm>> -> memref<100000xf32, #tpu.memory_space<hbm>>
    %dma_start3A_225 = arith.constant 0 : i32
    %dma_start3A_226 = tpu.memref_slice %dma_start3A_224[%dma_start3A_225] : memref<100000xf32, #tpu.memory_space<hbm>> -> memref<100000xf32, #tpu.memory_space<hbm>>
    tpu.enqueue_indirect_dma source(%dma_start3A_226 : memref<100000xf32, #tpu.memory_space<hbm>>) target(%dma_start3A_218 : memref<128xf32, #tpu.memory_space<vmem>>) offsets(%dma_start3A_221 : memref<128xi32, #tpu.memory_space<vmem>>) semaphore(%arg11 : memref<!tpu.dma_semaphore, #tpu.memory_space<semaphore_mem>>)
    %dma_start3A_227 = arith.constant 3 : i32
    %dma_start3A_228 = arith.constant 1 : i32
    %dma_start3A_229 = arith.constant 1 : i32
    %dma_start3A_230 = arith.constant 3 : i32
    %dma_start3A_231 = arith.constant 0 : i32
    %dma_start3A_232 = tpu.memref_slice %arg9[%dma_start3A_229, %dma_start3A_230, %dma_start3A_231] : memref<4x6x128xf32, #tpu.memory_space<vmem>> -> memref<1x1x128xf32, #tpu.memory_space<vmem>>
    %dma_start3A_233 = tpu.memref_squeeze %dma_start3A_232 : memref<1x1x128xf32, #tpu.memory_space<vmem>> -> memref<128xf32, #tpu.memory_space<vmem>>
    %dma_start3A_234 = arith.constant 0 : i32
    %dma_start3A_235 = tpu.memref_slice %arg7[%dma_start3A_228, %dma_start3A_234] : memref<4x128xi32, #tpu.memory_space<vmem>> -> memref<1x128xi32, #tpu.memory_space<vmem>>
    %dma_start3A_236 = tpu.memref_squeeze %dma_start3A_235 : memref<1x128xi32, #tpu.memory_space<vmem>> -> memref<128xi32, #tpu.memory_space<vmem>>
    %dma_start3A_237 = arith.constant 0 : i32
    %dma_start3A_238 = tpu.memref_slice %arg3[%dma_start3A_227, %dma_start3A_237] : memref<6x100000xf32, #tpu.memory_space<hbm>> -> memref<1x100000xf32, #tpu.memory_space<hbm>>
    %dma_start3A_239 = tpu.memref_squeeze %dma_start3A_238 : memref<1x100000xf32, #tpu.memory_space<hbm>> -> memref<100000xf32, #tpu.memory_space<hbm>>
    %dma_start3A_240 = arith.constant 0 : i32
    %dma_start3A_241 = tpu.memref_slice %dma_start3A_239[%dma_start3A_240] : memref<100000xf32, #tpu.memory_space<hbm>> -> memref<100000xf32, #tpu.memory_space<hbm>>
    tpu.enqueue_indirect_dma source(%dma_start3A_241 : memref<100000xf32, #tpu.memory_space<hbm>>) target(%dma_start3A_233 : memref<128xf32, #tpu.memory_space<vmem>>) offsets(%dma_start3A_236 : memref<128xi32, #tpu.memory_space<vmem>>) semaphore(%arg11 : memref<!tpu.dma_semaphore, #tpu.memory_space<semaphore_mem>>)
    %dma_start3A_242 = arith.constant 4 : i32
    %dma_start3A_243 = arith.constant 1 : i32
    %dma_start3A_244 = arith.constant 1 : i32
    %dma_start3A_245 = arith.constant 4 : i32
    %dma_start3A_246 = arith.constant 0 : i32
    %dma_start3A_247 = tpu.memref_slice %arg9[%dma_start3A_244, %dma_start3A_245, %dma_start3A_246] : memref<4x6x128xf32, #tpu.memory_space<vmem>> -> memref<1x1x128xf32, #tpu.memory_space<vmem>>
    %dma_start3A_248 = tpu.memref_squeeze %dma_start3A_247 : memref<1x1x128xf32, #tpu.memory_space<vmem>> -> memref<128xf32, #tpu.memory_space<vmem>>
    %dma_start3A_249 = arith.constant 0 : i32
    %dma_start3A_250 = tpu.memref_slice %arg7[%dma_start3A_243, %dma_start3A_249] : memref<4x128xi32, #tpu.memory_space<vmem>> -> memref<1x128xi32, #tpu.memory_space<vmem>>
    %dma_start3A_251 = tpu.memref_squeeze %dma_start3A_250 : memref<1x128xi32, #tpu.memory_space<vmem>> -> memref<128xi32, #tpu.memory_space<vmem>>
    %dma_start3A_252 = arith.constant 0 : i32
    %dma_start3A_253 = tpu.memref_slice %arg3[%dma_start3A_242, %dma_start3A_252] : memref<6x100000xf32, #tpu.memory_space<hbm>> -> memref<1x100000xf32, #tpu.memory_space<hbm>>
    %dma_start3A_254 = tpu.memref_squeeze %dma_start3A_253 : memref<1x100000xf32, #tpu.memory_space<hbm>> -> memref<100000xf32, #tpu.memory_space<hbm>>
    %dma_start3A_255 = arith.constant 0 : i32
    %dma_start3A_256 = tpu.memref_slice %dma_start3A_254[%dma_start3A_255] : memref<100000xf32, #tpu.memory_space<hbm>> -> memref<100000xf32, #tpu.memory_space<hbm>>
    tpu.enqueue_indirect_dma source(%dma_start3A_256 : memref<100000xf32, #tpu.memory_space<hbm>>) target(%dma_start3A_248 : memref<128xf32, #tpu.memory_space<vmem>>) offsets(%dma_start3A_251 : memref<128xi32, #tpu.memory_space<vmem>>) semaphore(%arg11 : memref<!tpu.dma_semaphore, #tpu.memory_space<semaphore_mem>>)
    %dma_start3A_257 = arith.constant 5 : i32
    %dma_start3A_258 = arith.constant 1 : i32
    %dma_start3A_259 = arith.constant 1 : i32
    %dma_start3A_260 = arith.constant 5 : i32
    %dma_start3A_261 = arith.constant 0 : i32
    %dma_start3A_262 = tpu.memref_slice %arg9[%dma_start3A_259, %dma_start3A_260, %dma_start3A_261] : memref<4x6x128xf32, #tpu.memory_space<vmem>> -> memref<1x1x128xf32, #tpu.memory_space<vmem>>
    %dma_start3A_263 = tpu.memref_squeeze %dma_start3A_262 : memref<1x1x128xf32, #tpu.memory_space<vmem>> -> memref<128xf32, #tpu.memory_space<vmem>>
    %dma_start3A_264 = arith.constant 0 : i32
    %dma_start3A_265 = tpu.memref_slice %arg7[%dma_start3A_258, %dma_start3A_264] : memref<4x128xi32, #tpu.memory_space<vmem>> -> memref<1x128xi32, #tpu.memory_space<vmem>>
    %dma_start3A_266 = tpu.memref_squeeze %dma_start3A_265 : memref<1x128xi32, #tpu.memory_space<vmem>> -> memref<128xi32, #tpu.memory_space<vmem>>
    %dma_start3A_267 = arith.constant 0 : i32
    %dma_start3A_268 = tpu.memref_slice %arg3[%dma_start3A_257, %dma_start3A_267] : memref<6x100000xf32, #tpu.memory_space<hbm>> -> memref<1x100000xf32, #tpu.memory_space<hbm>>
    %dma_start3A_269 = tpu.memref_squeeze %dma_start3A_268 : memref<1x100000xf32, #tpu.memory_space<hbm>> -> memref<100000xf32, #tpu.memory_space<hbm>>
    %dma_start3A_270 = arith.constant 0 : i32
    %dma_start3A_271 = tpu.memref_slice %dma_start3A_269[%dma_start3A_270] : memref<100000xf32, #tpu.memory_space<hbm>> -> memref<100000xf32, #tpu.memory_space<hbm>>
    tpu.enqueue_indirect_dma source(%dma_start3A_271 : memref<100000xf32, #tpu.memory_space<hbm>>) target(%dma_start3A_263 : memref<128xf32, #tpu.memory_space<vmem>>) offsets(%dma_start3A_266 : memref<128xi32, #tpu.memory_space<vmem>>) semaphore(%arg11 : memref<!tpu.dma_semaphore, #tpu.memory_space<semaphore_mem>>)
    %dma_start3A_272 = arith.constant 0 : i32
    %dma_start3A_273 = arith.constant 2 : i32
    %dma_start3A_274 = arith.constant 2 : i32
    %dma_start3A_275 = arith.constant 0 : i32
    %dma_start3A_276 = arith.constant 0 : i32
    %dma_start3A_277 = tpu.memref_slice %arg8[%dma_start3A_274, %dma_start3A_275, %dma_start3A_276] : memref<4x3x128xf32, #tpu.memory_space<vmem>> -> memref<1x1x128xf32, #tpu.memory_space<vmem>>
    %dma_start3A_278 = tpu.memref_squeeze %dma_start3A_277 : memref<1x1x128xf32, #tpu.memory_space<vmem>> -> memref<128xf32, #tpu.memory_space<vmem>>
    %dma_start3A_279 = arith.constant 0 : i32
    %dma_start3A_280 = tpu.memref_slice %arg7[%dma_start3A_273, %dma_start3A_279] : memref<4x128xi32, #tpu.memory_space<vmem>> -> memref<1x128xi32, #tpu.memory_space<vmem>>
    %dma_start3A_281 = tpu.memref_squeeze %dma_start3A_280 : memref<1x128xi32, #tpu.memory_space<vmem>> -> memref<128xi32, #tpu.memory_space<vmem>>
    %dma_start3A_282 = arith.constant 0 : i32
    %dma_start3A_283 = tpu.memref_slice %arg2[%dma_start3A_272, %dma_start3A_282] : memref<3x100000xf32, #tpu.memory_space<hbm>> -> memref<1x100000xf32, #tpu.memory_space<hbm>>
    %dma_start3A_284 = tpu.memref_squeeze %dma_start3A_283 : memref<1x100000xf32, #tpu.memory_space<hbm>> -> memref<100000xf32, #tpu.memory_space<hbm>>
    %dma_start3A_285 = arith.constant 0 : i32
    %dma_start3A_286 = tpu.memref_slice %dma_start3A_284[%dma_start3A_285] : memref<100000xf32, #tpu.memory_space<hbm>> -> memref<100000xf32, #tpu.memory_space<hbm>>
    tpu.enqueue_indirect_dma source(%dma_start3A_286 : memref<100000xf32, #tpu.memory_space<hbm>>) target(%dma_start3A_278 : memref<128xf32, #tpu.memory_space<vmem>>) offsets(%dma_start3A_281 : memref<128xi32, #tpu.memory_space<vmem>>) semaphore(%arg12 : memref<!tpu.dma_semaphore, #tpu.memory_space<semaphore_mem>>)
    %dma_start3A_287 = arith.constant 1 : i32
    %dma_start3A_288 = arith.constant 2 : i32
    %dma_start3A_289 = arith.constant 2 : i32
    %dma_start3A_290 = arith.constant 1 : i32
    %dma_start3A_291 = arith.constant 0 : i32
    %dma_start3A_292 = tpu.memref_slice %arg8[%dma_start3A_289, %dma_start3A_290, %dma_start3A_291] : memref<4x3x128xf32, #tpu.memory_space<vmem>> -> memref<1x1x128xf32, #tpu.memory_space<vmem>>
    %dma_start3A_293 = tpu.memref_squeeze %dma_start3A_292 : memref<1x1x128xf32, #tpu.memory_space<vmem>> -> memref<128xf32, #tpu.memory_space<vmem>>
    %dma_start3A_294 = arith.constant 0 : i32
    %dma_start3A_295 = tpu.memref_slice %arg7[%dma_start3A_288, %dma_start3A_294] : memref<4x128xi32, #tpu.memory_space<vmem>> -> memref<1x128xi32, #tpu.memory_space<vmem>>
    %dma_start3A_296 = tpu.memref_squeeze %dma_start3A_295 : memref<1x128xi32, #tpu.memory_space<vmem>> -> memref<128xi32, #tpu.memory_space<vmem>>
    %dma_start3A_297 = arith.constant 0 : i32
    %dma_start3A_298 = tpu.memref_slice %arg2[%dma_start3A_287, %dma_start3A_297] : memref<3x100000xf32, #tpu.memory_space<hbm>> -> memref<1x100000xf32, #tpu.memory_space<hbm>>
    %dma_start3A_299 = tpu.memref_squeeze %dma_start3A_298 : memref<1x100000xf32, #tpu.memory_space<hbm>> -> memref<100000xf32, #tpu.memory_space<hbm>>
    %dma_start3A_300 = arith.constant 0 : i32
    %dma_start3A_301 = tpu.memref_slice %dma_start3A_299[%dma_start3A_300] : memref<100000xf32, #tpu.memory_space<hbm>> -> memref<100000xf32, #tpu.memory_space<hbm>>
    tpu.enqueue_indirect_dma source(%dma_start3A_301 : memref<100000xf32, #tpu.memory_space<hbm>>) target(%dma_start3A_293 : memref<128xf32, #tpu.memory_space<vmem>>) offsets(%dma_start3A_296 : memref<128xi32, #tpu.memory_space<vmem>>) semaphore(%arg12 : memref<!tpu.dma_semaphore, #tpu.memory_space<semaphore_mem>>)
    %dma_start3A_302 = arith.constant 2 : i32
    %dma_start3A_303 = arith.constant 2 : i32
    %dma_start3A_304 = arith.constant 2 : i32
    %dma_start3A_305 = arith.constant 2 : i32
    %dma_start3A_306 = arith.constant 0 : i32
    %dma_start3A_307 = tpu.memref_slice %arg8[%dma_start3A_304, %dma_start3A_305, %dma_start3A_306] : memref<4x3x128xf32, #tpu.memory_space<vmem>> -> memref<1x1x128xf32, #tpu.memory_space<vmem>>
    %dma_start3A_308 = tpu.memref_squeeze %dma_start3A_307 : memref<1x1x128xf32, #tpu.memory_space<vmem>> -> memref<128xf32, #tpu.memory_space<vmem>>
    %dma_start3A_309 = arith.constant 0 : i32
    %dma_start3A_310 = tpu.memref_slice %arg7[%dma_start3A_303, %dma_start3A_309] : memref<4x128xi32, #tpu.memory_space<vmem>> -> memref<1x128xi32, #tpu.memory_space<vmem>>
    %dma_start3A_311 = tpu.memref_squeeze %dma_start3A_310 : memref<1x128xi32, #tpu.memory_space<vmem>> -> memref<128xi32, #tpu.memory_space<vmem>>
    %dma_start3A_312 = arith.constant 0 : i32
    %dma_start3A_313 = tpu.memref_slice %arg2[%dma_start3A_302, %dma_start3A_312] : memref<3x100000xf32, #tpu.memory_space<hbm>> -> memref<1x100000xf32, #tpu.memory_space<hbm>>
    %dma_start3A_314 = tpu.memref_squeeze %dma_start3A_313 : memref<1x100000xf32, #tpu.memory_space<hbm>> -> memref<100000xf32, #tpu.memory_space<hbm>>
    %dma_start3A_315 = arith.constant 0 : i32
    %dma_start3A_316 = tpu.memref_slice %dma_start3A_314[%dma_start3A_315] : memref<100000xf32, #tpu.memory_space<hbm>> -> memref<100000xf32, #tpu.memory_space<hbm>>
    tpu.enqueue_indirect_dma source(%dma_start3A_316 : memref<100000xf32, #tpu.memory_space<hbm>>) target(%dma_start3A_308 : memref<128xf32, #tpu.memory_space<vmem>>) offsets(%dma_start3A_311 : memref<128xi32, #tpu.memory_space<vmem>>) semaphore(%arg12 : memref<!tpu.dma_semaphore, #tpu.memory_space<semaphore_mem>>)
    %dma_start3A_317 = arith.constant 0 : i32
    %dma_start3A_318 = arith.constant 2 : i32
    %dma_start3A_319 = arith.constant 2 : i32
    %dma_start3A_320 = arith.constant 0 : i32
    %dma_start3A_321 = arith.constant 0 : i32
    %dma_start3A_322 = tpu.memref_slice %arg9[%dma_start3A_319, %dma_start3A_320, %dma_start3A_321] : memref<4x6x128xf32, #tpu.memory_space<vmem>> -> memref<1x1x128xf32, #tpu.memory_space<vmem>>
    %dma_start3A_323 = tpu.memref_squeeze %dma_start3A_322 : memref<1x1x128xf32, #tpu.memory_space<vmem>> -> memref<128xf32, #tpu.memory_space<vmem>>
    %dma_start3A_324 = arith.constant 0 : i32
    %dma_start3A_325 = tpu.memref_slice %arg7[%dma_start3A_318, %dma_start3A_324] : memref<4x128xi32, #tpu.memory_space<vmem>> -> memref<1x128xi32, #tpu.memory_space<vmem>>
    %dma_start3A_326 = tpu.memref_squeeze %dma_start3A_325 : memref<1x128xi32, #tpu.memory_space<vmem>> -> memref<128xi32, #tpu.memory_space<vmem>>
    %dma_start3A_327 = arith.constant 0 : i32
    %dma_start3A_328 = tpu.memref_slice %arg3[%dma_start3A_317, %dma_start3A_327] : memref<6x100000xf32, #tpu.memory_space<hbm>> -> memref<1x100000xf32, #tpu.memory_space<hbm>>
    %dma_start3A_329 = tpu.memref_squeeze %dma_start3A_328 : memref<1x100000xf32, #tpu.memory_space<hbm>> -> memref<100000xf32, #tpu.memory_space<hbm>>
    %dma_start3A_330 = arith.constant 0 : i32
    %dma_start3A_331 = tpu.memref_slice %dma_start3A_329[%dma_start3A_330] : memref<100000xf32, #tpu.memory_space<hbm>> -> memref<100000xf32, #tpu.memory_space<hbm>>
    tpu.enqueue_indirect_dma source(%dma_start3A_331 : memref<100000xf32, #tpu.memory_space<hbm>>) target(%dma_start3A_323 : memref<128xf32, #tpu.memory_space<vmem>>) offsets(%dma_start3A_326 : memref<128xi32, #tpu.memory_space<vmem>>) semaphore(%arg12 : memref<!tpu.dma_semaphore, #tpu.memory_space<semaphore_mem>>)
    %dma_start3A_332 = arith.constant 1 : i32
    %dma_start3A_333 = arith.constant 2 : i32
    %dma_start3A_334 = arith.constant 2 : i32
    %dma_start3A_335 = arith.constant 1 : i32
    %dma_start3A_336 = arith.constant 0 : i32
    %dma_start3A_337 = tpu.memref_slice %arg9[%dma_start3A_334, %dma_start3A_335, %dma_start3A_336] : memref<4x6x128xf32, #tpu.memory_space<vmem>> -> memref<1x1x128xf32, #tpu.memory_space<vmem>>
    %dma_start3A_338 = tpu.memref_squeeze %dma_start3A_337 : memref<1x1x128xf32, #tpu.memory_space<vmem>> -> memref<128xf32, #tpu.memory_space<vmem>>
    %dma_start3A_339 = arith.constant 0 : i32
    %dma_start3A_340 = tpu.memref_slice %arg7[%dma_start3A_333, %dma_start3A_339] : memref<4x128xi32, #tpu.memory_space<vmem>> -> memref<1x128xi32, #tpu.memory_space<vmem>>
    %dma_start3A_341 = tpu.memref_squeeze %dma_start3A_340 : memref<1x128xi32, #tpu.memory_space<vmem>> -> memref<128xi32, #tpu.memory_space<vmem>>
    %dma_start3A_342 = arith.constant 0 : i32
    %dma_start3A_343 = tpu.memref_slice %arg3[%dma_start3A_332, %dma_start3A_342] : memref<6x100000xf32, #tpu.memory_space<hbm>> -> memref<1x100000xf32, #tpu.memory_space<hbm>>
    %dma_start3A_344 = tpu.memref_squeeze %dma_start3A_343 : memref<1x100000xf32, #tpu.memory_space<hbm>> -> memref<100000xf32, #tpu.memory_space<hbm>>
    %dma_start3A_345 = arith.constant 0 : i32
    %dma_start3A_346 = tpu.memref_slice %dma_start3A_344[%dma_start3A_345] : memref<100000xf32, #tpu.memory_space<hbm>> -> memref<100000xf32, #tpu.memory_space<hbm>>
    tpu.enqueue_indirect_dma source(%dma_start3A_346 : memref<100000xf32, #tpu.memory_space<hbm>>) target(%dma_start3A_338 : memref<128xf32, #tpu.memory_space<vmem>>) offsets(%dma_start3A_341 : memref<128xi32, #tpu.memory_space<vmem>>) semaphore(%arg12 : memref<!tpu.dma_semaphore, #tpu.memory_space<semaphore_mem>>)
    %dma_start3A_347 = arith.constant 2 : i32
    %dma_start3A_348 = arith.constant 2 : i32
    %dma_start3A_349 = arith.constant 2 : i32
    %dma_start3A_350 = arith.constant 2 : i32
    %dma_start3A_351 = arith.constant 0 : i32
    %dma_start3A_352 = tpu.memref_slice %arg9[%dma_start3A_349, %dma_start3A_350, %dma_start3A_351] : memref<4x6x128xf32, #tpu.memory_space<vmem>> -> memref<1x1x128xf32, #tpu.memory_space<vmem>>
    %dma_start3A_353 = tpu.memref_squeeze %dma_start3A_352 : memref<1x1x128xf32, #tpu.memory_space<vmem>> -> memref<128xf32, #tpu.memory_space<vmem>>
    %dma_start3A_354 = arith.constant 0 : i32
    %dma_start3A_355 = tpu.memref_slice %arg7[%dma_start3A_348, %dma_start3A_354] : memref<4x128xi32, #tpu.memory_space<vmem>> -> memref<1x128xi32, #tpu.memory_space<vmem>>
    %dma_start3A_356 = tpu.memref_squeeze %dma_start3A_355 : memref<1x128xi32, #tpu.memory_space<vmem>> -> memref<128xi32, #tpu.memory_space<vmem>>
    %dma_start3A_357 = arith.constant 0 : i32
    %dma_start3A_358 = tpu.memref_slice %arg3[%dma_start3A_347, %dma_start3A_357] : memref<6x100000xf32, #tpu.memory_space<hbm>> -> memref<1x100000xf32, #tpu.memory_space<hbm>>
    %dma_start3A_359 = tpu.memref_squeeze %dma_start3A_358 : memref<1x100000xf32, #tpu.memory_space<hbm>> -> memref<100000xf32, #tpu.memory_space<hbm>>
    %dma_start3A_360 = arith.constant 0 : i32
    %dma_start3A_361 = tpu.memref_slice %dma_start3A_359[%dma_start3A_360] : memref<100000xf32, #tpu.memory_space<hbm>> -> memref<100000xf32, #tpu.memory_space<hbm>>
    tpu.enqueue_indirect_dma source(%dma_start3A_361 : memref<100000xf32, #tpu.memory_space<hbm>>) target(%dma_start3A_353 : memref<128xf32, #tpu.memory_space<vmem>>) offsets(%dma_start3A_356 : memref<128xi32, #tpu.memory_space<vmem>>) semaphore(%arg12 : memref<!tpu.dma_semaphore, #tpu.memory_space<semaphore_mem>>)
    %dma_start3A_362 = arith.constant 3 : i32
    %dma_start3A_363 = arith.constant 2 : i32
    %dma_start3A_364 = arith.constant 2 : i32
    %dma_start3A_365 = arith.constant 3 : i32
    %dma_start3A_366 = arith.constant 0 : i32
    %dma_start3A_367 = tpu.memref_slice %arg9[%dma_start3A_364, %dma_start3A_365, %dma_start3A_366] : memref<4x6x128xf32, #tpu.memory_space<vmem>> -> memref<1x1x128xf32, #tpu.memory_space<vmem>>
    %dma_start3A_368 = tpu.memref_squeeze %dma_start3A_367 : memref<1x1x128xf32, #tpu.memory_space<vmem>> -> memref<128xf32, #tpu.memory_space<vmem>>
    %dma_start3A_369 = arith.constant 0 : i32
    %dma_start3A_370 = tpu.memref_slice %arg7[%dma_start3A_363, %dma_start3A_369] : memref<4x128xi32, #tpu.memory_space<vmem>> -> memref<1x128xi32, #tpu.memory_space<vmem>>
    %dma_start3A_371 = tpu.memref_squeeze %dma_start3A_370 : memref<1x128xi32, #tpu.memory_space<vmem>> -> memref<128xi32, #tpu.memory_space<vmem>>
    %dma_start3A_372 = arith.constant 0 : i32
    %dma_start3A_373 = tpu.memref_slice %arg3[%dma_start3A_362, %dma_start3A_372] : memref<6x100000xf32, #tpu.memory_space<hbm>> -> memref<1x100000xf32, #tpu.memory_space<hbm>>
    %dma_start3A_374 = tpu.memref_squeeze %dma_start3A_373 : memref<1x100000xf32, #tpu.memory_space<hbm>> -> memref<100000xf32, #tpu.memory_space<hbm>>
    %dma_start3A_375 = arith.constant 0 : i32
    %dma_start3A_376 = tpu.memref_slice %dma_start3A_374[%dma_start3A_375] : memref<100000xf32, #tpu.memory_space<hbm>> -> memref<100000xf32, #tpu.memory_space<hbm>>
    tpu.enqueue_indirect_dma source(%dma_start3A_376 : memref<100000xf32, #tpu.memory_space<hbm>>) target(%dma_start3A_368 : memref<128xf32, #tpu.memory_space<vmem>>) offsets(%dma_start3A_371 : memref<128xi32, #tpu.memory_space<vmem>>) semaphore(%arg12 : memref<!tpu.dma_semaphore, #tpu.memory_space<semaphore_mem>>)
    %dma_start3A_377 = arith.constant 4 : i32
    %dma_start3A_378 = arith.constant 2 : i32
    %dma_start3A_379 = arith.constant 2 : i32
    %dma_start3A_380 = arith.constant 4 : i32
    %dma_start3A_381 = arith.constant 0 : i32
    %dma_start3A_382 = tpu.memref_slice %arg9[%dma_start3A_379, %dma_start3A_380, %dma_start3A_381] : memref<4x6x128xf32, #tpu.memory_space<vmem>> -> memref<1x1x128xf32, #tpu.memory_space<vmem>>
    %dma_start3A_383 = tpu.memref_squeeze %dma_start3A_382 : memref<1x1x128xf32, #tpu.memory_space<vmem>> -> memref<128xf32, #tpu.memory_space<vmem>>
    %dma_start3A_384 = arith.constant 0 : i32
    %dma_start3A_385 = tpu.memref_slice %arg7[%dma_start3A_378, %dma_start3A_384] : memref<4x128xi32, #tpu.memory_space<vmem>> -> memref<1x128xi32, #tpu.memory_space<vmem>>
    %dma_start3A_386 = tpu.memref_squeeze %dma_start3A_385 : memref<1x128xi32, #tpu.memory_space<vmem>> -> memref<128xi32, #tpu.memory_space<vmem>>
    %dma_start3A_387 = arith.constant 0 : i32
    %dma_start3A_388 = tpu.memref_slice %arg3[%dma_start3A_377, %dma_start3A_387] : memref<6x100000xf32, #tpu.memory_space<hbm>> -> memref<1x100000xf32, #tpu.memory_space<hbm>>
    %dma_start3A_389 = tpu.memref_squeeze %dma_start3A_388 : memref<1x100000xf32, #tpu.memory_space<hbm>> -> memref<100000xf32, #tpu.memory_space<hbm>>
    %dma_start3A_390 = arith.constant 0 : i32
    %dma_start3A_391 = tpu.memref_slice %dma_start3A_389[%dma_start3A_390] : memref<100000xf32, #tpu.memory_space<hbm>> -> memref<100000xf32, #tpu.memory_space<hbm>>
    tpu.enqueue_indirect_dma source(%dma_start3A_391 : memref<100000xf32, #tpu.memory_space<hbm>>) target(%dma_start3A_383 : memref<128xf32, #tpu.memory_space<vmem>>) offsets(%dma_start3A_386 : memref<128xi32, #tpu.memory_space<vmem>>) semaphore(%arg12 : memref<!tpu.dma_semaphore, #tpu.memory_space<semaphore_mem>>)
    %dma_start3A_392 = arith.constant 5 : i32
    %dma_start3A_393 = arith.constant 2 : i32
    %dma_start3A_394 = arith.constant 2 : i32
    %dma_start3A_395 = arith.constant 5 : i32
    %dma_start3A_396 = arith.constant 0 : i32
    %dma_start3A_397 = tpu.memref_slice %arg9[%dma_start3A_394, %dma_start3A_395, %dma_start3A_396] : memref<4x6x128xf32, #tpu.memory_space<vmem>> -> memref<1x1x128xf32, #tpu.memory_space<vmem>>
    %dma_start3A_398 = tpu.memref_squeeze %dma_start3A_397 : memref<1x1x128xf32, #tpu.memory_space<vmem>> -> memref<128xf32, #tpu.memory_space<vmem>>
    %dma_start3A_399 = arith.constant 0 : i32
    %dma_start3A_400 = tpu.memref_slice %arg7[%dma_start3A_393, %dma_start3A_399] : memref<4x128xi32, #tpu.memory_space<vmem>> -> memref<1x128xi32, #tpu.memory_space<vmem>>
    %dma_start3A_401 = tpu.memref_squeeze %dma_start3A_400 : memref<1x128xi32, #tpu.memory_space<vmem>> -> memref<128xi32, #tpu.memory_space<vmem>>
    %dma_start3A_402 = arith.constant 0 : i32
    %dma_start3A_403 = tpu.memref_slice %arg3[%dma_start3A_392, %dma_start3A_402] : memref<6x100000xf32, #tpu.memory_space<hbm>> -> memref<1x100000xf32, #tpu.memory_space<hbm>>
    %dma_start3A_404 = tpu.memref_squeeze %dma_start3A_403 : memref<1x100000xf32, #tpu.memory_space<hbm>> -> memref<100000xf32, #tpu.memory_space<hbm>>
    %dma_start3A_405 = arith.constant 0 : i32
    %dma_start3A_406 = tpu.memref_slice %dma_start3A_404[%dma_start3A_405] : memref<100000xf32, #tpu.memory_space<hbm>> -> memref<100000xf32, #tpu.memory_space<hbm>>
    tpu.enqueue_indirect_dma source(%dma_start3A_406 : memref<100000xf32, #tpu.memory_space<hbm>>) target(%dma_start3A_398 : memref<128xf32, #tpu.memory_space<vmem>>) offsets(%dma_start3A_401 : memref<128xi32, #tpu.memory_space<vmem>>) semaphore(%arg12 : memref<!tpu.dma_semaphore, #tpu.memory_space<semaphore_mem>>)
    %dma_start3A_407 = arith.constant 0 : i32
    %dma_start3A_408 = arith.constant 3 : i32
    %dma_start3A_409 = arith.constant 3 : i32
    %dma_start3A_410 = arith.constant 0 : i32
    %dma_start3A_411 = arith.constant 0 : i32
    %dma_start3A_412 = tpu.memref_slice %arg8[%dma_start3A_409, %dma_start3A_410, %dma_start3A_411] : memref<4x3x128xf32, #tpu.memory_space<vmem>> -> memref<1x1x128xf32, #tpu.memory_space<vmem>>
    %dma_start3A_413 = tpu.memref_squeeze %dma_start3A_412 : memref<1x1x128xf32, #tpu.memory_space<vmem>> -> memref<128xf32, #tpu.memory_space<vmem>>
    %dma_start3A_414 = arith.constant 0 : i32
    %dma_start3A_415 = tpu.memref_slice %arg7[%dma_start3A_408, %dma_start3A_414] : memref<4x128xi32, #tpu.memory_space<vmem>> -> memref<1x128xi32, #tpu.memory_space<vmem>>
    %dma_start3A_416 = tpu.memref_squeeze %dma_start3A_415 : memref<1x128xi32, #tpu.memory_space<vmem>> -> memref<128xi32, #tpu.memory_space<vmem>>
    %dma_start3A_417 = arith.constant 0 : i32
    %dma_start3A_418 = tpu.memref_slice %arg2[%dma_start3A_407, %dma_start3A_417] : memref<3x100000xf32, #tpu.memory_space<hbm>> -> memref<1x100000xf32, #tpu.memory_space<hbm>>
    %dma_start3A_419 = tpu.memref_squeeze %dma_start3A_418 : memref<1x100000xf32, #tpu.memory_space<hbm>> -> memref<100000xf32, #tpu.memory_space<hbm>>
    %dma_start3A_420 = arith.constant 0 : i32
    %dma_start3A_421 = tpu.memref_slice %dma_start3A_419[%dma_start3A_420] : memref<100000xf32, #tpu.memory_space<hbm>> -> memref<100000xf32, #tpu.memory_space<hbm>>
    tpu.enqueue_indirect_dma source(%dma_start3A_421 : memref<100000xf32, #tpu.memory_space<hbm>>) target(%dma_start3A_413 : memref<128xf32, #tpu.memory_space<vmem>>) offsets(%dma_start3A_416 : memref<128xi32, #tpu.memory_space<vmem>>) semaphore(%arg13 : memref<!tpu.dma_semaphore, #tpu.memory_space<semaphore_mem>>)
    %dma_start3A_422 = arith.constant 1 : i32
    %dma_start3A_423 = arith.constant 3 : i32
    %dma_start3A_424 = arith.constant 3 : i32
    %dma_start3A_425 = arith.constant 1 : i32
    %dma_start3A_426 = arith.constant 0 : i32
    %dma_start3A_427 = tpu.memref_slice %arg8[%dma_start3A_424, %dma_start3A_425, %dma_start3A_426] : memref<4x3x128xf32, #tpu.memory_space<vmem>> -> memref<1x1x128xf32, #tpu.memory_space<vmem>>
    %dma_start3A_428 = tpu.memref_squeeze %dma_start3A_427 : memref<1x1x128xf32, #tpu.memory_space<vmem>> -> memref<128xf32, #tpu.memory_space<vmem>>
    %dma_start3A_429 = arith.constant 0 : i32
    %dma_start3A_430 = tpu.memref_slice %arg7[%dma_start3A_423, %dma_start3A_429] : memref<4x128xi32, #tpu.memory_space<vmem>> -> memref<1x128xi32, #tpu.memory_space<vmem>>
    %dma_start3A_431 = tpu.memref_squeeze %dma_start3A_430 : memref<1x128xi32, #tpu.memory_space<vmem>> -> memref<128xi32, #tpu.memory_space<vmem>>
    %dma_start3A_432 = arith.constant 0 : i32
    %dma_start3A_433 = tpu.memref_slice %arg2[%dma_start3A_422, %dma_start3A_432] : memref<3x100000xf32, #tpu.memory_space<hbm>> -> memref<1x100000xf32, #tpu.memory_space<hbm>>
    %dma_start3A_434 = tpu.memref_squeeze %dma_start3A_433 : memref<1x100000xf32, #tpu.memory_space<hbm>> -> memref<100000xf32, #tpu.memory_space<hbm>>
    %dma_start3A_435 = arith.constant 0 : i32
    %dma_start3A_436 = tpu.memref_slice %dma_start3A_434[%dma_start3A_435] : memref<100000xf32, #tpu.memory_space<hbm>> -> memref<100000xf32, #tpu.memory_space<hbm>>
    tpu.enqueue_indirect_dma source(%dma_start3A_436 : memref<100000xf32, #tpu.memory_space<hbm>>) target(%dma_start3A_428 : memref<128xf32, #tpu.memory_space<vmem>>) offsets(%dma_start3A_431 : memref<128xi32, #tpu.memory_space<vmem>>) semaphore(%arg13 : memref<!tpu.dma_semaphore, #tpu.memory_space<semaphore_mem>>)
    %dma_start3A_437 = arith.constant 2 : i32
    %dma_start3A_438 = arith.constant 3 : i32
    %dma_start3A_439 = arith.constant 3 : i32
    %dma_start3A_440 = arith.constant 2 : i32
    %dma_start3A_441 = arith.constant 0 : i32
    %dma_start3A_442 = tpu.memref_slice %arg8[%dma_start3A_439, %dma_start3A_440, %dma_start3A_441] : memref<4x3x128xf32, #tpu.memory_space<vmem>> -> memref<1x1x128xf32, #tpu.memory_space<vmem>>
    %dma_start3A_443 = tpu.memref_squeeze %dma_start3A_442 : memref<1x1x128xf32, #tpu.memory_space<vmem>> -> memref<128xf32, #tpu.memory_space<vmem>>
    %dma_start3A_444 = arith.constant 0 : i32
    %dma_start3A_445 = tpu.memref_slice %arg7[%dma_start3A_438, %dma_start3A_444] : memref<4x128xi32, #tpu.memory_space<vmem>> -> memref<1x128xi32, #tpu.memory_space<vmem>>
    %dma_start3A_446 = tpu.memref_squeeze %dma_start3A_445 : memref<1x128xi32, #tpu.memory_space<vmem>> -> memref<128xi32, #tpu.memory_space<vmem>>
    %dma_start3A_447 = arith.constant 0 : i32
    %dma_start3A_448 = tpu.memref_slice %arg2[%dma_start3A_437, %dma_start3A_447] : memref<3x100000xf32, #tpu.memory_space<hbm>> -> memref<1x100000xf32, #tpu.memory_space<hbm>>
    %dma_start3A_449 = tpu.memref_squeeze %dma_start3A_448 : memref<1x100000xf32, #tpu.memory_space<hbm>> -> memref<100000xf32, #tpu.memory_space<hbm>>
    %dma_start3A_450 = arith.constant 0 : i32
    %dma_start3A_451 = tpu.memref_slice %dma_start3A_449[%dma_start3A_450] : memref<100000xf32, #tpu.memory_space<hbm>> -> memref<100000xf32, #tpu.memory_space<hbm>>
    tpu.enqueue_indirect_dma source(%dma_start3A_451 : memref<100000xf32, #tpu.memory_space<hbm>>) target(%dma_start3A_443 : memref<128xf32, #tpu.memory_space<vmem>>) offsets(%dma_start3A_446 : memref<128xi32, #tpu.memory_space<vmem>>) semaphore(%arg13 : memref<!tpu.dma_semaphore, #tpu.memory_space<semaphore_mem>>)
    %dma_start3A_452 = arith.constant 0 : i32
    %dma_start3A_453 = arith.constant 3 : i32
    %dma_start3A_454 = arith.constant 3 : i32
    %dma_start3A_455 = arith.constant 0 : i32
    %dma_start3A_456 = arith.constant 0 : i32
    %dma_start3A_457 = tpu.memref_slice %arg9[%dma_start3A_454, %dma_start3A_455, %dma_start3A_456] : memref<4x6x128xf32, #tpu.memory_space<vmem>> -> memref<1x1x128xf32, #tpu.memory_space<vmem>>
    %dma_start3A_458 = tpu.memref_squeeze %dma_start3A_457 : memref<1x1x128xf32, #tpu.memory_space<vmem>> -> memref<128xf32, #tpu.memory_space<vmem>>
    %dma_start3A_459 = arith.constant 0 : i32
    %dma_start3A_460 = tpu.memref_slice %arg7[%dma_start3A_453, %dma_start3A_459] : memref<4x128xi32, #tpu.memory_space<vmem>> -> memref<1x128xi32, #tpu.memory_space<vmem>>
    %dma_start3A_461 = tpu.memref_squeeze %dma_start3A_460 : memref<1x128xi32, #tpu.memory_space<vmem>> -> memref<128xi32, #tpu.memory_space<vmem>>
    %dma_start3A_462 = arith.constant 0 : i32
    %dma_start3A_463 = tpu.memref_slice %arg3[%dma_start3A_452, %dma_start3A_462] : memref<6x100000xf32, #tpu.memory_space<hbm>> -> memref<1x100000xf32, #tpu.memory_space<hbm>>
    %dma_start3A_464 = tpu.memref_squeeze %dma_start3A_463 : memref<1x100000xf32, #tpu.memory_space<hbm>> -> memref<100000xf32, #tpu.memory_space<hbm>>
    %dma_start3A_465 = arith.constant 0 : i32
    %dma_start3A_466 = tpu.memref_slice %dma_start3A_464[%dma_start3A_465] : memref<100000xf32, #tpu.memory_space<hbm>> -> memref<100000xf32, #tpu.memory_space<hbm>>
    tpu.enqueue_indirect_dma source(%dma_start3A_466 : memref<100000xf32, #tpu.memory_space<hbm>>) target(%dma_start3A_458 : memref<128xf32, #tpu.memory_space<vmem>>) offsets(%dma_start3A_461 : memref<128xi32, #tpu.memory_space<vmem>>) semaphore(%arg13 : memref<!tpu.dma_semaphore, #tpu.memory_space<semaphore_mem>>)
    %dma_start3A_467 = arith.constant 1 : i32
    %dma_start3A_468 = arith.constant 3 : i32
    %dma_start3A_469 = arith.constant 3 : i32
    %dma_start3A_470 = arith.constant 1 : i32
    %dma_start3A_471 = arith.constant 0 : i32
    %dma_start3A_472 = tpu.memref_slice %arg9[%dma_start3A_469, %dma_start3A_470, %dma_start3A_471] : memref<4x6x128xf32, #tpu.memory_space<vmem>> -> memref<1x1x128xf32, #tpu.memory_space<vmem>>
    %dma_start3A_473 = tpu.memref_squeeze %dma_start3A_472 : memref<1x1x128xf32, #tpu.memory_space<vmem>> -> memref<128xf32, #tpu.memory_space<vmem>>
    %dma_start3A_474 = arith.constant 0 : i32
    %dma_start3A_475 = tpu.memref_slice %arg7[%dma_start3A_468, %dma_start3A_474] : memref<4x128xi32, #tpu.memory_space<vmem>> -> memref<1x128xi32, #tpu.memory_space<vmem>>
    %dma_start3A_476 = tpu.memref_squeeze %dma_start3A_475 : memref<1x128xi32, #tpu.memory_space<vmem>> -> memref<128xi32, #tpu.memory_space<vmem>>
    %dma_start3A_477 = arith.constant 0 : i32
    %dma_start3A_478 = tpu.memref_slice %arg3[%dma_start3A_467, %dma_start3A_477] : memref<6x100000xf32, #tpu.memory_space<hbm>> -> memref<1x100000xf32, #tpu.memory_space<hbm>>
    %dma_start3A_479 = tpu.memref_squeeze %dma_start3A_478 : memref<1x100000xf32, #tpu.memory_space<hbm>> -> memref<100000xf32, #tpu.memory_space<hbm>>
    %dma_start3A_480 = arith.constant 0 : i32
    %dma_start3A_481 = tpu.memref_slice %dma_start3A_479[%dma_start3A_480] : memref<100000xf32, #tpu.memory_space<hbm>> -> memref<100000xf32, #tpu.memory_space<hbm>>
    tpu.enqueue_indirect_dma source(%dma_start3A_481 : memref<100000xf32, #tpu.memory_space<hbm>>) target(%dma_start3A_473 : memref<128xf32, #tpu.memory_space<vmem>>) offsets(%dma_start3A_476 : memref<128xi32, #tpu.memory_space<vmem>>) semaphore(%arg13 : memref<!tpu.dma_semaphore, #tpu.memory_space<semaphore_mem>>)
    %dma_start3A_482 = arith.constant 2 : i32
    %dma_start3A_483 = arith.constant 3 : i32
    %dma_start3A_484 = arith.constant 3 : i32
    %dma_start3A_485 = arith.constant 2 : i32
    %dma_start3A_486 = arith.constant 0 : i32
    %dma_start3A_487 = tpu.memref_slice %arg9[%dma_start3A_484, %dma_start3A_485, %dma_start3A_486] : memref<4x6x128xf32, #tpu.memory_space<vmem>> -> memref<1x1x128xf32, #tpu.memory_space<vmem>>
    %dma_start3A_488 = tpu.memref_squeeze %dma_start3A_487 : memref<1x1x128xf32, #tpu.memory_space<vmem>> -> memref<128xf32, #tpu.memory_space<vmem>>
    %dma_start3A_489 = arith.constant 0 : i32
    %dma_start3A_490 = tpu.memref_slice %arg7[%dma_start3A_483, %dma_start3A_489] : memref<4x128xi32, #tpu.memory_space<vmem>> -> memref<1x128xi32, #tpu.memory_space<vmem>>
    %dma_start3A_491 = tpu.memref_squeeze %dma_start3A_490 : memref<1x128xi32, #tpu.memory_space<vmem>> -> memref<128xi32, #tpu.memory_space<vmem>>
    %dma_start3A_492 = arith.constant 0 : i32
    %dma_start3A_493 = tpu.memref_slice %arg3[%dma_start3A_482, %dma_start3A_492] : memref<6x100000xf32, #tpu.memory_space<hbm>> -> memref<1x100000xf32, #tpu.memory_space<hbm>>
    %dma_start3A_494 = tpu.memref_squeeze %dma_start3A_493 : memref<1x100000xf32, #tpu.memory_space<hbm>> -> memref<100000xf32, #tpu.memory_space<hbm>>
    %dma_start3A_495 = arith.constant 0 : i32
    %dma_start3A_496 = tpu.memref_slice %dma_start3A_494[%dma_start3A_495] : memref<100000xf32, #tpu.memory_space<hbm>> -> memref<100000xf32, #tpu.memory_space<hbm>>
    tpu.enqueue_indirect_dma source(%dma_start3A_496 : memref<100000xf32, #tpu.memory_space<hbm>>) target(%dma_start3A_488 : memref<128xf32, #tpu.memory_space<vmem>>) offsets(%dma_start3A_491 : memref<128xi32, #tpu.memory_space<vmem>>) semaphore(%arg13 : memref<!tpu.dma_semaphore, #tpu.memory_space<semaphore_mem>>)
    %dma_start3A_497 = arith.constant 3 : i32
    %dma_start3A_498 = arith.constant 3 : i32
    %dma_start3A_499 = arith.constant 3 : i32
    %dma_start3A_500 = arith.constant 3 : i32
    %dma_start3A_501 = arith.constant 0 : i32
    %dma_start3A_502 = tpu.memref_slice %arg9[%dma_start3A_499, %dma_start3A_500, %dma_start3A_501] : memref<4x6x128xf32, #tpu.memory_space<vmem>> -> memref<1x1x128xf32, #tpu.memory_space<vmem>>
    %dma_start3A_503 = tpu.memref_squeeze %dma_start3A_502 : memref<1x1x128xf32, #tpu.memory_space<vmem>> -> memref<128xf32, #tpu.memory_space<vmem>>
    %dma_start3A_504 = arith.constant 0 : i32
    %dma_start3A_505 = tpu.memref_slice %arg7[%dma_start3A_498, %dma_start3A_504] : memref<4x128xi32, #tpu.memory_space<vmem>> -> memref<1x128xi32, #tpu.memory_space<vmem>>
    %dma_start3A_506 = tpu.memref_squeeze %dma_start3A_505 : memref<1x128xi32, #tpu.memory_space<vmem>> -> memref<128xi32, #tpu.memory_space<vmem>>
    %dma_start3A_507 = arith.constant 0 : i32
    %dma_start3A_508 = tpu.memref_slice %arg3[%dma_start3A_497, %dma_start3A_507] : memref<6x100000xf32, #tpu.memory_space<hbm>> -> memref<1x100000xf32, #tpu.memory_space<hbm>>
    %dma_start3A_509 = tpu.memref_squeeze %dma_start3A_508 : memref<1x100000xf32, #tpu.memory_space<hbm>> -> memref<100000xf32, #tpu.memory_space<hbm>>
    %dma_start3A_510 = arith.constant 0 : i32
    %dma_start3A_511 = tpu.memref_slice %dma_start3A_509[%dma_start3A_510] : memref<100000xf32, #tpu.memory_space<hbm>> -> memref<100000xf32, #tpu.memory_space<hbm>>
    tpu.enqueue_indirect_dma source(%dma_start3A_511 : memref<100000xf32, #tpu.memory_space<hbm>>) target(%dma_start3A_503 : memref<128xf32, #tpu.memory_space<vmem>>) offsets(%dma_start3A_506 : memref<128xi32, #tpu.memory_space<vmem>>) semaphore(%arg13 : memref<!tpu.dma_semaphore, #tpu.memory_space<semaphore_mem>>)
    %dma_start3A_512 = arith.constant 4 : i32
    %dma_start3A_513 = arith.constant 3 : i32
    %dma_start3A_514 = arith.constant 3 : i32
    %dma_start3A_515 = arith.constant 4 : i32
    %dma_start3A_516 = arith.constant 0 : i32
    %dma_start3A_517 = tpu.memref_slice %arg9[%dma_start3A_514, %dma_start3A_515, %dma_start3A_516] : memref<4x6x128xf32, #tpu.memory_space<vmem>> -> memref<1x1x128xf32, #tpu.memory_space<vmem>>
    %dma_start3A_518 = tpu.memref_squeeze %dma_start3A_517 : memref<1x1x128xf32, #tpu.memory_space<vmem>> -> memref<128xf32, #tpu.memory_space<vmem>>
    %dma_start3A_519 = arith.constant 0 : i32
    %dma_start3A_520 = tpu.memref_slice %arg7[%dma_start3A_513, %dma_start3A_519] : memref<4x128xi32, #tpu.memory_space<vmem>> -> memref<1x128xi32, #tpu.memory_space<vmem>>
    %dma_start3A_521 = tpu.memref_squeeze %dma_start3A_520 : memref<1x128xi32, #tpu.memory_space<vmem>> -> memref<128xi32, #tpu.memory_space<vmem>>
    %dma_start3A_522 = arith.constant 0 : i32
    %dma_start3A_523 = tpu.memref_slice %arg3[%dma_start3A_512, %dma_start3A_522] : memref<6x100000xf32, #tpu.memory_space<hbm>> -> memref<1x100000xf32, #tpu.memory_space<hbm>>
    %dma_start3A_524 = tpu.memref_squeeze %dma_start3A_523 : memref<1x100000xf32, #tpu.memory_space<hbm>> -> memref<100000xf32, #tpu.memory_space<hbm>>
    %dma_start3A_525 = arith.constant 0 : i32
    %dma_start3A_526 = tpu.memref_slice %dma_start3A_524[%dma_start3A_525] : memref<100000xf32, #tpu.memory_space<hbm>> -> memref<100000xf32, #tpu.memory_space<hbm>>
    tpu.enqueue_indirect_dma source(%dma_start3A_526 : memref<100000xf32, #tpu.memory_space<hbm>>) target(%dma_start3A_518 : memref<128xf32, #tpu.memory_space<vmem>>) offsets(%dma_start3A_521 : memref<128xi32, #tpu.memory_space<vmem>>) semaphore(%arg13 : memref<!tpu.dma_semaphore, #tpu.memory_space<semaphore_mem>>)
    %dma_start3A_527 = arith.constant 5 : i32
    %dma_start3A_528 = arith.constant 3 : i32
    %dma_start3A_529 = arith.constant 3 : i32
    %dma_start3A_530 = arith.constant 5 : i32
    %dma_start3A_531 = arith.constant 0 : i32
    %dma_start3A_532 = tpu.memref_slice %arg9[%dma_start3A_529, %dma_start3A_530, %dma_start3A_531] : memref<4x6x128xf32, #tpu.memory_space<vmem>> -> memref<1x1x128xf32, #tpu.memory_space<vmem>>
    %dma_start3A_533 = tpu.memref_squeeze %dma_start3A_532 : memref<1x1x128xf32, #tpu.memory_space<vmem>> -> memref<128xf32, #tpu.memory_space<vmem>>
    %dma_start3A_534 = arith.constant 0 : i32
    %dma_start3A_535 = tpu.memref_slice %arg7[%dma_start3A_528, %dma_start3A_534] : memref<4x128xi32, #tpu.memory_space<vmem>> -> memref<1x128xi32, #tpu.memory_space<vmem>>
    %dma_start3A_536 = tpu.memref_squeeze %dma_start3A_535 : memref<1x128xi32, #tpu.memory_space<vmem>> -> memref<128xi32, #tpu.memory_space<vmem>>
    %dma_start3A_537 = arith.constant 0 : i32
    %dma_start3A_538 = tpu.memref_slice %arg3[%dma_start3A_527, %dma_start3A_537] : memref<6x100000xf32, #tpu.memory_space<hbm>> -> memref<1x100000xf32, #tpu.memory_space<hbm>>
    %dma_start3A_539 = tpu.memref_squeeze %dma_start3A_538 : memref<1x100000xf32, #tpu.memory_space<hbm>> -> memref<100000xf32, #tpu.memory_space<hbm>>
    %dma_start3A_540 = arith.constant 0 : i32
    %dma_start3A_541 = tpu.memref_slice %dma_start3A_539[%dma_start3A_540] : memref<100000xf32, #tpu.memory_space<hbm>> -> memref<100000xf32, #tpu.memory_space<hbm>>
    tpu.enqueue_indirect_dma source(%dma_start3A_541 : memref<100000xf32, #tpu.memory_space<hbm>>) target(%dma_start3A_533 : memref<128xf32, #tpu.memory_space<vmem>>) offsets(%dma_start3A_536 : memref<128xi32, #tpu.memory_space<vmem>>) semaphore(%arg13 : memref<!tpu.dma_semaphore, #tpu.memory_space<semaphore_mem>>)
    %dma_wait3A = arith.constant 0 : i32
    %dma_wait3A_542 = arith.constant 0 : i32
    %dma_wait3A_543 = arith.constant 0 : i32
    %dma_wait3A_544 = arith.constant 0 : i32
    %dma_wait3A_545 = arith.constant 0 : i32
    %dma_wait3A_546 = tpu.memref_slice %arg8[%dma_wait3A_543, %dma_wait3A_544, %dma_wait3A_545] : memref<4x3x128xf32, #tpu.memory_space<vmem>> -> memref<1x1x128xf32, #tpu.memory_space<vmem>>
    %dma_wait3A_547 = tpu.memref_squeeze %dma_wait3A_546 : memref<1x1x128xf32, #tpu.memory_space<vmem>> -> memref<128xf32, #tpu.memory_space<vmem>>
    %dma_wait3A_548 = arith.constant 0 : i32
    %dma_wait3A_549 = tpu.memref_slice %arg7[%dma_wait3A_542, %dma_wait3A_548] : memref<4x128xi32, #tpu.memory_space<vmem>> -> memref<1x128xi32, #tpu.memory_space<vmem>>
    %dma_wait3A_550 = tpu.memref_squeeze %dma_wait3A_549 : memref<1x128xi32, #tpu.memory_space<vmem>> -> memref<128xi32, #tpu.memory_space<vmem>>
    %dma_wait3A_551 = arith.constant 0 : i32
    %dma_wait3A_552 = tpu.memref_slice %arg2[%dma_wait3A, %dma_wait3A_551] : memref<3x100000xf32, #tpu.memory_space<hbm>> -> memref<1x100000xf32, #tpu.memory_space<hbm>>
    %dma_wait3A_553 = tpu.memref_squeeze %dma_wait3A_552 : memref<1x100000xf32, #tpu.memory_space<hbm>> -> memref<100000xf32, #tpu.memory_space<hbm>>
    %dma_wait3A_554 = arith.constant 0 : i32
    %dma_wait3A_555 = tpu.memref_slice %dma_wait3A_553[%dma_wait3A_554] : memref<100000xf32, #tpu.memory_space<hbm>> -> memref<100000xf32, #tpu.memory_space<hbm>>
    tpu.wait_indirect_dma semaphore(%arg10 : memref<!tpu.dma_semaphore, #tpu.memory_space<semaphore_mem>>) src(%dma_wait3A_555 : memref<100000xf32, #tpu.memory_space<hbm>>) dst(%dma_wait3A_547 : memref<128xf32, #tpu.memory_space<vmem>>)
    %dma_wait3A_556 = arith.constant 1 : i32
    %dma_wait3A_557 = arith.constant 0 : i32
    %dma_wait3A_558 = arith.constant 0 : i32
    %dma_wait3A_559 = arith.constant 1 : i32
    %dma_wait3A_560 = arith.constant 0 : i32
    %dma_wait3A_561 = tpu.memref_slice %arg8[%dma_wait3A_558, %dma_wait3A_559, %dma_wait3A_560] : memref<4x3x128xf32, #tpu.memory_space<vmem>> -> memref<1x1x128xf32, #tpu.memory_space<vmem>>
    %dma_wait3A_562 = tpu.memref_squeeze %dma_wait3A_561 : memref<1x1x128xf32, #tpu.memory_space<vmem>> -> memref<128xf32, #tpu.memory_space<vmem>>
    %dma_wait3A_563 = arith.constant 0 : i32
    %dma_wait3A_564 = tpu.memref_slice %arg7[%dma_wait3A_557, %dma_wait3A_563] : memref<4x128xi32, #tpu.memory_space<vmem>> -> memref<1x128xi32, #tpu.memory_space<vmem>>
    %dma_wait3A_565 = tpu.memref_squeeze %dma_wait3A_564 : memref<1x128xi32, #tpu.memory_space<vmem>> -> memref<128xi32, #tpu.memory_space<vmem>>
    %dma_wait3A_566 = arith.constant 0 : i32
    %dma_wait3A_567 = tpu.memref_slice %arg2[%dma_wait3A_556, %dma_wait3A_566] : memref<3x100000xf32, #tpu.memory_space<hbm>> -> memref<1x100000xf32, #tpu.memory_space<hbm>>
    %dma_wait3A_568 = tpu.memref_squeeze %dma_wait3A_567 : memref<1x100000xf32, #tpu.memory_space<hbm>> -> memref<100000xf32, #tpu.memory_space<hbm>>
    %dma_wait3A_569 = arith.constant 0 : i32
    %dma_wait3A_570 = tpu.memref_slice %dma_wait3A_568[%dma_wait3A_569] : memref<100000xf32, #tpu.memory_space<hbm>> -> memref<100000xf32, #tpu.memory_space<hbm>>
    tpu.wait_indirect_dma semaphore(%arg10 : memref<!tpu.dma_semaphore, #tpu.memory_space<semaphore_mem>>) src(%dma_wait3A_570 : memref<100000xf32, #tpu.memory_space<hbm>>) dst(%dma_wait3A_562 : memref<128xf32, #tpu.memory_space<vmem>>)
    %dma_wait3A_571 = arith.constant 2 : i32
    %dma_wait3A_572 = arith.constant 0 : i32
    %dma_wait3A_573 = arith.constant 0 : i32
    %dma_wait3A_574 = arith.constant 2 : i32
    %dma_wait3A_575 = arith.constant 0 : i32
    %dma_wait3A_576 = tpu.memref_slice %arg8[%dma_wait3A_573, %dma_wait3A_574, %dma_wait3A_575] : memref<4x3x128xf32, #tpu.memory_space<vmem>> -> memref<1x1x128xf32, #tpu.memory_space<vmem>>
    %dma_wait3A_577 = tpu.memref_squeeze %dma_wait3A_576 : memref<1x1x128xf32, #tpu.memory_space<vmem>> -> memref<128xf32, #tpu.memory_space<vmem>>
    %dma_wait3A_578 = arith.constant 0 : i32
    %dma_wait3A_579 = tpu.memref_slice %arg7[%dma_wait3A_572, %dma_wait3A_578] : memref<4x128xi32, #tpu.memory_space<vmem>> -> memref<1x128xi32, #tpu.memory_space<vmem>>
    %dma_wait3A_580 = tpu.memref_squeeze %dma_wait3A_579 : memref<1x128xi32, #tpu.memory_space<vmem>> -> memref<128xi32, #tpu.memory_space<vmem>>
    %dma_wait3A_581 = arith.constant 0 : i32
    %dma_wait3A_582 = tpu.memref_slice %arg2[%dma_wait3A_571, %dma_wait3A_581] : memref<3x100000xf32, #tpu.memory_space<hbm>> -> memref<1x100000xf32, #tpu.memory_space<hbm>>
    %dma_wait3A_583 = tpu.memref_squeeze %dma_wait3A_582 : memref<1x100000xf32, #tpu.memory_space<hbm>> -> memref<100000xf32, #tpu.memory_space<hbm>>
    %dma_wait3A_584 = arith.constant 0 : i32
    %dma_wait3A_585 = tpu.memref_slice %dma_wait3A_583[%dma_wait3A_584] : memref<100000xf32, #tpu.memory_space<hbm>> -> memref<100000xf32, #tpu.memory_space<hbm>>
    tpu.wait_indirect_dma semaphore(%arg10 : memref<!tpu.dma_semaphore, #tpu.memory_space<semaphore_mem>>) src(%dma_wait3A_585 : memref<100000xf32, #tpu.memory_space<hbm>>) dst(%dma_wait3A_577 : memref<128xf32, #tpu.memory_space<vmem>>)
    %dma_wait3A_586 = arith.constant 0 : i32
    %dma_wait3A_587 = arith.constant 0 : i32
    %dma_wait3A_588 = arith.constant 0 : i32
    %dma_wait3A_589 = arith.constant 0 : i32
    %dma_wait3A_590 = arith.constant 0 : i32
    %dma_wait3A_591 = tpu.memref_slice %arg9[%dma_wait3A_588, %dma_wait3A_589, %dma_wait3A_590] : memref<4x6x128xf32, #tpu.memory_space<vmem>> -> memref<1x1x128xf32, #tpu.memory_space<vmem>>
    %dma_wait3A_592 = tpu.memref_squeeze %dma_wait3A_591 : memref<1x1x128xf32, #tpu.memory_space<vmem>> -> memref<128xf32, #tpu.memory_space<vmem>>
    %dma_wait3A_593 = arith.constant 0 : i32
    %dma_wait3A_594 = tpu.memref_slice %arg7[%dma_wait3A_587, %dma_wait3A_593] : memref<4x128xi32, #tpu.memory_space<vmem>> -> memref<1x128xi32, #tpu.memory_space<vmem>>
    %dma_wait3A_595 = tpu.memref_squeeze %dma_wait3A_594 : memref<1x128xi32, #tpu.memory_space<vmem>> -> memref<128xi32, #tpu.memory_space<vmem>>
    %dma_wait3A_596 = arith.constant 0 : i32
    %dma_wait3A_597 = tpu.memref_slice %arg3[%dma_wait3A_586, %dma_wait3A_596] : memref<6x100000xf32, #tpu.memory_space<hbm>> -> memref<1x100000xf32, #tpu.memory_space<hbm>>
    %dma_wait3A_598 = tpu.memref_squeeze %dma_wait3A_597 : memref<1x100000xf32, #tpu.memory_space<hbm>> -> memref<100000xf32, #tpu.memory_space<hbm>>
    %dma_wait3A_599 = arith.constant 0 : i32
    %dma_wait3A_600 = tpu.memref_slice %dma_wait3A_598[%dma_wait3A_599] : memref<100000xf32, #tpu.memory_space<hbm>> -> memref<100000xf32, #tpu.memory_space<hbm>>
    tpu.wait_indirect_dma semaphore(%arg10 : memref<!tpu.dma_semaphore, #tpu.memory_space<semaphore_mem>>) src(%dma_wait3A_600 : memref<100000xf32, #tpu.memory_space<hbm>>) dst(%dma_wait3A_592 : memref<128xf32, #tpu.memory_space<vmem>>)
    %dma_wait3A_601 = arith.constant 1 : i32
    %dma_wait3A_602 = arith.constant 0 : i32
    %dma_wait3A_603 = arith.constant 0 : i32
    %dma_wait3A_604 = arith.constant 1 : i32
    %dma_wait3A_605 = arith.constant 0 : i32
    %dma_wait3A_606 = tpu.memref_slice %arg9[%dma_wait3A_603, %dma_wait3A_604, %dma_wait3A_605] : memref<4x6x128xf32, #tpu.memory_space<vmem>> -> memref<1x1x128xf32, #tpu.memory_space<vmem>>
    %dma_wait3A_607 = tpu.memref_squeeze %dma_wait3A_606 : memref<1x1x128xf32, #tpu.memory_space<vmem>> -> memref<128xf32, #tpu.memory_space<vmem>>
    %dma_wait3A_608 = arith.constant 0 : i32
    %dma_wait3A_609 = tpu.memref_slice %arg7[%dma_wait3A_602, %dma_wait3A_608] : memref<4x128xi32, #tpu.memory_space<vmem>> -> memref<1x128xi32, #tpu.memory_space<vmem>>
    %dma_wait3A_610 = tpu.memref_squeeze %dma_wait3A_609 : memref<1x128xi32, #tpu.memory_space<vmem>> -> memref<128xi32, #tpu.memory_space<vmem>>
    %dma_wait3A_611 = arith.constant 0 : i32
    %dma_wait3A_612 = tpu.memref_slice %arg3[%dma_wait3A_601, %dma_wait3A_611] : memref<6x100000xf32, #tpu.memory_space<hbm>> -> memref<1x100000xf32, #tpu.memory_space<hbm>>
    %dma_wait3A_613 = tpu.memref_squeeze %dma_wait3A_612 : memref<1x100000xf32, #tpu.memory_space<hbm>> -> memref<100000xf32, #tpu.memory_space<hbm>>
    %dma_wait3A_614 = arith.constant 0 : i32
    %dma_wait3A_615 = tpu.memref_slice %dma_wait3A_613[%dma_wait3A_614] : memref<100000xf32, #tpu.memory_space<hbm>> -> memref<100000xf32, #tpu.memory_space<hbm>>
    tpu.wait_indirect_dma semaphore(%arg10 : memref<!tpu.dma_semaphore, #tpu.memory_space<semaphore_mem>>) src(%dma_wait3A_615 : memref<100000xf32, #tpu.memory_space<hbm>>) dst(%dma_wait3A_607 : memref<128xf32, #tpu.memory_space<vmem>>)
    %dma_wait3A_616 = arith.constant 2 : i32
    %dma_wait3A_617 = arith.constant 0 : i32
    %dma_wait3A_618 = arith.constant 0 : i32
    %dma_wait3A_619 = arith.constant 2 : i32
    %dma_wait3A_620 = arith.constant 0 : i32
    %dma_wait3A_621 = tpu.memref_slice %arg9[%dma_wait3A_618, %dma_wait3A_619, %dma_wait3A_620] : memref<4x6x128xf32, #tpu.memory_space<vmem>> -> memref<1x1x128xf32, #tpu.memory_space<vmem>>
    %dma_wait3A_622 = tpu.memref_squeeze %dma_wait3A_621 : memref<1x1x128xf32, #tpu.memory_space<vmem>> -> memref<128xf32, #tpu.memory_space<vmem>>
    %dma_wait3A_623 = arith.constant 0 : i32
    %dma_wait3A_624 = tpu.memref_slice %arg7[%dma_wait3A_617, %dma_wait3A_623] : memref<4x128xi32, #tpu.memory_space<vmem>> -> memref<1x128xi32, #tpu.memory_space<vmem>>
    %dma_wait3A_625 = tpu.memref_squeeze %dma_wait3A_624 : memref<1x128xi32, #tpu.memory_space<vmem>> -> memref<128xi32, #tpu.memory_space<vmem>>
    %dma_wait3A_626 = arith.constant 0 : i32
    %dma_wait3A_627 = tpu.memref_slice %arg3[%dma_wait3A_616, %dma_wait3A_626] : memref<6x100000xf32, #tpu.memory_space<hbm>> -> memref<1x100000xf32, #tpu.memory_space<hbm>>
    %dma_wait3A_628 = tpu.memref_squeeze %dma_wait3A_627 : memref<1x100000xf32, #tpu.memory_space<hbm>> -> memref<100000xf32, #tpu.memory_space<hbm>>
    %dma_wait3A_629 = arith.constant 0 : i32
    %dma_wait3A_630 = tpu.memref_slice %dma_wait3A_628[%dma_wait3A_629] : memref<100000xf32, #tpu.memory_space<hbm>> -> memref<100000xf32, #tpu.memory_space<hbm>>
    tpu.wait_indirect_dma semaphore(%arg10 : memref<!tpu.dma_semaphore, #tpu.memory_space<semaphore_mem>>) src(%dma_wait3A_630 : memref<100000xf32, #tpu.memory_space<hbm>>) dst(%dma_wait3A_622 : memref<128xf32, #tpu.memory_space<vmem>>)
    %dma_wait3A_631 = arith.constant 3 : i32
    %dma_wait3A_632 = arith.constant 0 : i32
    %dma_wait3A_633 = arith.constant 0 : i32
    %dma_wait3A_634 = arith.constant 3 : i32
    %dma_wait3A_635 = arith.constant 0 : i32
    %dma_wait3A_636 = tpu.memref_slice %arg9[%dma_wait3A_633, %dma_wait3A_634, %dma_wait3A_635] : memref<4x6x128xf32, #tpu.memory_space<vmem>> -> memref<1x1x128xf32, #tpu.memory_space<vmem>>
    %dma_wait3A_637 = tpu.memref_squeeze %dma_wait3A_636 : memref<1x1x128xf32, #tpu.memory_space<vmem>> -> memref<128xf32, #tpu.memory_space<vmem>>
    %dma_wait3A_638 = arith.constant 0 : i32
    %dma_wait3A_639 = tpu.memref_slice %arg7[%dma_wait3A_632, %dma_wait3A_638] : memref<4x128xi32, #tpu.memory_space<vmem>> -> memref<1x128xi32, #tpu.memory_space<vmem>>
    %dma_wait3A_640 = tpu.memref_squeeze %dma_wait3A_639 : memref<1x128xi32, #tpu.memory_space<vmem>> -> memref<128xi32, #tpu.memory_space<vmem>>
    %dma_wait3A_641 = arith.constant 0 : i32
    %dma_wait3A_642 = tpu.memref_slice %arg3[%dma_wait3A_631, %dma_wait3A_641] : memref<6x100000xf32, #tpu.memory_space<hbm>> -> memref<1x100000xf32, #tpu.memory_space<hbm>>
    %dma_wait3A_643 = tpu.memref_squeeze %dma_wait3A_642 : memref<1x100000xf32, #tpu.memory_space<hbm>> -> memref<100000xf32, #tpu.memory_space<hbm>>
    %dma_wait3A_644 = arith.constant 0 : i32
    %dma_wait3A_645 = tpu.memref_slice %dma_wait3A_643[%dma_wait3A_644] : memref<100000xf32, #tpu.memory_space<hbm>> -> memref<100000xf32, #tpu.memory_space<hbm>>
    tpu.wait_indirect_dma semaphore(%arg10 : memref<!tpu.dma_semaphore, #tpu.memory_space<semaphore_mem>>) src(%dma_wait3A_645 : memref<100000xf32, #tpu.memory_space<hbm>>) dst(%dma_wait3A_637 : memref<128xf32, #tpu.memory_space<vmem>>)
    %dma_wait3A_646 = arith.constant 4 : i32
    %dma_wait3A_647 = arith.constant 0 : i32
    %dma_wait3A_648 = arith.constant 0 : i32
    %dma_wait3A_649 = arith.constant 4 : i32
    %dma_wait3A_650 = arith.constant 0 : i32
    %dma_wait3A_651 = tpu.memref_slice %arg9[%dma_wait3A_648, %dma_wait3A_649, %dma_wait3A_650] : memref<4x6x128xf32, #tpu.memory_space<vmem>> -> memref<1x1x128xf32, #tpu.memory_space<vmem>>
    %dma_wait3A_652 = tpu.memref_squeeze %dma_wait3A_651 : memref<1x1x128xf32, #tpu.memory_space<vmem>> -> memref<128xf32, #tpu.memory_space<vmem>>
    %dma_wait3A_653 = arith.constant 0 : i32
    %dma_wait3A_654 = tpu.memref_slice %arg7[%dma_wait3A_647, %dma_wait3A_653] : memref<4x128xi32, #tpu.memory_space<vmem>> -> memref<1x128xi32, #tpu.memory_space<vmem>>
    %dma_wait3A_655 = tpu.memref_squeeze %dma_wait3A_654 : memref<1x128xi32, #tpu.memory_space<vmem>> -> memref<128xi32, #tpu.memory_space<vmem>>
    %dma_wait3A_656 = arith.constant 0 : i32
    %dma_wait3A_657 = tpu.memref_slice %arg3[%dma_wait3A_646, %dma_wait3A_656] : memref<6x100000xf32, #tpu.memory_space<hbm>> -> memref<1x100000xf32, #tpu.memory_space<hbm>>
    %dma_wait3A_658 = tpu.memref_squeeze %dma_wait3A_657 : memref<1x100000xf32, #tpu.memory_space<hbm>> -> memref<100000xf32, #tpu.memory_space<hbm>>
    %dma_wait3A_659 = arith.constant 0 : i32
    %dma_wait3A_660 = tpu.memref_slice %dma_wait3A_658[%dma_wait3A_659] : memref<100000xf32, #tpu.memory_space<hbm>> -> memref<100000xf32, #tpu.memory_space<hbm>>
    tpu.wait_indirect_dma semaphore(%arg10 : memref<!tpu.dma_semaphore, #tpu.memory_space<semaphore_mem>>) src(%dma_wait3A_660 : memref<100000xf32, #tpu.memory_space<hbm>>) dst(%dma_wait3A_652 : memref<128xf32, #tpu.memory_space<vmem>>)
    %dma_wait3A_661 = arith.constant 5 : i32
    %dma_wait3A_662 = arith.constant 0 : i32
    %dma_wait3A_663 = arith.constant 0 : i32
    %dma_wait3A_664 = arith.constant 5 : i32
    %dma_wait3A_665 = arith.constant 0 : i32
    %dma_wait3A_666 = tpu.memref_slice %arg9[%dma_wait3A_663, %dma_wait3A_664, %dma_wait3A_665] : memref<4x6x128xf32, #tpu.memory_space<vmem>> -> memref<1x1x128xf32, #tpu.memory_space<vmem>>
    %dma_wait3A_667 = tpu.memref_squeeze %dma_wait3A_666 : memref<1x1x128xf32, #tpu.memory_space<vmem>> -> memref<128xf32, #tpu.memory_space<vmem>>
    %dma_wait3A_668 = arith.constant 0 : i32
    %dma_wait3A_669 = tpu.memref_slice %arg7[%dma_wait3A_662, %dma_wait3A_668] : memref<4x128xi32, #tpu.memory_space<vmem>> -> memref<1x128xi32, #tpu.memory_space<vmem>>
    %dma_wait3A_670 = tpu.memref_squeeze %dma_wait3A_669 : memref<1x128xi32, #tpu.memory_space<vmem>> -> memref<128xi32, #tpu.memory_space<vmem>>
    %dma_wait3A_671 = arith.constant 0 : i32
    %dma_wait3A_672 = tpu.memref_slice %arg3[%dma_wait3A_661, %dma_wait3A_671] : memref<6x100000xf32, #tpu.memory_space<hbm>> -> memref<1x100000xf32, #tpu.memory_space<hbm>>
    %dma_wait3A_673 = tpu.memref_squeeze %dma_wait3A_672 : memref<1x100000xf32, #tpu.memory_space<hbm>> -> memref<100000xf32, #tpu.memory_space<hbm>>
    %dma_wait3A_674 = arith.constant 0 : i32
    %dma_wait3A_675 = tpu.memref_slice %dma_wait3A_673[%dma_wait3A_674] : memref<100000xf32, #tpu.memory_space<hbm>> -> memref<100000xf32, #tpu.memory_space<hbm>>
    tpu.wait_indirect_dma semaphore(%arg10 : memref<!tpu.dma_semaphore, #tpu.memory_space<semaphore_mem>>) src(%dma_wait3A_675 : memref<100000xf32, #tpu.memory_space<hbm>>) dst(%dma_wait3A_667 : memref<128xf32, #tpu.memory_space<vmem>>)
    %mul3A_676 = arith.constant 4 : i32
    %mul3A_677 = arith.muli %add3A, %mul3A_676 : i32
    %add3A_678 = arith.constant 0 : i32
    %add3A_679 = arith.addi %mul3A_677, %add3A_678 : i32
    %run_scoped3A = arith.constant 0 : i32
    "tpu.region"() ({
      %run_scoped3A_1104 = tpu.sem_alloc : memref<!tpu.dma_semaphore, #tpu.memory_space<semaphore_mem>>
      %dma_start3A_1105 = arith.constant 0 : i32
      %dma_start3A_1106 = arith.constant 0 : i32
      %dma_start3A_1107 = tpu.memref_slice %arg8[%run_scoped3A, %dma_start3A_1105, %dma_start3A_1106] : memref<4x3x128xf32, #tpu.memory_space<vmem>> -> memref<1x3x128xf32, #tpu.memory_space<vmem>>
      %dma_start3A_1108 = tpu.memref_squeeze %dma_start3A_1107 : memref<1x3x128xf32, #tpu.memory_space<vmem>> -> memref<3x128xf32, #tpu.memory_space<vmem>>
      %dma_start3A_1109 = arith.constant 0 : i32
      %dma_start3A_1110 = arith.constant 0 : i32
      %dma_start3A_1111 = tpu.memref_slice %arg5[%add3A_679, %dma_start3A_1109, %dma_start3A_1110] : memref<128x4x128xf32, #tpu.memory_space<hbm>> -> memref<1x3x128xf32, #tpu.memory_space<hbm>>
      %dma_start3A_1112 = tpu.memref_squeeze %dma_start3A_1111 : memref<1x3x128xf32, #tpu.memory_space<hbm>> -> memref<3x128xf32, #tpu.memory_space<hbm>>
      %dma_start3A_1113 = arith.constant 0 : i32
      %dma_start3A_1114 = arith.constant 0 : i32
      %dma_start3A_1115 = tpu.memref_slice %arg5[%add3A_679, %dma_start3A_1113, %dma_start3A_1114] : memref<128x4x128xf32, #tpu.memory_space<hbm>> -> memref<1x3x128xf32, #tpu.memory_space<hbm>>
      %dma_start3A_1116 = tpu.memref_squeeze %dma_start3A_1115 : memref<1x3x128xf32, #tpu.memory_space<hbm>> -> memref<3x128xf32, #tpu.memory_space<hbm>>
      %dma_start3A_1117 = arith.constant 0 : i32
      %dma_start3A_1118 = arith.constant 0 : i32
      %dma_start3A_1119 = tpu.memref_slice %arg8[%run_scoped3A, %dma_start3A_1117, %dma_start3A_1118] : memref<4x3x128xf32, #tpu.memory_space<vmem>> -> memref<1x3x128xf32, #tpu.memory_space<vmem>>
      %dma_start3A_1120 = tpu.memref_squeeze %dma_start3A_1119 : memref<1x3x128xf32, #tpu.memory_space<vmem>> -> memref<3x128xf32, #tpu.memory_space<vmem>>
      tpu.enqueue_dma source(%dma_start3A_1120 : memref<3x128xf32, #tpu.memory_space<vmem>>) target(%dma_start3A_1116 : memref<3x128xf32, #tpu.memory_space<hbm>>) target_semaphore(%run_scoped3A_1104 : memref<!tpu.dma_semaphore, #tpu.memory_space<semaphore_mem>>)
      %dma_wait3A_1121 = arith.constant 0 : i32
      %dma_wait3A_1122 = arith.constant 0 : i32
      %dma_wait3A_1123 = tpu.memref_slice %arg8[%run_scoped3A, %dma_wait3A_1121, %dma_wait3A_1122] : memref<4x3x128xf32, #tpu.memory_space<vmem>> -> memref<1x3x128xf32, #tpu.memory_space<vmem>>
      %dma_wait3A_1124 = tpu.memref_squeeze %dma_wait3A_1123 : memref<1x3x128xf32, #tpu.memory_space<vmem>> -> memref<3x128xf32, #tpu.memory_space<vmem>>
      %dma_wait3A_1125 = arith.constant 0 : i32
      %dma_wait3A_1126 = arith.constant 0 : i32
      %dma_wait3A_1127 = tpu.memref_slice %arg5[%add3A_679, %dma_wait3A_1125, %dma_wait3A_1126] : memref<128x4x128xf32, #tpu.memory_space<hbm>> -> memref<1x3x128xf32, #tpu.memory_space<hbm>>
      %dma_wait3A_1128 = tpu.memref_squeeze %dma_wait3A_1127 : memref<1x3x128xf32, #tpu.memory_space<hbm>> -> memref<3x128xf32, #tpu.memory_space<hbm>>
      %dma_wait3A_1129 = arith.constant 0 : i32
      %dma_wait3A_1130 = arith.constant 0 : i32
      %dma_wait3A_1131 = tpu.memref_slice %arg5[%add3A_679, %dma_wait3A_1129, %dma_wait3A_1130] : memref<128x4x128xf32, #tpu.memory_space<hbm>> -> memref<1x3x128xf32, #tpu.memory_space<hbm>>
      %dma_wait3A_1132 = tpu.memref_squeeze %dma_wait3A_1131 : memref<1x3x128xf32, #tpu.memory_space<hbm>> -> memref<3x128xf32, #tpu.memory_space<hbm>>
      %dma_wait3A_1133 = arith.constant 0 : i32
      %dma_wait3A_1134 = arith.constant 0 : i32
      %dma_wait3A_1135 = tpu.memref_slice %arg8[%run_scoped3A, %dma_wait3A_1133, %dma_wait3A_1134] : memref<4x3x128xf32, #tpu.memory_space<vmem>> -> memref<1x3x128xf32, #tpu.memory_space<vmem>>
      %dma_wait3A_1136 = tpu.memref_squeeze %dma_wait3A_1135 : memref<1x3x128xf32, #tpu.memory_space<vmem>> -> memref<3x128xf32, #tpu.memory_space<vmem>>
      tpu.wait_dma2 semaphore(%run_scoped3A_1104 : memref<!tpu.dma_semaphore, #tpu.memory_space<semaphore_mem>>) src(%dma_wait3A_1136 : memref<3x128xf32, #tpu.memory_space<vmem>>) dst(%dma_wait3A_1132 : memref<3x128xf32, #tpu.memory_space<hbm>>)
      tpu.yield
    }) : () -> ()
    %run_scoped3A_680 = arith.constant 0 : i32
    "tpu.region"() ({
      %run_scoped3A_1104 = tpu.sem_alloc : memref<!tpu.dma_semaphore, #tpu.memory_space<semaphore_mem>>
      %dma_start3A_1105 = arith.constant 0 : i32
      %dma_start3A_1106 = arith.constant 0 : i32
      %dma_start3A_1107 = tpu.memref_slice %arg9[%run_scoped3A_680, %dma_start3A_1105, %dma_start3A_1106] : memref<4x6x128xf32, #tpu.memory_space<vmem>> -> memref<1x6x128xf32, #tpu.memory_space<vmem>>
      %dma_start3A_1108 = tpu.memref_squeeze %dma_start3A_1107 : memref<1x6x128xf32, #tpu.memory_space<vmem>> -> memref<6x128xf32, #tpu.memory_space<vmem>>
      %dma_start3A_1109 = arith.constant 0 : i32
      %dma_start3A_1110 = arith.constant 0 : i32
      %dma_start3A_1111 = tpu.memref_slice %arg6[%add3A_679, %dma_start3A_1109, %dma_start3A_1110] : memref<128x8x128xf32, #tpu.memory_space<hbm>> -> memref<1x6x128xf32, #tpu.memory_space<hbm>>
      %dma_start3A_1112 = tpu.memref_squeeze %dma_start3A_1111 : memref<1x6x128xf32, #tpu.memory_space<hbm>> -> memref<6x128xf32, #tpu.memory_space<hbm>>
      %dma_start3A_1113 = arith.constant 0 : i32
      %dma_start3A_1114 = arith.constant 0 : i32
      %dma_start3A_1115 = tpu.memref_slice %arg6[%add3A_679, %dma_start3A_1113, %dma_start3A_1114] : memref<128x8x128xf32, #tpu.memory_space<hbm>> -> memref<1x6x128xf32, #tpu.memory_space<hbm>>
      %dma_start3A_1116 = tpu.memref_squeeze %dma_start3A_1115 : memref<1x6x128xf32, #tpu.memory_space<hbm>> -> memref<6x128xf32, #tpu.memory_space<hbm>>
      %dma_start3A_1117 = arith.constant 0 : i32
      %dma_start3A_1118 = arith.constant 0 : i32
      %dma_start3A_1119 = tpu.memref_slice %arg9[%run_scoped3A_680, %dma_start3A_1117, %dma_start3A_1118] : memref<4x6x128xf32, #tpu.memory_space<vmem>> -> memref<1x6x128xf32, #tpu.memory_space<vmem>>
      %dma_start3A_1120 = tpu.memref_squeeze %dma_start3A_1119 : memref<1x6x128xf32, #tpu.memory_space<vmem>> -> memref<6x128xf32, #tpu.memory_space<vmem>>
      tpu.enqueue_dma source(%dma_start3A_1120 : memref<6x128xf32, #tpu.memory_space<vmem>>) target(%dma_start3A_1116 : memref<6x128xf32, #tpu.memory_space<hbm>>) target_semaphore(%run_scoped3A_1104 : memref<!tpu.dma_semaphore, #tpu.memory_space<semaphore_mem>>)
      %dma_wait3A_1121 = arith.constant 0 : i32
      %dma_wait3A_1122 = arith.constant 0 : i32
      %dma_wait3A_1123 = tpu.memref_slice %arg9[%run_scoped3A_680, %dma_wait3A_1121, %dma_wait3A_1122] : memref<4x6x128xf32, #tpu.memory_space<vmem>> -> memref<1x6x128xf32, #tpu.memory_space<vmem>>
      %dma_wait3A_1124 = tpu.memref_squeeze %dma_wait3A_1123 : memref<1x6x128xf32, #tpu.memory_space<vmem>> -> memref<6x128xf32, #tpu.memory_space<vmem>>
      %dma_wait3A_1125 = arith.constant 0 : i32
      %dma_wait3A_1126 = arith.constant 0 : i32
      %dma_wait3A_1127 = tpu.memref_slice %arg6[%add3A_679, %dma_wait3A_1125, %dma_wait3A_1126] : memref<128x8x128xf32, #tpu.memory_space<hbm>> -> memref<1x6x128xf32, #tpu.memory_space<hbm>>
      %dma_wait3A_1128 = tpu.memref_squeeze %dma_wait3A_1127 : memref<1x6x128xf32, #tpu.memory_space<hbm>> -> memref<6x128xf32, #tpu.memory_space<hbm>>
      %dma_wait3A_1129 = arith.constant 0 : i32
      %dma_wait3A_1130 = arith.constant 0 : i32
      %dma_wait3A_1131 = tpu.memref_slice %arg6[%add3A_679, %dma_wait3A_1129, %dma_wait3A_1130] : memref<128x8x128xf32, #tpu.memory_space<hbm>> -> memref<1x6x128xf32, #tpu.memory_space<hbm>>
      %dma_wait3A_1132 = tpu.memref_squeeze %dma_wait3A_1131 : memref<1x6x128xf32, #tpu.memory_space<hbm>> -> memref<6x128xf32, #tpu.memory_space<hbm>>
      %dma_wait3A_1133 = arith.constant 0 : i32
      %dma_wait3A_1134 = arith.constant 0 : i32
      %dma_wait3A_1135 = tpu.memref_slice %arg9[%run_scoped3A_680, %dma_wait3A_1133, %dma_wait3A_1134] : memref<4x6x128xf32, #tpu.memory_space<vmem>> -> memref<1x6x128xf32, #tpu.memory_space<vmem>>
      %dma_wait3A_1136 = tpu.memref_squeeze %dma_wait3A_1135 : memref<1x6x128xf32, #tpu.memory_space<vmem>> -> memref<6x128xf32, #tpu.memory_space<vmem>>
      tpu.wait_dma2 semaphore(%run_scoped3A_1104 : memref<!tpu.dma_semaphore, #tpu.memory_space<semaphore_mem>>) src(%dma_wait3A_1136 : memref<6x128xf32, #tpu.memory_space<vmem>>) dst(%dma_wait3A_1132 : memref<6x128xf32, #tpu.memory_space<hbm>>)
      tpu.yield
    }) : () -> ()
    %dma_wait3A_681 = arith.constant 0 : i32
    %dma_wait3A_682 = arith.constant 1 : i32
    %dma_wait3A_683 = arith.constant 1 : i32
    %dma_wait3A_684 = arith.constant 0 : i32
    %dma_wait3A_685 = arith.constant 0 : i32
    %dma_wait3A_686 = tpu.memref_slice %arg8[%dma_wait3A_683, %dma_wait3A_684, %dma_wait3A_685] : memref<4x3x128xf32, #tpu.memory_space<vmem>> -> memref<1x1x128xf32, #tpu.memory_space<vmem>>
    %dma_wait3A_687 = tpu.memref_squeeze %dma_wait3A_686 : memref<1x1x128xf32, #tpu.memory_space<vmem>> -> memref<128xf32, #tpu.memory_space<vmem>>
    %dma_wait3A_688 = arith.constant 0 : i32
    %dma_wait3A_689 = tpu.memref_slice %arg7[%dma_wait3A_682, %dma_wait3A_688] : memref<4x128xi32, #tpu.memory_space<vmem>> -> memref<1x128xi32, #tpu.memory_space<vmem>>
    %dma_wait3A_690 = tpu.memref_squeeze %dma_wait3A_689 : memref<1x128xi32, #tpu.memory_space<vmem>> -> memref<128xi32, #tpu.memory_space<vmem>>
    %dma_wait3A_691 = arith.constant 0 : i32
    %dma_wait3A_692 = tpu.memref_slice %arg2[%dma_wait3A_681, %dma_wait3A_691] : memref<3x100000xf32, #tpu.memory_space<hbm>> -> memref<1x100000xf32, #tpu.memory_space<hbm>>
    %dma_wait3A_693 = tpu.memref_squeeze %dma_wait3A_692 : memref<1x100000xf32, #tpu.memory_space<hbm>> -> memref<100000xf32, #tpu.memory_space<hbm>>
    %dma_wait3A_694 = arith.constant 0 : i32
    %dma_wait3A_695 = tpu.memref_slice %dma_wait3A_693[%dma_wait3A_694] : memref<100000xf32, #tpu.memory_space<hbm>> -> memref<100000xf32, #tpu.memory_space<hbm>>
    tpu.wait_indirect_dma semaphore(%arg11 : memref<!tpu.dma_semaphore, #tpu.memory_space<semaphore_mem>>) src(%dma_wait3A_695 : memref<100000xf32, #tpu.memory_space<hbm>>) dst(%dma_wait3A_687 : memref<128xf32, #tpu.memory_space<vmem>>)
    %dma_wait3A_696 = arith.constant 1 : i32
    %dma_wait3A_697 = arith.constant 1 : i32
    %dma_wait3A_698 = arith.constant 1 : i32
    %dma_wait3A_699 = arith.constant 1 : i32
    %dma_wait3A_700 = arith.constant 0 : i32
    %dma_wait3A_701 = tpu.memref_slice %arg8[%dma_wait3A_698, %dma_wait3A_699, %dma_wait3A_700] : memref<4x3x128xf32, #tpu.memory_space<vmem>> -> memref<1x1x128xf32, #tpu.memory_space<vmem>>
    %dma_wait3A_702 = tpu.memref_squeeze %dma_wait3A_701 : memref<1x1x128xf32, #tpu.memory_space<vmem>> -> memref<128xf32, #tpu.memory_space<vmem>>
    %dma_wait3A_703 = arith.constant 0 : i32
    %dma_wait3A_704 = tpu.memref_slice %arg7[%dma_wait3A_697, %dma_wait3A_703] : memref<4x128xi32, #tpu.memory_space<vmem>> -> memref<1x128xi32, #tpu.memory_space<vmem>>
    %dma_wait3A_705 = tpu.memref_squeeze %dma_wait3A_704 : memref<1x128xi32, #tpu.memory_space<vmem>> -> memref<128xi32, #tpu.memory_space<vmem>>
    %dma_wait3A_706 = arith.constant 0 : i32
    %dma_wait3A_707 = tpu.memref_slice %arg2[%dma_wait3A_696, %dma_wait3A_706] : memref<3x100000xf32, #tpu.memory_space<hbm>> -> memref<1x100000xf32, #tpu.memory_space<hbm>>
    %dma_wait3A_708 = tpu.memref_squeeze %dma_wait3A_707 : memref<1x100000xf32, #tpu.memory_space<hbm>> -> memref<100000xf32, #tpu.memory_space<hbm>>
    %dma_wait3A_709 = arith.constant 0 : i32
    %dma_wait3A_710 = tpu.memref_slice %dma_wait3A_708[%dma_wait3A_709] : memref<100000xf32, #tpu.memory_space<hbm>> -> memref<100000xf32, #tpu.memory_space<hbm>>
    tpu.wait_indirect_dma semaphore(%arg11 : memref<!tpu.dma_semaphore, #tpu.memory_space<semaphore_mem>>) src(%dma_wait3A_710 : memref<100000xf32, #tpu.memory_space<hbm>>) dst(%dma_wait3A_702 : memref<128xf32, #tpu.memory_space<vmem>>)
    %dma_wait3A_711 = arith.constant 2 : i32
    %dma_wait3A_712 = arith.constant 1 : i32
    %dma_wait3A_713 = arith.constant 1 : i32
    %dma_wait3A_714 = arith.constant 2 : i32
    %dma_wait3A_715 = arith.constant 0 : i32
    %dma_wait3A_716 = tpu.memref_slice %arg8[%dma_wait3A_713, %dma_wait3A_714, %dma_wait3A_715] : memref<4x3x128xf32, #tpu.memory_space<vmem>> -> memref<1x1x128xf32, #tpu.memory_space<vmem>>
    %dma_wait3A_717 = tpu.memref_squeeze %dma_wait3A_716 : memref<1x1x128xf32, #tpu.memory_space<vmem>> -> memref<128xf32, #tpu.memory_space<vmem>>
    %dma_wait3A_718 = arith.constant 0 : i32
    %dma_wait3A_719 = tpu.memref_slice %arg7[%dma_wait3A_712, %dma_wait3A_718] : memref<4x128xi32, #tpu.memory_space<vmem>> -> memref<1x128xi32, #tpu.memory_space<vmem>>
    %dma_wait3A_720 = tpu.memref_squeeze %dma_wait3A_719 : memref<1x128xi32, #tpu.memory_space<vmem>> -> memref<128xi32, #tpu.memory_space<vmem>>
    %dma_wait3A_721 = arith.constant 0 : i32
    %dma_wait3A_722 = tpu.memref_slice %arg2[%dma_wait3A_711, %dma_wait3A_721] : memref<3x100000xf32, #tpu.memory_space<hbm>> -> memref<1x100000xf32, #tpu.memory_space<hbm>>
    %dma_wait3A_723 = tpu.memref_squeeze %dma_wait3A_722 : memref<1x100000xf32, #tpu.memory_space<hbm>> -> memref<100000xf32, #tpu.memory_space<hbm>>
    %dma_wait3A_724 = arith.constant 0 : i32
    %dma_wait3A_725 = tpu.memref_slice %dma_wait3A_723[%dma_wait3A_724] : memref<100000xf32, #tpu.memory_space<hbm>> -> memref<100000xf32, #tpu.memory_space<hbm>>
    tpu.wait_indirect_dma semaphore(%arg11 : memref<!tpu.dma_semaphore, #tpu.memory_space<semaphore_mem>>) src(%dma_wait3A_725 : memref<100000xf32, #tpu.memory_space<hbm>>) dst(%dma_wait3A_717 : memref<128xf32, #tpu.memory_space<vmem>>)
    %dma_wait3A_726 = arith.constant 0 : i32
    %dma_wait3A_727 = arith.constant 1 : i32
    %dma_wait3A_728 = arith.constant 1 : i32
    %dma_wait3A_729 = arith.constant 0 : i32
    %dma_wait3A_730 = arith.constant 0 : i32
    %dma_wait3A_731 = tpu.memref_slice %arg9[%dma_wait3A_728, %dma_wait3A_729, %dma_wait3A_730] : memref<4x6x128xf32, #tpu.memory_space<vmem>> -> memref<1x1x128xf32, #tpu.memory_space<vmem>>
    %dma_wait3A_732 = tpu.memref_squeeze %dma_wait3A_731 : memref<1x1x128xf32, #tpu.memory_space<vmem>> -> memref<128xf32, #tpu.memory_space<vmem>>
    %dma_wait3A_733 = arith.constant 0 : i32
    %dma_wait3A_734 = tpu.memref_slice %arg7[%dma_wait3A_727, %dma_wait3A_733] : memref<4x128xi32, #tpu.memory_space<vmem>> -> memref<1x128xi32, #tpu.memory_space<vmem>>
    %dma_wait3A_735 = tpu.memref_squeeze %dma_wait3A_734 : memref<1x128xi32, #tpu.memory_space<vmem>> -> memref<128xi32, #tpu.memory_space<vmem>>
    %dma_wait3A_736 = arith.constant 0 : i32
    %dma_wait3A_737 = tpu.memref_slice %arg3[%dma_wait3A_726, %dma_wait3A_736] : memref<6x100000xf32, #tpu.memory_space<hbm>> -> memref<1x100000xf32, #tpu.memory_space<hbm>>
    %dma_wait3A_738 = tpu.memref_squeeze %dma_wait3A_737 : memref<1x100000xf32, #tpu.memory_space<hbm>> -> memref<100000xf32, #tpu.memory_space<hbm>>
    %dma_wait3A_739 = arith.constant 0 : i32
    %dma_wait3A_740 = tpu.memref_slice %dma_wait3A_738[%dma_wait3A_739] : memref<100000xf32, #tpu.memory_space<hbm>> -> memref<100000xf32, #tpu.memory_space<hbm>>
    tpu.wait_indirect_dma semaphore(%arg11 : memref<!tpu.dma_semaphore, #tpu.memory_space<semaphore_mem>>) src(%dma_wait3A_740 : memref<100000xf32, #tpu.memory_space<hbm>>) dst(%dma_wait3A_732 : memref<128xf32, #tpu.memory_space<vmem>>)
    %dma_wait3A_741 = arith.constant 1 : i32
    %dma_wait3A_742 = arith.constant 1 : i32
    %dma_wait3A_743 = arith.constant 1 : i32
    %dma_wait3A_744 = arith.constant 1 : i32
    %dma_wait3A_745 = arith.constant 0 : i32
    %dma_wait3A_746 = tpu.memref_slice %arg9[%dma_wait3A_743, %dma_wait3A_744, %dma_wait3A_745] : memref<4x6x128xf32, #tpu.memory_space<vmem>> -> memref<1x1x128xf32, #tpu.memory_space<vmem>>
    %dma_wait3A_747 = tpu.memref_squeeze %dma_wait3A_746 : memref<1x1x128xf32, #tpu.memory_space<vmem>> -> memref<128xf32, #tpu.memory_space<vmem>>
    %dma_wait3A_748 = arith.constant 0 : i32
    %dma_wait3A_749 = tpu.memref_slice %arg7[%dma_wait3A_742, %dma_wait3A_748] : memref<4x128xi32, #tpu.memory_space<vmem>> -> memref<1x128xi32, #tpu.memory_space<vmem>>
    %dma_wait3A_750 = tpu.memref_squeeze %dma_wait3A_749 : memref<1x128xi32, #tpu.memory_space<vmem>> -> memref<128xi32, #tpu.memory_space<vmem>>
    %dma_wait3A_751 = arith.constant 0 : i32
    %dma_wait3A_752 = tpu.memref_slice %arg3[%dma_wait3A_741, %dma_wait3A_751] : memref<6x100000xf32, #tpu.memory_space<hbm>> -> memref<1x100000xf32, #tpu.memory_space<hbm>>
    %dma_wait3A_753 = tpu.memref_squeeze %dma_wait3A_752 : memref<1x100000xf32, #tpu.memory_space<hbm>> -> memref<100000xf32, #tpu.memory_space<hbm>>
    %dma_wait3A_754 = arith.constant 0 : i32
    %dma_wait3A_755 = tpu.memref_slice %dma_wait3A_753[%dma_wait3A_754] : memref<100000xf32, #tpu.memory_space<hbm>> -> memref<100000xf32, #tpu.memory_space<hbm>>
    tpu.wait_indirect_dma semaphore(%arg11 : memref<!tpu.dma_semaphore, #tpu.memory_space<semaphore_mem>>) src(%dma_wait3A_755 : memref<100000xf32, #tpu.memory_space<hbm>>) dst(%dma_wait3A_747 : memref<128xf32, #tpu.memory_space<vmem>>)
    %dma_wait3A_756 = arith.constant 2 : i32
    %dma_wait3A_757 = arith.constant 1 : i32
    %dma_wait3A_758 = arith.constant 1 : i32
    %dma_wait3A_759 = arith.constant 2 : i32
    %dma_wait3A_760 = arith.constant 0 : i32
    %dma_wait3A_761 = tpu.memref_slice %arg9[%dma_wait3A_758, %dma_wait3A_759, %dma_wait3A_760] : memref<4x6x128xf32, #tpu.memory_space<vmem>> -> memref<1x1x128xf32, #tpu.memory_space<vmem>>
    %dma_wait3A_762 = tpu.memref_squeeze %dma_wait3A_761 : memref<1x1x128xf32, #tpu.memory_space<vmem>> -> memref<128xf32, #tpu.memory_space<vmem>>
    %dma_wait3A_763 = arith.constant 0 : i32
    %dma_wait3A_764 = tpu.memref_slice %arg7[%dma_wait3A_757, %dma_wait3A_763] : memref<4x128xi32, #tpu.memory_space<vmem>> -> memref<1x128xi32, #tpu.memory_space<vmem>>
    %dma_wait3A_765 = tpu.memref_squeeze %dma_wait3A_764 : memref<1x128xi32, #tpu.memory_space<vmem>> -> memref<128xi32, #tpu.memory_space<vmem>>
    %dma_wait3A_766 = arith.constant 0 : i32
    %dma_wait3A_767 = tpu.memref_slice %arg3[%dma_wait3A_756, %dma_wait3A_766] : memref<6x100000xf32, #tpu.memory_space<hbm>> -> memref<1x100000xf32, #tpu.memory_space<hbm>>
    %dma_wait3A_768 = tpu.memref_squeeze %dma_wait3A_767 : memref<1x100000xf32, #tpu.memory_space<hbm>> -> memref<100000xf32, #tpu.memory_space<hbm>>
    %dma_wait3A_769 = arith.constant 0 : i32
    %dma_wait3A_770 = tpu.memref_slice %dma_wait3A_768[%dma_wait3A_769] : memref<100000xf32, #tpu.memory_space<hbm>> -> memref<100000xf32, #tpu.memory_space<hbm>>
    tpu.wait_indirect_dma semaphore(%arg11 : memref<!tpu.dma_semaphore, #tpu.memory_space<semaphore_mem>>) src(%dma_wait3A_770 : memref<100000xf32, #tpu.memory_space<hbm>>) dst(%dma_wait3A_762 : memref<128xf32, #tpu.memory_space<vmem>>)
    %dma_wait3A_771 = arith.constant 3 : i32
    %dma_wait3A_772 = arith.constant 1 : i32
    %dma_wait3A_773 = arith.constant 1 : i32
    %dma_wait3A_774 = arith.constant 3 : i32
    %dma_wait3A_775 = arith.constant 0 : i32
    %dma_wait3A_776 = tpu.memref_slice %arg9[%dma_wait3A_773, %dma_wait3A_774, %dma_wait3A_775] : memref<4x6x128xf32, #tpu.memory_space<vmem>> -> memref<1x1x128xf32, #tpu.memory_space<vmem>>
    %dma_wait3A_777 = tpu.memref_squeeze %dma_wait3A_776 : memref<1x1x128xf32, #tpu.memory_space<vmem>> -> memref<128xf32, #tpu.memory_space<vmem>>
    %dma_wait3A_778 = arith.constant 0 : i32
    %dma_wait3A_779 = tpu.memref_slice %arg7[%dma_wait3A_772, %dma_wait3A_778] : memref<4x128xi32, #tpu.memory_space<vmem>> -> memref<1x128xi32, #tpu.memory_space<vmem>>
    %dma_wait3A_780 = tpu.memref_squeeze %dma_wait3A_779 : memref<1x128xi32, #tpu.memory_space<vmem>> -> memref<128xi32, #tpu.memory_space<vmem>>
    %dma_wait3A_781 = arith.constant 0 : i32
    %dma_wait3A_782 = tpu.memref_slice %arg3[%dma_wait3A_771, %dma_wait3A_781] : memref<6x100000xf32, #tpu.memory_space<hbm>> -> memref<1x100000xf32, #tpu.memory_space<hbm>>
    %dma_wait3A_783 = tpu.memref_squeeze %dma_wait3A_782 : memref<1x100000xf32, #tpu.memory_space<hbm>> -> memref<100000xf32, #tpu.memory_space<hbm>>
    %dma_wait3A_784 = arith.constant 0 : i32
    %dma_wait3A_785 = tpu.memref_slice %dma_wait3A_783[%dma_wait3A_784] : memref<100000xf32, #tpu.memory_space<hbm>> -> memref<100000xf32, #tpu.memory_space<hbm>>
    tpu.wait_indirect_dma semaphore(%arg11 : memref<!tpu.dma_semaphore, #tpu.memory_space<semaphore_mem>>) src(%dma_wait3A_785 : memref<100000xf32, #tpu.memory_space<hbm>>) dst(%dma_wait3A_777 : memref<128xf32, #tpu.memory_space<vmem>>)
    %dma_wait3A_786 = arith.constant 4 : i32
    %dma_wait3A_787 = arith.constant 1 : i32
    %dma_wait3A_788 = arith.constant 1 : i32
    %dma_wait3A_789 = arith.constant 4 : i32
    %dma_wait3A_790 = arith.constant 0 : i32
    %dma_wait3A_791 = tpu.memref_slice %arg9[%dma_wait3A_788, %dma_wait3A_789, %dma_wait3A_790] : memref<4x6x128xf32, #tpu.memory_space<vmem>> -> memref<1x1x128xf32, #tpu.memory_space<vmem>>
    %dma_wait3A_792 = tpu.memref_squeeze %dma_wait3A_791 : memref<1x1x128xf32, #tpu.memory_space<vmem>> -> memref<128xf32, #tpu.memory_space<vmem>>
    %dma_wait3A_793 = arith.constant 0 : i32
    %dma_wait3A_794 = tpu.memref_slice %arg7[%dma_wait3A_787, %dma_wait3A_793] : memref<4x128xi32, #tpu.memory_space<vmem>> -> memref<1x128xi32, #tpu.memory_space<vmem>>
    %dma_wait3A_795 = tpu.memref_squeeze %dma_wait3A_794 : memref<1x128xi32, #tpu.memory_space<vmem>> -> memref<128xi32, #tpu.memory_space<vmem>>
    %dma_wait3A_796 = arith.constant 0 : i32
    %dma_wait3A_797 = tpu.memref_slice %arg3[%dma_wait3A_786, %dma_wait3A_796] : memref<6x100000xf32, #tpu.memory_space<hbm>> -> memref<1x100000xf32, #tpu.memory_space<hbm>>
    %dma_wait3A_798 = tpu.memref_squeeze %dma_wait3A_797 : memref<1x100000xf32, #tpu.memory_space<hbm>> -> memref<100000xf32, #tpu.memory_space<hbm>>
    %dma_wait3A_799 = arith.constant 0 : i32
    %dma_wait3A_800 = tpu.memref_slice %dma_wait3A_798[%dma_wait3A_799] : memref<100000xf32, #tpu.memory_space<hbm>> -> memref<100000xf32, #tpu.memory_space<hbm>>
    tpu.wait_indirect_dma semaphore(%arg11 : memref<!tpu.dma_semaphore, #tpu.memory_space<semaphore_mem>>) src(%dma_wait3A_800 : memref<100000xf32, #tpu.memory_space<hbm>>) dst(%dma_wait3A_792 : memref<128xf32, #tpu.memory_space<vmem>>)
    %dma_wait3A_801 = arith.constant 5 : i32
    %dma_wait3A_802 = arith.constant 1 : i32
    %dma_wait3A_803 = arith.constant 1 : i32
    %dma_wait3A_804 = arith.constant 5 : i32
    %dma_wait3A_805 = arith.constant 0 : i32
    %dma_wait3A_806 = tpu.memref_slice %arg9[%dma_wait3A_803, %dma_wait3A_804, %dma_wait3A_805] : memref<4x6x128xf32, #tpu.memory_space<vmem>> -> memref<1x1x128xf32, #tpu.memory_space<vmem>>
    %dma_wait3A_807 = tpu.memref_squeeze %dma_wait3A_806 : memref<1x1x128xf32, #tpu.memory_space<vmem>> -> memref<128xf32, #tpu.memory_space<vmem>>
    %dma_wait3A_808 = arith.constant 0 : i32
    %dma_wait3A_809 = tpu.memref_slice %arg7[%dma_wait3A_802, %dma_wait3A_808] : memref<4x128xi32, #tpu.memory_space<vmem>> -> memref<1x128xi32, #tpu.memory_space<vmem>>
    %dma_wait3A_810 = tpu.memref_squeeze %dma_wait3A_809 : memref<1x128xi32, #tpu.memory_space<vmem>> -> memref<128xi32, #tpu.memory_space<vmem>>
    %dma_wait3A_811 = arith.constant 0 : i32
    %dma_wait3A_812 = tpu.memref_slice %arg3[%dma_wait3A_801, %dma_wait3A_811] : memref<6x100000xf32, #tpu.memory_space<hbm>> -> memref<1x100000xf32, #tpu.memory_space<hbm>>
    %dma_wait3A_813 = tpu.memref_squeeze %dma_wait3A_812 : memref<1x100000xf32, #tpu.memory_space<hbm>> -> memref<100000xf32, #tpu.memory_space<hbm>>
    %dma_wait3A_814 = arith.constant 0 : i32
    %dma_wait3A_815 = tpu.memref_slice %dma_wait3A_813[%dma_wait3A_814] : memref<100000xf32, #tpu.memory_space<hbm>> -> memref<100000xf32, #tpu.memory_space<hbm>>
    tpu.wait_indirect_dma semaphore(%arg11 : memref<!tpu.dma_semaphore, #tpu.memory_space<semaphore_mem>>) src(%dma_wait3A_815 : memref<100000xf32, #tpu.memory_space<hbm>>) dst(%dma_wait3A_807 : memref<128xf32, #tpu.memory_space<vmem>>)
    %mul3A_816 = arith.constant 4 : i32
    %mul3A_817 = arith.muli %add3A, %mul3A_816 : i32
    %add3A_818 = arith.constant 1 : i32
    %add3A_819 = arith.addi %mul3A_817, %add3A_818 : i32
    %run_scoped3A_820 = arith.constant 1 : i32
    "tpu.region"() ({
      %run_scoped3A_1104 = tpu.sem_alloc : memref<!tpu.dma_semaphore, #tpu.memory_space<semaphore_mem>>
      %dma_start3A_1105 = arith.constant 0 : i32
      %dma_start3A_1106 = arith.constant 0 : i32
      %dma_start3A_1107 = tpu.memref_slice %arg8[%run_scoped3A_820, %dma_start3A_1105, %dma_start3A_1106] : memref<4x3x128xf32, #tpu.memory_space<vmem>> -> memref<1x3x128xf32, #tpu.memory_space<vmem>>
      %dma_start3A_1108 = tpu.memref_squeeze %dma_start3A_1107 : memref<1x3x128xf32, #tpu.memory_space<vmem>> -> memref<3x128xf32, #tpu.memory_space<vmem>>
      %dma_start3A_1109 = arith.constant 0 : i32
      %dma_start3A_1110 = arith.constant 0 : i32
      %dma_start3A_1111 = tpu.memref_slice %arg5[%add3A_819, %dma_start3A_1109, %dma_start3A_1110] : memref<128x4x128xf32, #tpu.memory_space<hbm>> -> memref<1x3x128xf32, #tpu.memory_space<hbm>>
      %dma_start3A_1112 = tpu.memref_squeeze %dma_start3A_1111 : memref<1x3x128xf32, #tpu.memory_space<hbm>> -> memref<3x128xf32, #tpu.memory_space<hbm>>
      %dma_start3A_1113 = arith.constant 0 : i32
      %dma_start3A_1114 = arith.constant 0 : i32
      %dma_start3A_1115 = tpu.memref_slice %arg5[%add3A_819, %dma_start3A_1113, %dma_start3A_1114] : memref<128x4x128xf32, #tpu.memory_space<hbm>> -> memref<1x3x128xf32, #tpu.memory_space<hbm>>
      %dma_start3A_1116 = tpu.memref_squeeze %dma_start3A_1115 : memref<1x3x128xf32, #tpu.memory_space<hbm>> -> memref<3x128xf32, #tpu.memory_space<hbm>>
      %dma_start3A_1117 = arith.constant 0 : i32
      %dma_start3A_1118 = arith.constant 0 : i32
      %dma_start3A_1119 = tpu.memref_slice %arg8[%run_scoped3A_820, %dma_start3A_1117, %dma_start3A_1118] : memref<4x3x128xf32, #tpu.memory_space<vmem>> -> memref<1x3x128xf32, #tpu.memory_space<vmem>>
      %dma_start3A_1120 = tpu.memref_squeeze %dma_start3A_1119 : memref<1x3x128xf32, #tpu.memory_space<vmem>> -> memref<3x128xf32, #tpu.memory_space<vmem>>
      tpu.enqueue_dma source(%dma_start3A_1120 : memref<3x128xf32, #tpu.memory_space<vmem>>) target(%dma_start3A_1116 : memref<3x128xf32, #tpu.memory_space<hbm>>) target_semaphore(%run_scoped3A_1104 : memref<!tpu.dma_semaphore, #tpu.memory_space<semaphore_mem>>)
      %dma_wait3A_1121 = arith.constant 0 : i32
      %dma_wait3A_1122 = arith.constant 0 : i32
      %dma_wait3A_1123 = tpu.memref_slice %arg8[%run_scoped3A_820, %dma_wait3A_1121, %dma_wait3A_1122] : memref<4x3x128xf32, #tpu.memory_space<vmem>> -> memref<1x3x128xf32, #tpu.memory_space<vmem>>
      %dma_wait3A_1124 = tpu.memref_squeeze %dma_wait3A_1123 : memref<1x3x128xf32, #tpu.memory_space<vmem>> -> memref<3x128xf32, #tpu.memory_space<vmem>>
      %dma_wait3A_1125 = arith.constant 0 : i32
      %dma_wait3A_1126 = arith.constant 0 : i32
      %dma_wait3A_1127 = tpu.memref_slice %arg5[%add3A_819, %dma_wait3A_1125, %dma_wait3A_1126] : memref<128x4x128xf32, #tpu.memory_space<hbm>> -> memref<1x3x128xf32, #tpu.memory_space<hbm>>
      %dma_wait3A_1128 = tpu.memref_squeeze %dma_wait3A_1127 : memref<1x3x128xf32, #tpu.memory_space<hbm>> -> memref<3x128xf32, #tpu.memory_space<hbm>>
      %dma_wait3A_1129 = arith.constant 0 : i32
      %dma_wait3A_1130 = arith.constant 0 : i32
      %dma_wait3A_1131 = tpu.memref_slice %arg5[%add3A_819, %dma_wait3A_1129, %dma_wait3A_1130] : memref<128x4x128xf32, #tpu.memory_space<hbm>> -> memref<1x3x128xf32, #tpu.memory_space<hbm>>
      %dma_wait3A_1132 = tpu.memref_squeeze %dma_wait3A_1131 : memref<1x3x128xf32, #tpu.memory_space<hbm>> -> memref<3x128xf32, #tpu.memory_space<hbm>>
      %dma_wait3A_1133 = arith.constant 0 : i32
      %dma_wait3A_1134 = arith.constant 0 : i32
      %dma_wait3A_1135 = tpu.memref_slice %arg8[%run_scoped3A_820, %dma_wait3A_1133, %dma_wait3A_1134] : memref<4x3x128xf32, #tpu.memory_space<vmem>> -> memref<1x3x128xf32, #tpu.memory_space<vmem>>
      %dma_wait3A_1136 = tpu.memref_squeeze %dma_wait3A_1135 : memref<1x3x128xf32, #tpu.memory_space<vmem>> -> memref<3x128xf32, #tpu.memory_space<vmem>>
      tpu.wait_dma2 semaphore(%run_scoped3A_1104 : memref<!tpu.dma_semaphore, #tpu.memory_space<semaphore_mem>>) src(%dma_wait3A_1136 : memref<3x128xf32, #tpu.memory_space<vmem>>) dst(%dma_wait3A_1132 : memref<3x128xf32, #tpu.memory_space<hbm>>)
      tpu.yield
    }) : () -> ()
    %run_scoped3A_821 = arith.constant 1 : i32
    "tpu.region"() ({
      %run_scoped3A_1104 = tpu.sem_alloc : memref<!tpu.dma_semaphore, #tpu.memory_space<semaphore_mem>>
      %dma_start3A_1105 = arith.constant 0 : i32
      %dma_start3A_1106 = arith.constant 0 : i32
      %dma_start3A_1107 = tpu.memref_slice %arg9[%run_scoped3A_821, %dma_start3A_1105, %dma_start3A_1106] : memref<4x6x128xf32, #tpu.memory_space<vmem>> -> memref<1x6x128xf32, #tpu.memory_space<vmem>>
      %dma_start3A_1108 = tpu.memref_squeeze %dma_start3A_1107 : memref<1x6x128xf32, #tpu.memory_space<vmem>> -> memref<6x128xf32, #tpu.memory_space<vmem>>
      %dma_start3A_1109 = arith.constant 0 : i32
      %dma_start3A_1110 = arith.constant 0 : i32
      %dma_start3A_1111 = tpu.memref_slice %arg6[%add3A_819, %dma_start3A_1109, %dma_start3A_1110] : memref<128x8x128xf32, #tpu.memory_space<hbm>> -> memref<1x6x128xf32, #tpu.memory_space<hbm>>
      %dma_start3A_1112 = tpu.memref_squeeze %dma_start3A_1111 : memref<1x6x128xf32, #tpu.memory_space<hbm>> -> memref<6x128xf32, #tpu.memory_space<hbm>>
      %dma_start3A_1113 = arith.constant 0 : i32
      %dma_start3A_1114 = arith.constant 0 : i32
      %dma_start3A_1115 = tpu.memref_slice %arg6[%add3A_819, %dma_start3A_1113, %dma_start3A_1114] : memref<128x8x128xf32, #tpu.memory_space<hbm>> -> memref<1x6x128xf32, #tpu.memory_space<hbm>>
      %dma_start3A_1116 = tpu.memref_squeeze %dma_start3A_1115 : memref<1x6x128xf32, #tpu.memory_space<hbm>> -> memref<6x128xf32, #tpu.memory_space<hbm>>
      %dma_start3A_1117 = arith.constant 0 : i32
      %dma_start3A_1118 = arith.constant 0 : i32
      %dma_start3A_1119 = tpu.memref_slice %arg9[%run_scoped3A_821, %dma_start3A_1117, %dma_start3A_1118] : memref<4x6x128xf32, #tpu.memory_space<vmem>> -> memref<1x6x128xf32, #tpu.memory_space<vmem>>
      %dma_start3A_1120 = tpu.memref_squeeze %dma_start3A_1119 : memref<1x6x128xf32, #tpu.memory_space<vmem>> -> memref<6x128xf32, #tpu.memory_space<vmem>>
      tpu.enqueue_dma source(%dma_start3A_1120 : memref<6x128xf32, #tpu.memory_space<vmem>>) target(%dma_start3A_1116 : memref<6x128xf32, #tpu.memory_space<hbm>>) target_semaphore(%run_scoped3A_1104 : memref<!tpu.dma_semaphore, #tpu.memory_space<semaphore_mem>>)
      %dma_wait3A_1121 = arith.constant 0 : i32
      %dma_wait3A_1122 = arith.constant 0 : i32
      %dma_wait3A_1123 = tpu.memref_slice %arg9[%run_scoped3A_821, %dma_wait3A_1121, %dma_wait3A_1122] : memref<4x6x128xf32, #tpu.memory_space<vmem>> -> memref<1x6x128xf32, #tpu.memory_space<vmem>>
      %dma_wait3A_1124 = tpu.memref_squeeze %dma_wait3A_1123 : memref<1x6x128xf32, #tpu.memory_space<vmem>> -> memref<6x128xf32, #tpu.memory_space<vmem>>
      %dma_wait3A_1125 = arith.constant 0 : i32
      %dma_wait3A_1126 = arith.constant 0 : i32
      %dma_wait3A_1127 = tpu.memref_slice %arg6[%add3A_819, %dma_wait3A_1125, %dma_wait3A_1126] : memref<128x8x128xf32, #tpu.memory_space<hbm>> -> memref<1x6x128xf32, #tpu.memory_space<hbm>>
      %dma_wait3A_1128 = tpu.memref_squeeze %dma_wait3A_1127 : memref<1x6x128xf32, #tpu.memory_space<hbm>> -> memref<6x128xf32, #tpu.memory_space<hbm>>
      %dma_wait3A_1129 = arith.constant 0 : i32
      %dma_wait3A_1130 = arith.constant 0 : i32
      %dma_wait3A_1131 = tpu.memref_slice %arg6[%add3A_819, %dma_wait3A_1129, %dma_wait3A_1130] : memref<128x8x128xf32, #tpu.memory_space<hbm>> -> memref<1x6x128xf32, #tpu.memory_space<hbm>>
      %dma_wait3A_1132 = tpu.memref_squeeze %dma_wait3A_1131 : memref<1x6x128xf32, #tpu.memory_space<hbm>> -> memref<6x128xf32, #tpu.memory_space<hbm>>
      %dma_wait3A_1133 = arith.constant 0 : i32
      %dma_wait3A_1134 = arith.constant 0 : i32
      %dma_wait3A_1135 = tpu.memref_slice %arg9[%run_scoped3A_821, %dma_wait3A_1133, %dma_wait3A_1134] : memref<4x6x128xf32, #tpu.memory_space<vmem>> -> memref<1x6x128xf32, #tpu.memory_space<vmem>>
      %dma_wait3A_1136 = tpu.memref_squeeze %dma_wait3A_1135 : memref<1x6x128xf32, #tpu.memory_space<vmem>> -> memref<6x128xf32, #tpu.memory_space<vmem>>
      tpu.wait_dma2 semaphore(%run_scoped3A_1104 : memref<!tpu.dma_semaphore, #tpu.memory_space<semaphore_mem>>) src(%dma_wait3A_1136 : memref<6x128xf32, #tpu.memory_space<vmem>>) dst(%dma_wait3A_1132 : memref<6x128xf32, #tpu.memory_space<hbm>>)
      tpu.yield
    }) : () -> ()
    %dma_wait3A_822 = arith.constant 0 : i32
    %dma_wait3A_823 = arith.constant 2 : i32
    %dma_wait3A_824 = arith.constant 2 : i32
    %dma_wait3A_825 = arith.constant 0 : i32
    %dma_wait3A_826 = arith.constant 0 : i32
    %dma_wait3A_827 = tpu.memref_slice %arg8[%dma_wait3A_824, %dma_wait3A_825, %dma_wait3A_826] : memref<4x3x128xf32, #tpu.memory_space<vmem>> -> memref<1x1x128xf32, #tpu.memory_space<vmem>>
    %dma_wait3A_828 = tpu.memref_squeeze %dma_wait3A_827 : memref<1x1x128xf32, #tpu.memory_space<vmem>> -> memref<128xf32, #tpu.memory_space<vmem>>
    %dma_wait3A_829 = arith.constant 0 : i32
    %dma_wait3A_830 = tpu.memref_slice %arg7[%dma_wait3A_823, %dma_wait3A_829] : memref<4x128xi32, #tpu.memory_space<vmem>> -> memref<1x128xi32, #tpu.memory_space<vmem>>
    %dma_wait3A_831 = tpu.memref_squeeze %dma_wait3A_830 : memref<1x128xi32, #tpu.memory_space<vmem>> -> memref<128xi32, #tpu.memory_space<vmem>>
    %dma_wait3A_832 = arith.constant 0 : i32
    %dma_wait3A_833 = tpu.memref_slice %arg2[%dma_wait3A_822, %dma_wait3A_832] : memref<3x100000xf32, #tpu.memory_space<hbm>> -> memref<1x100000xf32, #tpu.memory_space<hbm>>
    %dma_wait3A_834 = tpu.memref_squeeze %dma_wait3A_833 : memref<1x100000xf32, #tpu.memory_space<hbm>> -> memref<100000xf32, #tpu.memory_space<hbm>>
    %dma_wait3A_835 = arith.constant 0 : i32
    %dma_wait3A_836 = tpu.memref_slice %dma_wait3A_834[%dma_wait3A_835] : memref<100000xf32, #tpu.memory_space<hbm>> -> memref<100000xf32, #tpu.memory_space<hbm>>
    tpu.wait_indirect_dma semaphore(%arg12 : memref<!tpu.dma_semaphore, #tpu.memory_space<semaphore_mem>>) src(%dma_wait3A_836 : memref<100000xf32, #tpu.memory_space<hbm>>) dst(%dma_wait3A_828 : memref<128xf32, #tpu.memory_space<vmem>>)
    %dma_wait3A_837 = arith.constant 1 : i32
    %dma_wait3A_838 = arith.constant 2 : i32
    %dma_wait3A_839 = arith.constant 2 : i32
    %dma_wait3A_840 = arith.constant 1 : i32
    %dma_wait3A_841 = arith.constant 0 : i32
    %dma_wait3A_842 = tpu.memref_slice %arg8[%dma_wait3A_839, %dma_wait3A_840, %dma_wait3A_841] : memref<4x3x128xf32, #tpu.memory_space<vmem>> -> memref<1x1x128xf32, #tpu.memory_space<vmem>>
    %dma_wait3A_843 = tpu.memref_squeeze %dma_wait3A_842 : memref<1x1x128xf32, #tpu.memory_space<vmem>> -> memref<128xf32, #tpu.memory_space<vmem>>
    %dma_wait3A_844 = arith.constant 0 : i32
    %dma_wait3A_845 = tpu.memref_slice %arg7[%dma_wait3A_838, %dma_wait3A_844] : memref<4x128xi32, #tpu.memory_space<vmem>> -> memref<1x128xi32, #tpu.memory_space<vmem>>
    %dma_wait3A_846 = tpu.memref_squeeze %dma_wait3A_845 : memref<1x128xi32, #tpu.memory_space<vmem>> -> memref<128xi32, #tpu.memory_space<vmem>>
    %dma_wait3A_847 = arith.constant 0 : i32
    %dma_wait3A_848 = tpu.memref_slice %arg2[%dma_wait3A_837, %dma_wait3A_847] : memref<3x100000xf32, #tpu.memory_space<hbm>> -> memref<1x100000xf32, #tpu.memory_space<hbm>>
    %dma_wait3A_849 = tpu.memref_squeeze %dma_wait3A_848 : memref<1x100000xf32, #tpu.memory_space<hbm>> -> memref<100000xf32, #tpu.memory_space<hbm>>
    %dma_wait3A_850 = arith.constant 0 : i32
    %dma_wait3A_851 = tpu.memref_slice %dma_wait3A_849[%dma_wait3A_850] : memref<100000xf32, #tpu.memory_space<hbm>> -> memref<100000xf32, #tpu.memory_space<hbm>>
    tpu.wait_indirect_dma semaphore(%arg12 : memref<!tpu.dma_semaphore, #tpu.memory_space<semaphore_mem>>) src(%dma_wait3A_851 : memref<100000xf32, #tpu.memory_space<hbm>>) dst(%dma_wait3A_843 : memref<128xf32, #tpu.memory_space<vmem>>)
    %dma_wait3A_852 = arith.constant 2 : i32
    %dma_wait3A_853 = arith.constant 2 : i32
    %dma_wait3A_854 = arith.constant 2 : i32
    %dma_wait3A_855 = arith.constant 2 : i32
    %dma_wait3A_856 = arith.constant 0 : i32
    %dma_wait3A_857 = tpu.memref_slice %arg8[%dma_wait3A_854, %dma_wait3A_855, %dma_wait3A_856] : memref<4x3x128xf32, #tpu.memory_space<vmem>> -> memref<1x1x128xf32, #tpu.memory_space<vmem>>
    %dma_wait3A_858 = tpu.memref_squeeze %dma_wait3A_857 : memref<1x1x128xf32, #tpu.memory_space<vmem>> -> memref<128xf32, #tpu.memory_space<vmem>>
    %dma_wait3A_859 = arith.constant 0 : i32
    %dma_wait3A_860 = tpu.memref_slice %arg7[%dma_wait3A_853, %dma_wait3A_859] : memref<4x128xi32, #tpu.memory_space<vmem>> -> memref<1x128xi32, #tpu.memory_space<vmem>>
    %dma_wait3A_861 = tpu.memref_squeeze %dma_wait3A_860 : memref<1x128xi32, #tpu.memory_space<vmem>> -> memref<128xi32, #tpu.memory_space<vmem>>
    %dma_wait3A_862 = arith.constant 0 : i32
    %dma_wait3A_863 = tpu.memref_slice %arg2[%dma_wait3A_852, %dma_wait3A_862] : memref<3x100000xf32, #tpu.memory_space<hbm>> -> memref<1x100000xf32, #tpu.memory_space<hbm>>
    %dma_wait3A_864 = tpu.memref_squeeze %dma_wait3A_863 : memref<1x100000xf32, #tpu.memory_space<hbm>> -> memref<100000xf32, #tpu.memory_space<hbm>>
    %dma_wait3A_865 = arith.constant 0 : i32
    %dma_wait3A_866 = tpu.memref_slice %dma_wait3A_864[%dma_wait3A_865] : memref<100000xf32, #tpu.memory_space<hbm>> -> memref<100000xf32, #tpu.memory_space<hbm>>
    tpu.wait_indirect_dma semaphore(%arg12 : memref<!tpu.dma_semaphore, #tpu.memory_space<semaphore_mem>>) src(%dma_wait3A_866 : memref<100000xf32, #tpu.memory_space<hbm>>) dst(%dma_wait3A_858 : memref<128xf32, #tpu.memory_space<vmem>>)
    %dma_wait3A_867 = arith.constant 0 : i32
    %dma_wait3A_868 = arith.constant 2 : i32
    %dma_wait3A_869 = arith.constant 2 : i32
    %dma_wait3A_870 = arith.constant 0 : i32
    %dma_wait3A_871 = arith.constant 0 : i32
    %dma_wait3A_872 = tpu.memref_slice %arg9[%dma_wait3A_869, %dma_wait3A_870, %dma_wait3A_871] : memref<4x6x128xf32, #tpu.memory_space<vmem>> -> memref<1x1x128xf32, #tpu.memory_space<vmem>>
    %dma_wait3A_873 = tpu.memref_squeeze %dma_wait3A_872 : memref<1x1x128xf32, #tpu.memory_space<vmem>> -> memref<128xf32, #tpu.memory_space<vmem>>
    %dma_wait3A_874 = arith.constant 0 : i32
    %dma_wait3A_875 = tpu.memref_slice %arg7[%dma_wait3A_868, %dma_wait3A_874] : memref<4x128xi32, #tpu.memory_space<vmem>> -> memref<1x128xi32, #tpu.memory_space<vmem>>
    %dma_wait3A_876 = tpu.memref_squeeze %dma_wait3A_875 : memref<1x128xi32, #tpu.memory_space<vmem>> -> memref<128xi32, #tpu.memory_space<vmem>>
    %dma_wait3A_877 = arith.constant 0 : i32
    %dma_wait3A_878 = tpu.memref_slice %arg3[%dma_wait3A_867, %dma_wait3A_877] : memref<6x100000xf32, #tpu.memory_space<hbm>> -> memref<1x100000xf32, #tpu.memory_space<hbm>>
    %dma_wait3A_879 = tpu.memref_squeeze %dma_wait3A_878 : memref<1x100000xf32, #tpu.memory_space<hbm>> -> memref<100000xf32, #tpu.memory_space<hbm>>
    %dma_wait3A_880 = arith.constant 0 : i32
    %dma_wait3A_881 = tpu.memref_slice %dma_wait3A_879[%dma_wait3A_880] : memref<100000xf32, #tpu.memory_space<hbm>> -> memref<100000xf32, #tpu.memory_space<hbm>>
    tpu.wait_indirect_dma semaphore(%arg12 : memref<!tpu.dma_semaphore, #tpu.memory_space<semaphore_mem>>) src(%dma_wait3A_881 : memref<100000xf32, #tpu.memory_space<hbm>>) dst(%dma_wait3A_873 : memref<128xf32, #tpu.memory_space<vmem>>)
    %dma_wait3A_882 = arith.constant 1 : i32
    %dma_wait3A_883 = arith.constant 2 : i32
    %dma_wait3A_884 = arith.constant 2 : i32
    %dma_wait3A_885 = arith.constant 1 : i32
    %dma_wait3A_886 = arith.constant 0 : i32
    %dma_wait3A_887 = tpu.memref_slice %arg9[%dma_wait3A_884, %dma_wait3A_885, %dma_wait3A_886] : memref<4x6x128xf32, #tpu.memory_space<vmem>> -> memref<1x1x128xf32, #tpu.memory_space<vmem>>
    %dma_wait3A_888 = tpu.memref_squeeze %dma_wait3A_887 : memref<1x1x128xf32, #tpu.memory_space<vmem>> -> memref<128xf32, #tpu.memory_space<vmem>>
    %dma_wait3A_889 = arith.constant 0 : i32
    %dma_wait3A_890 = tpu.memref_slice %arg7[%dma_wait3A_883, %dma_wait3A_889] : memref<4x128xi32, #tpu.memory_space<vmem>> -> memref<1x128xi32, #tpu.memory_space<vmem>>
    %dma_wait3A_891 = tpu.memref_squeeze %dma_wait3A_890 : memref<1x128xi32, #tpu.memory_space<vmem>> -> memref<128xi32, #tpu.memory_space<vmem>>
    %dma_wait3A_892 = arith.constant 0 : i32
    %dma_wait3A_893 = tpu.memref_slice %arg3[%dma_wait3A_882, %dma_wait3A_892] : memref<6x100000xf32, #tpu.memory_space<hbm>> -> memref<1x100000xf32, #tpu.memory_space<hbm>>
    %dma_wait3A_894 = tpu.memref_squeeze %dma_wait3A_893 : memref<1x100000xf32, #tpu.memory_space<hbm>> -> memref<100000xf32, #tpu.memory_space<hbm>>
    %dma_wait3A_895 = arith.constant 0 : i32
    %dma_wait3A_896 = tpu.memref_slice %dma_wait3A_894[%dma_wait3A_895] : memref<100000xf32, #tpu.memory_space<hbm>> -> memref<100000xf32, #tpu.memory_space<hbm>>
    tpu.wait_indirect_dma semaphore(%arg12 : memref<!tpu.dma_semaphore, #tpu.memory_space<semaphore_mem>>) src(%dma_wait3A_896 : memref<100000xf32, #tpu.memory_space<hbm>>) dst(%dma_wait3A_888 : memref<128xf32, #tpu.memory_space<vmem>>)
    %dma_wait3A_897 = arith.constant 2 : i32
    %dma_wait3A_898 = arith.constant 2 : i32
    %dma_wait3A_899 = arith.constant 2 : i32
    %dma_wait3A_900 = arith.constant 2 : i32
    %dma_wait3A_901 = arith.constant 0 : i32
    %dma_wait3A_902 = tpu.memref_slice %arg9[%dma_wait3A_899, %dma_wait3A_900, %dma_wait3A_901] : memref<4x6x128xf32, #tpu.memory_space<vmem>> -> memref<1x1x128xf32, #tpu.memory_space<vmem>>
    %dma_wait3A_903 = tpu.memref_squeeze %dma_wait3A_902 : memref<1x1x128xf32, #tpu.memory_space<vmem>> -> memref<128xf32, #tpu.memory_space<vmem>>
    %dma_wait3A_904 = arith.constant 0 : i32
    %dma_wait3A_905 = tpu.memref_slice %arg7[%dma_wait3A_898, %dma_wait3A_904] : memref<4x128xi32, #tpu.memory_space<vmem>> -> memref<1x128xi32, #tpu.memory_space<vmem>>
    %dma_wait3A_906 = tpu.memref_squeeze %dma_wait3A_905 : memref<1x128xi32, #tpu.memory_space<vmem>> -> memref<128xi32, #tpu.memory_space<vmem>>
    %dma_wait3A_907 = arith.constant 0 : i32
    %dma_wait3A_908 = tpu.memref_slice %arg3[%dma_wait3A_897, %dma_wait3A_907] : memref<6x100000xf32, #tpu.memory_space<hbm>> -> memref<1x100000xf32, #tpu.memory_space<hbm>>
    %dma_wait3A_909 = tpu.memref_squeeze %dma_wait3A_908 : memref<1x100000xf32, #tpu.memory_space<hbm>> -> memref<100000xf32, #tpu.memory_space<hbm>>
    %dma_wait3A_910 = arith.constant 0 : i32
    %dma_wait3A_911 = tpu.memref_slice %dma_wait3A_909[%dma_wait3A_910] : memref<100000xf32, #tpu.memory_space<hbm>> -> memref<100000xf32, #tpu.memory_space<hbm>>
    tpu.wait_indirect_dma semaphore(%arg12 : memref<!tpu.dma_semaphore, #tpu.memory_space<semaphore_mem>>) src(%dma_wait3A_911 : memref<100000xf32, #tpu.memory_space<hbm>>) dst(%dma_wait3A_903 : memref<128xf32, #tpu.memory_space<vmem>>)
    %dma_wait3A_912 = arith.constant 3 : i32
    %dma_wait3A_913 = arith.constant 2 : i32
    %dma_wait3A_914 = arith.constant 2 : i32
    %dma_wait3A_915 = arith.constant 3 : i32
    %dma_wait3A_916 = arith.constant 0 : i32
    %dma_wait3A_917 = tpu.memref_slice %arg9[%dma_wait3A_914, %dma_wait3A_915, %dma_wait3A_916] : memref<4x6x128xf32, #tpu.memory_space<vmem>> -> memref<1x1x128xf32, #tpu.memory_space<vmem>>
    %dma_wait3A_918 = tpu.memref_squeeze %dma_wait3A_917 : memref<1x1x128xf32, #tpu.memory_space<vmem>> -> memref<128xf32, #tpu.memory_space<vmem>>
    %dma_wait3A_919 = arith.constant 0 : i32
    %dma_wait3A_920 = tpu.memref_slice %arg7[%dma_wait3A_913, %dma_wait3A_919] : memref<4x128xi32, #tpu.memory_space<vmem>> -> memref<1x128xi32, #tpu.memory_space<vmem>>
    %dma_wait3A_921 = tpu.memref_squeeze %dma_wait3A_920 : memref<1x128xi32, #tpu.memory_space<vmem>> -> memref<128xi32, #tpu.memory_space<vmem>>
    %dma_wait3A_922 = arith.constant 0 : i32
    %dma_wait3A_923 = tpu.memref_slice %arg3[%dma_wait3A_912, %dma_wait3A_922] : memref<6x100000xf32, #tpu.memory_space<hbm>> -> memref<1x100000xf32, #tpu.memory_space<hbm>>
    %dma_wait3A_924 = tpu.memref_squeeze %dma_wait3A_923 : memref<1x100000xf32, #tpu.memory_space<hbm>> -> memref<100000xf32, #tpu.memory_space<hbm>>
    %dma_wait3A_925 = arith.constant 0 : i32
    %dma_wait3A_926 = tpu.memref_slice %dma_wait3A_924[%dma_wait3A_925] : memref<100000xf32, #tpu.memory_space<hbm>> -> memref<100000xf32, #tpu.memory_space<hbm>>
    tpu.wait_indirect_dma semaphore(%arg12 : memref<!tpu.dma_semaphore, #tpu.memory_space<semaphore_mem>>) src(%dma_wait3A_926 : memref<100000xf32, #tpu.memory_space<hbm>>) dst(%dma_wait3A_918 : memref<128xf32, #tpu.memory_space<vmem>>)
    %dma_wait3A_927 = arith.constant 4 : i32
    %dma_wait3A_928 = arith.constant 2 : i32
    %dma_wait3A_929 = arith.constant 2 : i32
    %dma_wait3A_930 = arith.constant 4 : i32
    %dma_wait3A_931 = arith.constant 0 : i32
    %dma_wait3A_932 = tpu.memref_slice %arg9[%dma_wait3A_929, %dma_wait3A_930, %dma_wait3A_931] : memref<4x6x128xf32, #tpu.memory_space<vmem>> -> memref<1x1x128xf32, #tpu.memory_space<vmem>>
    %dma_wait3A_933 = tpu.memref_squeeze %dma_wait3A_932 : memref<1x1x128xf32, #tpu.memory_space<vmem>> -> memref<128xf32, #tpu.memory_space<vmem>>
    %dma_wait3A_934 = arith.constant 0 : i32
    %dma_wait3A_935 = tpu.memref_slice %arg7[%dma_wait3A_928, %dma_wait3A_934] : memref<4x128xi32, #tpu.memory_space<vmem>> -> memref<1x128xi32, #tpu.memory_space<vmem>>
    %dma_wait3A_936 = tpu.memref_squeeze %dma_wait3A_935 : memref<1x128xi32, #tpu.memory_space<vmem>> -> memref<128xi32, #tpu.memory_space<vmem>>
    %dma_wait3A_937 = arith.constant 0 : i32
    %dma_wait3A_938 = tpu.memref_slice %arg3[%dma_wait3A_927, %dma_wait3A_937] : memref<6x100000xf32, #tpu.memory_space<hbm>> -> memref<1x100000xf32, #tpu.memory_space<hbm>>
    %dma_wait3A_939 = tpu.memref_squeeze %dma_wait3A_938 : memref<1x100000xf32, #tpu.memory_space<hbm>> -> memref<100000xf32, #tpu.memory_space<hbm>>
    %dma_wait3A_940 = arith.constant 0 : i32
    %dma_wait3A_941 = tpu.memref_slice %dma_wait3A_939[%dma_wait3A_940] : memref<100000xf32, #tpu.memory_space<hbm>> -> memref<100000xf32, #tpu.memory_space<hbm>>
    tpu.wait_indirect_dma semaphore(%arg12 : memref<!tpu.dma_semaphore, #tpu.memory_space<semaphore_mem>>) src(%dma_wait3A_941 : memref<100000xf32, #tpu.memory_space<hbm>>) dst(%dma_wait3A_933 : memref<128xf32, #tpu.memory_space<vmem>>)
    %dma_wait3A_942 = arith.constant 5 : i32
    %dma_wait3A_943 = arith.constant 2 : i32
    %dma_wait3A_944 = arith.constant 2 : i32
    %dma_wait3A_945 = arith.constant 5 : i32
    %dma_wait3A_946 = arith.constant 0 : i32
    %dma_wait3A_947 = tpu.memref_slice %arg9[%dma_wait3A_944, %dma_wait3A_945, %dma_wait3A_946] : memref<4x6x128xf32, #tpu.memory_space<vmem>> -> memref<1x1x128xf32, #tpu.memory_space<vmem>>
    %dma_wait3A_948 = tpu.memref_squeeze %dma_wait3A_947 : memref<1x1x128xf32, #tpu.memory_space<vmem>> -> memref<128xf32, #tpu.memory_space<vmem>>
    %dma_wait3A_949 = arith.constant 0 : i32
    %dma_wait3A_950 = tpu.memref_slice %arg7[%dma_wait3A_943, %dma_wait3A_949] : memref<4x128xi32, #tpu.memory_space<vmem>> -> memref<1x128xi32, #tpu.memory_space<vmem>>
    %dma_wait3A_951 = tpu.memref_squeeze %dma_wait3A_950 : memref<1x128xi32, #tpu.memory_space<vmem>> -> memref<128xi32, #tpu.memory_space<vmem>>
    %dma_wait3A_952 = arith.constant 0 : i32
    %dma_wait3A_953 = tpu.memref_slice %arg3[%dma_wait3A_942, %dma_wait3A_952] : memref<6x100000xf32, #tpu.memory_space<hbm>> -> memref<1x100000xf32, #tpu.memory_space<hbm>>
    %dma_wait3A_954 = tpu.memref_squeeze %dma_wait3A_953 : memref<1x100000xf32, #tpu.memory_space<hbm>> -> memref<100000xf32, #tpu.memory_space<hbm>>
    %dma_wait3A_955 = arith.constant 0 : i32
    %dma_wait3A_956 = tpu.memref_slice %dma_wait3A_954[%dma_wait3A_955] : memref<100000xf32, #tpu.memory_space<hbm>> -> memref<100000xf32, #tpu.memory_space<hbm>>
    tpu.wait_indirect_dma semaphore(%arg12 : memref<!tpu.dma_semaphore, #tpu.memory_space<semaphore_mem>>) src(%dma_wait3A_956 : memref<100000xf32, #tpu.memory_space<hbm>>) dst(%dma_wait3A_948 : memref<128xf32, #tpu.memory_space<vmem>>)
    %mul3A_957 = arith.constant 4 : i32
    %mul3A_958 = arith.muli %add3A, %mul3A_957 : i32
    %add3A_959 = arith.constant 2 : i32
    %add3A_960 = arith.addi %mul3A_958, %add3A_959 : i32
    %run_scoped3A_961 = arith.constant 2 : i32
    "tpu.region"() ({
      %run_scoped3A_1104 = tpu.sem_alloc : memref<!tpu.dma_semaphore, #tpu.memory_space<semaphore_mem>>
      %dma_start3A_1105 = arith.constant 0 : i32
      %dma_start3A_1106 = arith.constant 0 : i32
      %dma_start3A_1107 = tpu.memref_slice %arg8[%run_scoped3A_961, %dma_start3A_1105, %dma_start3A_1106] : memref<4x3x128xf32, #tpu.memory_space<vmem>> -> memref<1x3x128xf32, #tpu.memory_space<vmem>>
      %dma_start3A_1108 = tpu.memref_squeeze %dma_start3A_1107 : memref<1x3x128xf32, #tpu.memory_space<vmem>> -> memref<3x128xf32, #tpu.memory_space<vmem>>
      %dma_start3A_1109 = arith.constant 0 : i32
      %dma_start3A_1110 = arith.constant 0 : i32
      %dma_start3A_1111 = tpu.memref_slice %arg5[%add3A_960, %dma_start3A_1109, %dma_start3A_1110] : memref<128x4x128xf32, #tpu.memory_space<hbm>> -> memref<1x3x128xf32, #tpu.memory_space<hbm>>
      %dma_start3A_1112 = tpu.memref_squeeze %dma_start3A_1111 : memref<1x3x128xf32, #tpu.memory_space<hbm>> -> memref<3x128xf32, #tpu.memory_space<hbm>>
      %dma_start3A_1113 = arith.constant 0 : i32
      %dma_start3A_1114 = arith.constant 0 : i32
      %dma_start3A_1115 = tpu.memref_slice %arg5[%add3A_960, %dma_start3A_1113, %dma_start3A_1114] : memref<128x4x128xf32, #tpu.memory_space<hbm>> -> memref<1x3x128xf32, #tpu.memory_space<hbm>>
      %dma_start3A_1116 = tpu.memref_squeeze %dma_start3A_1115 : memref<1x3x128xf32, #tpu.memory_space<hbm>> -> memref<3x128xf32, #tpu.memory_space<hbm>>
      %dma_start3A_1117 = arith.constant 0 : i32
      %dma_start3A_1118 = arith.constant 0 : i32
      %dma_start3A_1119 = tpu.memref_slice %arg8[%run_scoped3A_961, %dma_start3A_1117, %dma_start3A_1118] : memref<4x3x128xf32, #tpu.memory_space<vmem>> -> memref<1x3x128xf32, #tpu.memory_space<vmem>>
      %dma_start3A_1120 = tpu.memref_squeeze %dma_start3A_1119 : memref<1x3x128xf32, #tpu.memory_space<vmem>> -> memref<3x128xf32, #tpu.memory_space<vmem>>
      tpu.enqueue_dma source(%dma_start3A_1120 : memref<3x128xf32, #tpu.memory_space<vmem>>) target(%dma_start3A_1116 : memref<3x128xf32, #tpu.memory_space<hbm>>) target_semaphore(%run_scoped3A_1104 : memref<!tpu.dma_semaphore, #tpu.memory_space<semaphore_mem>>)
      %dma_wait3A_1121 = arith.constant 0 : i32
      %dma_wait3A_1122 = arith.constant 0 : i32
      %dma_wait3A_1123 = tpu.memref_slice %arg8[%run_scoped3A_961, %dma_wait3A_1121, %dma_wait3A_1122] : memref<4x3x128xf32, #tpu.memory_space<vmem>> -> memref<1x3x128xf32, #tpu.memory_space<vmem>>
      %dma_wait3A_1124 = tpu.memref_squeeze %dma_wait3A_1123 : memref<1x3x128xf32, #tpu.memory_space<vmem>> -> memref<3x128xf32, #tpu.memory_space<vmem>>
      %dma_wait3A_1125 = arith.constant 0 : i32
      %dma_wait3A_1126 = arith.constant 0 : i32
      %dma_wait3A_1127 = tpu.memref_slice %arg5[%add3A_960, %dma_wait3A_1125, %dma_wait3A_1126] : memref<128x4x128xf32, #tpu.memory_space<hbm>> -> memref<1x3x128xf32, #tpu.memory_space<hbm>>
      %dma_wait3A_1128 = tpu.memref_squeeze %dma_wait3A_1127 : memref<1x3x128xf32, #tpu.memory_space<hbm>> -> memref<3x128xf32, #tpu.memory_space<hbm>>
      %dma_wait3A_1129 = arith.constant 0 : i32
      %dma_wait3A_1130 = arith.constant 0 : i32
      %dma_wait3A_1131 = tpu.memref_slice %arg5[%add3A_960, %dma_wait3A_1129, %dma_wait3A_1130] : memref<128x4x128xf32, #tpu.memory_space<hbm>> -> memref<1x3x128xf32, #tpu.memory_space<hbm>>
      %dma_wait3A_1132 = tpu.memref_squeeze %dma_wait3A_1131 : memref<1x3x128xf32, #tpu.memory_space<hbm>> -> memref<3x128xf32, #tpu.memory_space<hbm>>
      %dma_wait3A_1133 = arith.constant 0 : i32
      %dma_wait3A_1134 = arith.constant 0 : i32
      %dma_wait3A_1135 = tpu.memref_slice %arg8[%run_scoped3A_961, %dma_wait3A_1133, %dma_wait3A_1134] : memref<4x3x128xf32, #tpu.memory_space<vmem>> -> memref<1x3x128xf32, #tpu.memory_space<vmem>>
      %dma_wait3A_1136 = tpu.memref_squeeze %dma_wait3A_1135 : memref<1x3x128xf32, #tpu.memory_space<vmem>> -> memref<3x128xf32, #tpu.memory_space<vmem>>
      tpu.wait_dma2 semaphore(%run_scoped3A_1104 : memref<!tpu.dma_semaphore, #tpu.memory_space<semaphore_mem>>) src(%dma_wait3A_1136 : memref<3x128xf32, #tpu.memory_space<vmem>>) dst(%dma_wait3A_1132 : memref<3x128xf32, #tpu.memory_space<hbm>>)
      tpu.yield
    }) : () -> ()
    %run_scoped3A_962 = arith.constant 2 : i32
    "tpu.region"() ({
      %run_scoped3A_1104 = tpu.sem_alloc : memref<!tpu.dma_semaphore, #tpu.memory_space<semaphore_mem>>
      %dma_start3A_1105 = arith.constant 0 : i32
      %dma_start3A_1106 = arith.constant 0 : i32
      %dma_start3A_1107 = tpu.memref_slice %arg9[%run_scoped3A_962, %dma_start3A_1105, %dma_start3A_1106] : memref<4x6x128xf32, #tpu.memory_space<vmem>> -> memref<1x6x128xf32, #tpu.memory_space<vmem>>
      %dma_start3A_1108 = tpu.memref_squeeze %dma_start3A_1107 : memref<1x6x128xf32, #tpu.memory_space<vmem>> -> memref<6x128xf32, #tpu.memory_space<vmem>>
      %dma_start3A_1109 = arith.constant 0 : i32
      %dma_start3A_1110 = arith.constant 0 : i32
      %dma_start3A_1111 = tpu.memref_slice %arg6[%add3A_960, %dma_start3A_1109, %dma_start3A_1110] : memref<128x8x128xf32, #tpu.memory_space<hbm>> -> memref<1x6x128xf32, #tpu.memory_space<hbm>>
      %dma_start3A_1112 = tpu.memref_squeeze %dma_start3A_1111 : memref<1x6x128xf32, #tpu.memory_space<hbm>> -> memref<6x128xf32, #tpu.memory_space<hbm>>
      %dma_start3A_1113 = arith.constant 0 : i32
      %dma_start3A_1114 = arith.constant 0 : i32
      %dma_start3A_1115 = tpu.memref_slice %arg6[%add3A_960, %dma_start3A_1113, %dma_start3A_1114] : memref<128x8x128xf32, #tpu.memory_space<hbm>> -> memref<1x6x128xf32, #tpu.memory_space<hbm>>
      %dma_start3A_1116 = tpu.memref_squeeze %dma_start3A_1115 : memref<1x6x128xf32, #tpu.memory_space<hbm>> -> memref<6x128xf32, #tpu.memory_space<hbm>>
      %dma_start3A_1117 = arith.constant 0 : i32
      %dma_start3A_1118 = arith.constant 0 : i32
      %dma_start3A_1119 = tpu.memref_slice %arg9[%run_scoped3A_962, %dma_start3A_1117, %dma_start3A_1118] : memref<4x6x128xf32, #tpu.memory_space<vmem>> -> memref<1x6x128xf32, #tpu.memory_space<vmem>>
      %dma_start3A_1120 = tpu.memref_squeeze %dma_start3A_1119 : memref<1x6x128xf32, #tpu.memory_space<vmem>> -> memref<6x128xf32, #tpu.memory_space<vmem>>
      tpu.enqueue_dma source(%dma_start3A_1120 : memref<6x128xf32, #tpu.memory_space<vmem>>) target(%dma_start3A_1116 : memref<6x128xf32, #tpu.memory_space<hbm>>) target_semaphore(%run_scoped3A_1104 : memref<!tpu.dma_semaphore, #tpu.memory_space<semaphore_mem>>)
      %dma_wait3A_1121 = arith.constant 0 : i32
      %dma_wait3A_1122 = arith.constant 0 : i32
      %dma_wait3A_1123 = tpu.memref_slice %arg9[%run_scoped3A_962, %dma_wait3A_1121, %dma_wait3A_1122] : memref<4x6x128xf32, #tpu.memory_space<vmem>> -> memref<1x6x128xf32, #tpu.memory_space<vmem>>
      %dma_wait3A_1124 = tpu.memref_squeeze %dma_wait3A_1123 : memref<1x6x128xf32, #tpu.memory_space<vmem>> -> memref<6x128xf32, #tpu.memory_space<vmem>>
      %dma_wait3A_1125 = arith.constant 0 : i32
      %dma_wait3A_1126 = arith.constant 0 : i32
      %dma_wait3A_1127 = tpu.memref_slice %arg6[%add3A_960, %dma_wait3A_1125, %dma_wait3A_1126] : memref<128x8x128xf32, #tpu.memory_space<hbm>> -> memref<1x6x128xf32, #tpu.memory_space<hbm>>
      %dma_wait3A_1128 = tpu.memref_squeeze %dma_wait3A_1127 : memref<1x6x128xf32, #tpu.memory_space<hbm>> -> memref<6x128xf32, #tpu.memory_space<hbm>>
      %dma_wait3A_1129 = arith.constant 0 : i32
      %dma_wait3A_1130 = arith.constant 0 : i32
      %dma_wait3A_1131 = tpu.memref_slice %arg6[%add3A_960, %dma_wait3A_1129, %dma_wait3A_1130] : memref<128x8x128xf32, #tpu.memory_space<hbm>> -> memref<1x6x128xf32, #tpu.memory_space<hbm>>
      %dma_wait3A_1132 = tpu.memref_squeeze %dma_wait3A_1131 : memref<1x6x128xf32, #tpu.memory_space<hbm>> -> memref<6x128xf32, #tpu.memory_space<hbm>>
      %dma_wait3A_1133 = arith.constant 0 : i32
      %dma_wait3A_1134 = arith.constant 0 : i32
      %dma_wait3A_1135 = tpu.memref_slice %arg9[%run_scoped3A_962, %dma_wait3A_1133, %dma_wait3A_1134] : memref<4x6x128xf32, #tpu.memory_space<vmem>> -> memref<1x6x128xf32, #tpu.memory_space<vmem>>
      %dma_wait3A_1136 = tpu.memref_squeeze %dma_wait3A_1135 : memref<1x6x128xf32, #tpu.memory_space<vmem>> -> memref<6x128xf32, #tpu.memory_space<vmem>>
      tpu.wait_dma2 semaphore(%run_scoped3A_1104 : memref<!tpu.dma_semaphore, #tpu.memory_space<semaphore_mem>>) src(%dma_wait3A_1136 : memref<6x128xf32, #tpu.memory_space<vmem>>) dst(%dma_wait3A_1132 : memref<6x128xf32, #tpu.memory_space<hbm>>)
      tpu.yield
    }) : () -> ()
    %dma_wait3A_963 = arith.constant 0 : i32
    %dma_wait3A_964 = arith.constant 3 : i32
    %dma_wait3A_965 = arith.constant 3 : i32
    %dma_wait3A_966 = arith.constant 0 : i32
    %dma_wait3A_967 = arith.constant 0 : i32
    %dma_wait3A_968 = tpu.memref_slice %arg8[%dma_wait3A_965, %dma_wait3A_966, %dma_wait3A_967] : memref<4x3x128xf32, #tpu.memory_space<vmem>> -> memref<1x1x128xf32, #tpu.memory_space<vmem>>
    %dma_wait3A_969 = tpu.memref_squeeze %dma_wait3A_968 : memref<1x1x128xf32, #tpu.memory_space<vmem>> -> memref<128xf32, #tpu.memory_space<vmem>>
    %dma_wait3A_970 = arith.constant 0 : i32
    %dma_wait3A_971 = tpu.memref_slice %arg7[%dma_wait3A_964, %dma_wait3A_970] : memref<4x128xi32, #tpu.memory_space<vmem>> -> memref<1x128xi32, #tpu.memory_space<vmem>>
    %dma_wait3A_972 = tpu.memref_squeeze %dma_wait3A_971 : memref<1x128xi32, #tpu.memory_space<vmem>> -> memref<128xi32, #tpu.memory_space<vmem>>
    %dma_wait3A_973 = arith.constant 0 : i32
    %dma_wait3A_974 = tpu.memref_slice %arg2[%dma_wait3A_963, %dma_wait3A_973] : memref<3x100000xf32, #tpu.memory_space<hbm>> -> memref<1x100000xf32, #tpu.memory_space<hbm>>
    %dma_wait3A_975 = tpu.memref_squeeze %dma_wait3A_974 : memref<1x100000xf32, #tpu.memory_space<hbm>> -> memref<100000xf32, #tpu.memory_space<hbm>>
    %dma_wait3A_976 = arith.constant 0 : i32
    %dma_wait3A_977 = tpu.memref_slice %dma_wait3A_975[%dma_wait3A_976] : memref<100000xf32, #tpu.memory_space<hbm>> -> memref<100000xf32, #tpu.memory_space<hbm>>
    tpu.wait_indirect_dma semaphore(%arg13 : memref<!tpu.dma_semaphore, #tpu.memory_space<semaphore_mem>>) src(%dma_wait3A_977 : memref<100000xf32, #tpu.memory_space<hbm>>) dst(%dma_wait3A_969 : memref<128xf32, #tpu.memory_space<vmem>>)
    %dma_wait3A_978 = arith.constant 1 : i32
    %dma_wait3A_979 = arith.constant 3 : i32
    %dma_wait3A_980 = arith.constant 3 : i32
    %dma_wait3A_981 = arith.constant 1 : i32
    %dma_wait3A_982 = arith.constant 0 : i32
    %dma_wait3A_983 = tpu.memref_slice %arg8[%dma_wait3A_980, %dma_wait3A_981, %dma_wait3A_982] : memref<4x3x128xf32, #tpu.memory_space<vmem>> -> memref<1x1x128xf32, #tpu.memory_space<vmem>>
    %dma_wait3A_984 = tpu.memref_squeeze %dma_wait3A_983 : memref<1x1x128xf32, #tpu.memory_space<vmem>> -> memref<128xf32, #tpu.memory_space<vmem>>
    %dma_wait3A_985 = arith.constant 0 : i32
    %dma_wait3A_986 = tpu.memref_slice %arg7[%dma_wait3A_979, %dma_wait3A_985] : memref<4x128xi32, #tpu.memory_space<vmem>> -> memref<1x128xi32, #tpu.memory_space<vmem>>
    %dma_wait3A_987 = tpu.memref_squeeze %dma_wait3A_986 : memref<1x128xi32, #tpu.memory_space<vmem>> -> memref<128xi32, #tpu.memory_space<vmem>>
    %dma_wait3A_988 = arith.constant 0 : i32
    %dma_wait3A_989 = tpu.memref_slice %arg2[%dma_wait3A_978, %dma_wait3A_988] : memref<3x100000xf32, #tpu.memory_space<hbm>> -> memref<1x100000xf32, #tpu.memory_space<hbm>>
    %dma_wait3A_990 = tpu.memref_squeeze %dma_wait3A_989 : memref<1x100000xf32, #tpu.memory_space<hbm>> -> memref<100000xf32, #tpu.memory_space<hbm>>
    %dma_wait3A_991 = arith.constant 0 : i32
    %dma_wait3A_992 = tpu.memref_slice %dma_wait3A_990[%dma_wait3A_991] : memref<100000xf32, #tpu.memory_space<hbm>> -> memref<100000xf32, #tpu.memory_space<hbm>>
    tpu.wait_indirect_dma semaphore(%arg13 : memref<!tpu.dma_semaphore, #tpu.memory_space<semaphore_mem>>) src(%dma_wait3A_992 : memref<100000xf32, #tpu.memory_space<hbm>>) dst(%dma_wait3A_984 : memref<128xf32, #tpu.memory_space<vmem>>)
    %dma_wait3A_993 = arith.constant 2 : i32
    %dma_wait3A_994 = arith.constant 3 : i32
    %dma_wait3A_995 = arith.constant 3 : i32
    %dma_wait3A_996 = arith.constant 2 : i32
    %dma_wait3A_997 = arith.constant 0 : i32
    %dma_wait3A_998 = tpu.memref_slice %arg8[%dma_wait3A_995, %dma_wait3A_996, %dma_wait3A_997] : memref<4x3x128xf32, #tpu.memory_space<vmem>> -> memref<1x1x128xf32, #tpu.memory_space<vmem>>
    %dma_wait3A_999 = tpu.memref_squeeze %dma_wait3A_998 : memref<1x1x128xf32, #tpu.memory_space<vmem>> -> memref<128xf32, #tpu.memory_space<vmem>>
    %dma_wait3A_1000 = arith.constant 0 : i32
    %dma_wait3A_1001 = tpu.memref_slice %arg7[%dma_wait3A_994, %dma_wait3A_1000] : memref<4x128xi32, #tpu.memory_space<vmem>> -> memref<1x128xi32, #tpu.memory_space<vmem>>
    %dma_wait3A_1002 = tpu.memref_squeeze %dma_wait3A_1001 : memref<1x128xi32, #tpu.memory_space<vmem>> -> memref<128xi32, #tpu.memory_space<vmem>>
    %dma_wait3A_1003 = arith.constant 0 : i32
    %dma_wait3A_1004 = tpu.memref_slice %arg2[%dma_wait3A_993, %dma_wait3A_1003] : memref<3x100000xf32, #tpu.memory_space<hbm>> -> memref<1x100000xf32, #tpu.memory_space<hbm>>
    %dma_wait3A_1005 = tpu.memref_squeeze %dma_wait3A_1004 : memref<1x100000xf32, #tpu.memory_space<hbm>> -> memref<100000xf32, #tpu.memory_space<hbm>>
    %dma_wait3A_1006 = arith.constant 0 : i32
    %dma_wait3A_1007 = tpu.memref_slice %dma_wait3A_1005[%dma_wait3A_1006] : memref<100000xf32, #tpu.memory_space<hbm>> -> memref<100000xf32, #tpu.memory_space<hbm>>
    tpu.wait_indirect_dma semaphore(%arg13 : memref<!tpu.dma_semaphore, #tpu.memory_space<semaphore_mem>>) src(%dma_wait3A_1007 : memref<100000xf32, #tpu.memory_space<hbm>>) dst(%dma_wait3A_999 : memref<128xf32, #tpu.memory_space<vmem>>)
    %dma_wait3A_1008 = arith.constant 0 : i32
    %dma_wait3A_1009 = arith.constant 3 : i32
    %dma_wait3A_1010 = arith.constant 3 : i32
    %dma_wait3A_1011 = arith.constant 0 : i32
    %dma_wait3A_1012 = arith.constant 0 : i32
    %dma_wait3A_1013 = tpu.memref_slice %arg9[%dma_wait3A_1010, %dma_wait3A_1011, %dma_wait3A_1012] : memref<4x6x128xf32, #tpu.memory_space<vmem>> -> memref<1x1x128xf32, #tpu.memory_space<vmem>>
    %dma_wait3A_1014 = tpu.memref_squeeze %dma_wait3A_1013 : memref<1x1x128xf32, #tpu.memory_space<vmem>> -> memref<128xf32, #tpu.memory_space<vmem>>
    %dma_wait3A_1015 = arith.constant 0 : i32
    %dma_wait3A_1016 = tpu.memref_slice %arg7[%dma_wait3A_1009, %dma_wait3A_1015] : memref<4x128xi32, #tpu.memory_space<vmem>> -> memref<1x128xi32, #tpu.memory_space<vmem>>
    %dma_wait3A_1017 = tpu.memref_squeeze %dma_wait3A_1016 : memref<1x128xi32, #tpu.memory_space<vmem>> -> memref<128xi32, #tpu.memory_space<vmem>>
    %dma_wait3A_1018 = arith.constant 0 : i32
    %dma_wait3A_1019 = tpu.memref_slice %arg3[%dma_wait3A_1008, %dma_wait3A_1018] : memref<6x100000xf32, #tpu.memory_space<hbm>> -> memref<1x100000xf32, #tpu.memory_space<hbm>>
    %dma_wait3A_1020 = tpu.memref_squeeze %dma_wait3A_1019 : memref<1x100000xf32, #tpu.memory_space<hbm>> -> memref<100000xf32, #tpu.memory_space<hbm>>
    %dma_wait3A_1021 = arith.constant 0 : i32
    %dma_wait3A_1022 = tpu.memref_slice %dma_wait3A_1020[%dma_wait3A_1021] : memref<100000xf32, #tpu.memory_space<hbm>> -> memref<100000xf32, #tpu.memory_space<hbm>>
    tpu.wait_indirect_dma semaphore(%arg13 : memref<!tpu.dma_semaphore, #tpu.memory_space<semaphore_mem>>) src(%dma_wait3A_1022 : memref<100000xf32, #tpu.memory_space<hbm>>) dst(%dma_wait3A_1014 : memref<128xf32, #tpu.memory_space<vmem>>)
    %dma_wait3A_1023 = arith.constant 1 : i32
    %dma_wait3A_1024 = arith.constant 3 : i32
    %dma_wait3A_1025 = arith.constant 3 : i32
    %dma_wait3A_1026 = arith.constant 1 : i32
    %dma_wait3A_1027 = arith.constant 0 : i32
    %dma_wait3A_1028 = tpu.memref_slice %arg9[%dma_wait3A_1025, %dma_wait3A_1026, %dma_wait3A_1027] : memref<4x6x128xf32, #tpu.memory_space<vmem>> -> memref<1x1x128xf32, #tpu.memory_space<vmem>>
    %dma_wait3A_1029 = tpu.memref_squeeze %dma_wait3A_1028 : memref<1x1x128xf32, #tpu.memory_space<vmem>> -> memref<128xf32, #tpu.memory_space<vmem>>
    %dma_wait3A_1030 = arith.constant 0 : i32
    %dma_wait3A_1031 = tpu.memref_slice %arg7[%dma_wait3A_1024, %dma_wait3A_1030] : memref<4x128xi32, #tpu.memory_space<vmem>> -> memref<1x128xi32, #tpu.memory_space<vmem>>
    %dma_wait3A_1032 = tpu.memref_squeeze %dma_wait3A_1031 : memref<1x128xi32, #tpu.memory_space<vmem>> -> memref<128xi32, #tpu.memory_space<vmem>>
    %dma_wait3A_1033 = arith.constant 0 : i32
    %dma_wait3A_1034 = tpu.memref_slice %arg3[%dma_wait3A_1023, %dma_wait3A_1033] : memref<6x100000xf32, #tpu.memory_space<hbm>> -> memref<1x100000xf32, #tpu.memory_space<hbm>>
    %dma_wait3A_1035 = tpu.memref_squeeze %dma_wait3A_1034 : memref<1x100000xf32, #tpu.memory_space<hbm>> -> memref<100000xf32, #tpu.memory_space<hbm>>
    %dma_wait3A_1036 = arith.constant 0 : i32
    %dma_wait3A_1037 = tpu.memref_slice %dma_wait3A_1035[%dma_wait3A_1036] : memref<100000xf32, #tpu.memory_space<hbm>> -> memref<100000xf32, #tpu.memory_space<hbm>>
    tpu.wait_indirect_dma semaphore(%arg13 : memref<!tpu.dma_semaphore, #tpu.memory_space<semaphore_mem>>) src(%dma_wait3A_1037 : memref<100000xf32, #tpu.memory_space<hbm>>) dst(%dma_wait3A_1029 : memref<128xf32, #tpu.memory_space<vmem>>)
    %dma_wait3A_1038 = arith.constant 2 : i32
    %dma_wait3A_1039 = arith.constant 3 : i32
    %dma_wait3A_1040 = arith.constant 3 : i32
    %dma_wait3A_1041 = arith.constant 2 : i32
    %dma_wait3A_1042 = arith.constant 0 : i32
    %dma_wait3A_1043 = tpu.memref_slice %arg9[%dma_wait3A_1040, %dma_wait3A_1041, %dma_wait3A_1042] : memref<4x6x128xf32, #tpu.memory_space<vmem>> -> memref<1x1x128xf32, #tpu.memory_space<vmem>>
    %dma_wait3A_1044 = tpu.memref_squeeze %dma_wait3A_1043 : memref<1x1x128xf32, #tpu.memory_space<vmem>> -> memref<128xf32, #tpu.memory_space<vmem>>
    %dma_wait3A_1045 = arith.constant 0 : i32
    %dma_wait3A_1046 = tpu.memref_slice %arg7[%dma_wait3A_1039, %dma_wait3A_1045] : memref<4x128xi32, #tpu.memory_space<vmem>> -> memref<1x128xi32, #tpu.memory_space<vmem>>
    %dma_wait3A_1047 = tpu.memref_squeeze %dma_wait3A_1046 : memref<1x128xi32, #tpu.memory_space<vmem>> -> memref<128xi32, #tpu.memory_space<vmem>>
    %dma_wait3A_1048 = arith.constant 0 : i32
    %dma_wait3A_1049 = tpu.memref_slice %arg3[%dma_wait3A_1038, %dma_wait3A_1048] : memref<6x100000xf32, #tpu.memory_space<hbm>> -> memref<1x100000xf32, #tpu.memory_space<hbm>>
    %dma_wait3A_1050 = tpu.memref_squeeze %dma_wait3A_1049 : memref<1x100000xf32, #tpu.memory_space<hbm>> -> memref<100000xf32, #tpu.memory_space<hbm>>
    %dma_wait3A_1051 = arith.constant 0 : i32
    %dma_wait3A_1052 = tpu.memref_slice %dma_wait3A_1050[%dma_wait3A_1051] : memref<100000xf32, #tpu.memory_space<hbm>> -> memref<100000xf32, #tpu.memory_space<hbm>>
    tpu.wait_indirect_dma semaphore(%arg13 : memref<!tpu.dma_semaphore, #tpu.memory_space<semaphore_mem>>) src(%dma_wait3A_1052 : memref<100000xf32, #tpu.memory_space<hbm>>) dst(%dma_wait3A_1044 : memref<128xf32, #tpu.memory_space<vmem>>)
    %dma_wait3A_1053 = arith.constant 3 : i32
    %dma_wait3A_1054 = arith.constant 3 : i32
    %dma_wait3A_1055 = arith.constant 3 : i32
    %dma_wait3A_1056 = arith.constant 3 : i32
    %dma_wait3A_1057 = arith.constant 0 : i32
    %dma_wait3A_1058 = tpu.memref_slice %arg9[%dma_wait3A_1055, %dma_wait3A_1056, %dma_wait3A_1057] : memref<4x6x128xf32, #tpu.memory_space<vmem>> -> memref<1x1x128xf32, #tpu.memory_space<vmem>>
    %dma_wait3A_1059 = tpu.memref_squeeze %dma_wait3A_1058 : memref<1x1x128xf32, #tpu.memory_space<vmem>> -> memref<128xf32, #tpu.memory_space<vmem>>
    %dma_wait3A_1060 = arith.constant 0 : i32
    %dma_wait3A_1061 = tpu.memref_slice %arg7[%dma_wait3A_1054, %dma_wait3A_1060] : memref<4x128xi32, #tpu.memory_space<vmem>> -> memref<1x128xi32, #tpu.memory_space<vmem>>
    %dma_wait3A_1062 = tpu.memref_squeeze %dma_wait3A_1061 : memref<1x128xi32, #tpu.memory_space<vmem>> -> memref<128xi32, #tpu.memory_space<vmem>>
    %dma_wait3A_1063 = arith.constant 0 : i32
    %dma_wait3A_1064 = tpu.memref_slice %arg3[%dma_wait3A_1053, %dma_wait3A_1063] : memref<6x100000xf32, #tpu.memory_space<hbm>> -> memref<1x100000xf32, #tpu.memory_space<hbm>>
    %dma_wait3A_1065 = tpu.memref_squeeze %dma_wait3A_1064 : memref<1x100000xf32, #tpu.memory_space<hbm>> -> memref<100000xf32, #tpu.memory_space<hbm>>
    %dma_wait3A_1066 = arith.constant 0 : i32
    %dma_wait3A_1067 = tpu.memref_slice %dma_wait3A_1065[%dma_wait3A_1066] : memref<100000xf32, #tpu.memory_space<hbm>> -> memref<100000xf32, #tpu.memory_space<hbm>>
    tpu.wait_indirect_dma semaphore(%arg13 : memref<!tpu.dma_semaphore, #tpu.memory_space<semaphore_mem>>) src(%dma_wait3A_1067 : memref<100000xf32, #tpu.memory_space<hbm>>) dst(%dma_wait3A_1059 : memref<128xf32, #tpu.memory_space<vmem>>)
    %dma_wait3A_1068 = arith.constant 4 : i32
    %dma_wait3A_1069 = arith.constant 3 : i32
    %dma_wait3A_1070 = arith.constant 3 : i32
    %dma_wait3A_1071 = arith.constant 4 : i32
    %dma_wait3A_1072 = arith.constant 0 : i32
    %dma_wait3A_1073 = tpu.memref_slice %arg9[%dma_wait3A_1070, %dma_wait3A_1071, %dma_wait3A_1072] : memref<4x6x128xf32, #tpu.memory_space<vmem>> -> memref<1x1x128xf32, #tpu.memory_space<vmem>>
    %dma_wait3A_1074 = tpu.memref_squeeze %dma_wait3A_1073 : memref<1x1x128xf32, #tpu.memory_space<vmem>> -> memref<128xf32, #tpu.memory_space<vmem>>
    %dma_wait3A_1075 = arith.constant 0 : i32
    %dma_wait3A_1076 = tpu.memref_slice %arg7[%dma_wait3A_1069, %dma_wait3A_1075] : memref<4x128xi32, #tpu.memory_space<vmem>> -> memref<1x128xi32, #tpu.memory_space<vmem>>
    %dma_wait3A_1077 = tpu.memref_squeeze %dma_wait3A_1076 : memref<1x128xi32, #tpu.memory_space<vmem>> -> memref<128xi32, #tpu.memory_space<vmem>>
    %dma_wait3A_1078 = arith.constant 0 : i32
    %dma_wait3A_1079 = tpu.memref_slice %arg3[%dma_wait3A_1068, %dma_wait3A_1078] : memref<6x100000xf32, #tpu.memory_space<hbm>> -> memref<1x100000xf32, #tpu.memory_space<hbm>>
    %dma_wait3A_1080 = tpu.memref_squeeze %dma_wait3A_1079 : memref<1x100000xf32, #tpu.memory_space<hbm>> -> memref<100000xf32, #tpu.memory_space<hbm>>
    %dma_wait3A_1081 = arith.constant 0 : i32
    %dma_wait3A_1082 = tpu.memref_slice %dma_wait3A_1080[%dma_wait3A_1081] : memref<100000xf32, #tpu.memory_space<hbm>> -> memref<100000xf32, #tpu.memory_space<hbm>>
    tpu.wait_indirect_dma semaphore(%arg13 : memref<!tpu.dma_semaphore, #tpu.memory_space<semaphore_mem>>) src(%dma_wait3A_1082 : memref<100000xf32, #tpu.memory_space<hbm>>) dst(%dma_wait3A_1074 : memref<128xf32, #tpu.memory_space<vmem>>)
    %dma_wait3A_1083 = arith.constant 5 : i32
    %dma_wait3A_1084 = arith.constant 3 : i32
    %dma_wait3A_1085 = arith.constant 3 : i32
    %dma_wait3A_1086 = arith.constant 5 : i32
    %dma_wait3A_1087 = arith.constant 0 : i32
    %dma_wait3A_1088 = tpu.memref_slice %arg9[%dma_wait3A_1085, %dma_wait3A_1086, %dma_wait3A_1087] : memref<4x6x128xf32, #tpu.memory_space<vmem>> -> memref<1x1x128xf32, #tpu.memory_space<vmem>>
    %dma_wait3A_1089 = tpu.memref_squeeze %dma_wait3A_1088 : memref<1x1x128xf32, #tpu.memory_space<vmem>> -> memref<128xf32, #tpu.memory_space<vmem>>
    %dma_wait3A_1090 = arith.constant 0 : i32
    %dma_wait3A_1091 = tpu.memref_slice %arg7[%dma_wait3A_1084, %dma_wait3A_1090] : memref<4x128xi32, #tpu.memory_space<vmem>> -> memref<1x128xi32, #tpu.memory_space<vmem>>
    %dma_wait3A_1092 = tpu.memref_squeeze %dma_wait3A_1091 : memref<1x128xi32, #tpu.memory_space<vmem>> -> memref<128xi32, #tpu.memory_space<vmem>>
    %dma_wait3A_1093 = arith.constant 0 : i32
    %dma_wait3A_1094 = tpu.memref_slice %arg3[%dma_wait3A_1083, %dma_wait3A_1093] : memref<6x100000xf32, #tpu.memory_space<hbm>> -> memref<1x100000xf32, #tpu.memory_space<hbm>>
    %dma_wait3A_1095 = tpu.memref_squeeze %dma_wait3A_1094 : memref<1x100000xf32, #tpu.memory_space<hbm>> -> memref<100000xf32, #tpu.memory_space<hbm>>
    %dma_wait3A_1096 = arith.constant 0 : i32
    %dma_wait3A_1097 = tpu.memref_slice %dma_wait3A_1095[%dma_wait3A_1096] : memref<100000xf32, #tpu.memory_space<hbm>> -> memref<100000xf32, #tpu.memory_space<hbm>>
    tpu.wait_indirect_dma semaphore(%arg13 : memref<!tpu.dma_semaphore, #tpu.memory_space<semaphore_mem>>) src(%dma_wait3A_1097 : memref<100000xf32, #tpu.memory_space<hbm>>) dst(%dma_wait3A_1089 : memref<128xf32, #tpu.memory_space<vmem>>)
    %mul3A_1098 = arith.constant 4 : i32
    %mul3A_1099 = arith.muli %add3A, %mul3A_1098 : i32
    %add3A_1100 = arith.constant 3 : i32
    %add3A_1101 = arith.addi %mul3A_1099, %add3A_1100 : i32
    %run_scoped3A_1102 = arith.constant 3 : i32
    "tpu.region"() ({
      %run_scoped3A_1104 = tpu.sem_alloc : memref<!tpu.dma_semaphore, #tpu.memory_space<semaphore_mem>>
      %dma_start3A_1105 = arith.constant 0 : i32
      %dma_start3A_1106 = arith.constant 0 : i32
      %dma_start3A_1107 = tpu.memref_slice %arg8[%run_scoped3A_1102, %dma_start3A_1105, %dma_start3A_1106] : memref<4x3x128xf32, #tpu.memory_space<vmem>> -> memref<1x3x128xf32, #tpu.memory_space<vmem>>
      %dma_start3A_1108 = tpu.memref_squeeze %dma_start3A_1107 : memref<1x3x128xf32, #tpu.memory_space<vmem>> -> memref<3x128xf32, #tpu.memory_space<vmem>>
      %dma_start3A_1109 = arith.constant 0 : i32
      %dma_start3A_1110 = arith.constant 0 : i32
      %dma_start3A_1111 = tpu.memref_slice %arg5[%add3A_1101, %dma_start3A_1109, %dma_start3A_1110] : memref<128x4x128xf32, #tpu.memory_space<hbm>> -> memref<1x3x128xf32, #tpu.memory_space<hbm>>
      %dma_start3A_1112 = tpu.memref_squeeze %dma_start3A_1111 : memref<1x3x128xf32, #tpu.memory_space<hbm>> -> memref<3x128xf32, #tpu.memory_space<hbm>>
      %dma_start3A_1113 = arith.constant 0 : i32
      %dma_start3A_1114 = arith.constant 0 : i32
      %dma_start3A_1115 = tpu.memref_slice %arg5[%add3A_1101, %dma_start3A_1113, %dma_start3A_1114] : memref<128x4x128xf32, #tpu.memory_space<hbm>> -> memref<1x3x128xf32, #tpu.memory_space<hbm>>
      %dma_start3A_1116 = tpu.memref_squeeze %dma_start3A_1115 : memref<1x3x128xf32, #tpu.memory_space<hbm>> -> memref<3x128xf32, #tpu.memory_space<hbm>>
      %dma_start3A_1117 = arith.constant 0 : i32
      %dma_start3A_1118 = arith.constant 0 : i32
      %dma_start3A_1119 = tpu.memref_slice %arg8[%run_scoped3A_1102, %dma_start3A_1117, %dma_start3A_1118] : memref<4x3x128xf32, #tpu.memory_space<vmem>> -> memref<1x3x128xf32, #tpu.memory_space<vmem>>
      %dma_start3A_1120 = tpu.memref_squeeze %dma_start3A_1119 : memref<1x3x128xf32, #tpu.memory_space<vmem>> -> memref<3x128xf32, #tpu.memory_space<vmem>>
      tpu.enqueue_dma source(%dma_start3A_1120 : memref<3x128xf32, #tpu.memory_space<vmem>>) target(%dma_start3A_1116 : memref<3x128xf32, #tpu.memory_space<hbm>>) target_semaphore(%run_scoped3A_1104 : memref<!tpu.dma_semaphore, #tpu.memory_space<semaphore_mem>>)
      %dma_wait3A_1121 = arith.constant 0 : i32
      %dma_wait3A_1122 = arith.constant 0 : i32
      %dma_wait3A_1123 = tpu.memref_slice %arg8[%run_scoped3A_1102, %dma_wait3A_1121, %dma_wait3A_1122] : memref<4x3x128xf32, #tpu.memory_space<vmem>> -> memref<1x3x128xf32, #tpu.memory_space<vmem>>
      %dma_wait3A_1124 = tpu.memref_squeeze %dma_wait3A_1123 : memref<1x3x128xf32, #tpu.memory_space<vmem>> -> memref<3x128xf32, #tpu.memory_space<vmem>>
      %dma_wait3A_1125 = arith.constant 0 : i32
      %dma_wait3A_1126 = arith.constant 0 : i32
      %dma_wait3A_1127 = tpu.memref_slice %arg5[%add3A_1101, %dma_wait3A_1125, %dma_wait3A_1126] : memref<128x4x128xf32, #tpu.memory_space<hbm>> -> memref<1x3x128xf32, #tpu.memory_space<hbm>>
      %dma_wait3A_1128 = tpu.memref_squeeze %dma_wait3A_1127 : memref<1x3x128xf32, #tpu.memory_space<hbm>> -> memref<3x128xf32, #tpu.memory_space<hbm>>
      %dma_wait3A_1129 = arith.constant 0 : i32
      %dma_wait3A_1130 = arith.constant 0 : i32
      %dma_wait3A_1131 = tpu.memref_slice %arg5[%add3A_1101, %dma_wait3A_1129, %dma_wait3A_1130] : memref<128x4x128xf32, #tpu.memory_space<hbm>> -> memref<1x3x128xf32, #tpu.memory_space<hbm>>
      %dma_wait3A_1132 = tpu.memref_squeeze %dma_wait3A_1131 : memref<1x3x128xf32, #tpu.memory_space<hbm>> -> memref<3x128xf32, #tpu.memory_space<hbm>>
      %dma_wait3A_1133 = arith.constant 0 : i32
      %dma_wait3A_1134 = arith.constant 0 : i32
      %dma_wait3A_1135 = tpu.memref_slice %arg8[%run_scoped3A_1102, %dma_wait3A_1133, %dma_wait3A_1134] : memref<4x3x128xf32, #tpu.memory_space<vmem>> -> memref<1x3x128xf32, #tpu.memory_space<vmem>>
      %dma_wait3A_1136 = tpu.memref_squeeze %dma_wait3A_1135 : memref<1x3x128xf32, #tpu.memory_space<vmem>> -> memref<3x128xf32, #tpu.memory_space<vmem>>
      tpu.wait_dma2 semaphore(%run_scoped3A_1104 : memref<!tpu.dma_semaphore, #tpu.memory_space<semaphore_mem>>) src(%dma_wait3A_1136 : memref<3x128xf32, #tpu.memory_space<vmem>>) dst(%dma_wait3A_1132 : memref<3x128xf32, #tpu.memory_space<hbm>>)
      tpu.yield
    }) : () -> ()
    %run_scoped3A_1103 = arith.constant 3 : i32
    "tpu.region"() ({
      %run_scoped3A_1104 = tpu.sem_alloc : memref<!tpu.dma_semaphore, #tpu.memory_space<semaphore_mem>>
      %dma_start3A_1105 = arith.constant 0 : i32
      %dma_start3A_1106 = arith.constant 0 : i32
      %dma_start3A_1107 = tpu.memref_slice %arg9[%run_scoped3A_1103, %dma_start3A_1105, %dma_start3A_1106] : memref<4x6x128xf32, #tpu.memory_space<vmem>> -> memref<1x6x128xf32, #tpu.memory_space<vmem>>
      %dma_start3A_1108 = tpu.memref_squeeze %dma_start3A_1107 : memref<1x6x128xf32, #tpu.memory_space<vmem>> -> memref<6x128xf32, #tpu.memory_space<vmem>>
      %dma_start3A_1109 = arith.constant 0 : i32
      %dma_start3A_1110 = arith.constant 0 : i32
      %dma_start3A_1111 = tpu.memref_slice %arg6[%add3A_1101, %dma_start3A_1109, %dma_start3A_1110] : memref<128x8x128xf32, #tpu.memory_space<hbm>> -> memref<1x6x128xf32, #tpu.memory_space<hbm>>
      %dma_start3A_1112 = tpu.memref_squeeze %dma_start3A_1111 : memref<1x6x128xf32, #tpu.memory_space<hbm>> -> memref<6x128xf32, #tpu.memory_space<hbm>>
      %dma_start3A_1113 = arith.constant 0 : i32
      %dma_start3A_1114 = arith.constant 0 : i32
      %dma_start3A_1115 = tpu.memref_slice %arg6[%add3A_1101, %dma_start3A_1113, %dma_start3A_1114] : memref<128x8x128xf32, #tpu.memory_space<hbm>> -> memref<1x6x128xf32, #tpu.memory_space<hbm>>
      %dma_start3A_1116 = tpu.memref_squeeze %dma_start3A_1115 : memref<1x6x128xf32, #tpu.memory_space<hbm>> -> memref<6x128xf32, #tpu.memory_space<hbm>>
      %dma_start3A_1117 = arith.constant 0 : i32
      %dma_start3A_1118 = arith.constant 0 : i32
      %dma_start3A_1119 = tpu.memref_slice %arg9[%run_scoped3A_1103, %dma_start3A_1117, %dma_start3A_1118] : memref<4x6x128xf32, #tpu.memory_space<vmem>> -> memref<1x6x128xf32, #tpu.memory_space<vmem>>
      %dma_start3A_1120 = tpu.memref_squeeze %dma_start3A_1119 : memref<1x6x128xf32, #tpu.memory_space<vmem>> -> memref<6x128xf32, #tpu.memory_space<vmem>>
      tpu.enqueue_dma source(%dma_start3A_1120 : memref<6x128xf32, #tpu.memory_space<vmem>>) target(%dma_start3A_1116 : memref<6x128xf32, #tpu.memory_space<hbm>>) target_semaphore(%run_scoped3A_1104 : memref<!tpu.dma_semaphore, #tpu.memory_space<semaphore_mem>>)
      %dma_wait3A_1121 = arith.constant 0 : i32
      %dma_wait3A_1122 = arith.constant 0 : i32
      %dma_wait3A_1123 = tpu.memref_slice %arg9[%run_scoped3A_1103, %dma_wait3A_1121, %dma_wait3A_1122] : memref<4x6x128xf32, #tpu.memory_space<vmem>> -> memref<1x6x128xf32, #tpu.memory_space<vmem>>
      %dma_wait3A_1124 = tpu.memref_squeeze %dma_wait3A_1123 : memref<1x6x128xf32, #tpu.memory_space<vmem>> -> memref<6x128xf32, #tpu.memory_space<vmem>>
      %dma_wait3A_1125 = arith.constant 0 : i32
      %dma_wait3A_1126 = arith.constant 0 : i32
      %dma_wait3A_1127 = tpu.memref_slice %arg6[%add3A_1101, %dma_wait3A_1125, %dma_wait3A_1126] : memref<128x8x128xf32, #tpu.memory_space<hbm>> -> memref<1x6x128xf32, #tpu.memory_space<hbm>>
      %dma_wait3A_1128 = tpu.memref_squeeze %dma_wait3A_1127 : memref<1x6x128xf32, #tpu.memory_space<hbm>> -> memref<6x128xf32, #tpu.memory_space<hbm>>
      %dma_wait3A_1129 = arith.constant 0 : i32
      %dma_wait3A_1130 = arith.constant 0 : i32
      %dma_wait3A_1131 = tpu.memref_slice %arg6[%add3A_1101, %dma_wait3A_1129, %dma_wait3A_1130] : memref<128x8x128xf32, #tpu.memory_space<hbm>> -> memref<1x6x128xf32, #tpu.memory_space<hbm>>
      %dma_wait3A_1132 = tpu.memref_squeeze %dma_wait3A_1131 : memref<1x6x128xf32, #tpu.memory_space<hbm>> -> memref<6x128xf32, #tpu.memory_space<hbm>>
      %dma_wait3A_1133 = arith.constant 0 : i32
      %dma_wait3A_1134 = arith.constant 0 : i32
      %dma_wait3A_1135 = tpu.memref_slice %arg9[%run_scoped3A_1103, %dma_wait3A_1133, %dma_wait3A_1134] : memref<4x6x128xf32, #tpu.memory_space<vmem>> -> memref<1x6x128xf32, #tpu.memory_space<vmem>>
      %dma_wait3A_1136 = tpu.memref_squeeze %dma_wait3A_1135 : memref<1x6x128xf32, #tpu.memory_space<vmem>> -> memref<6x128xf32, #tpu.memory_space<vmem>>
      tpu.wait_dma2 semaphore(%run_scoped3A_1104 : memref<!tpu.dma_semaphore, #tpu.memory_space<semaphore_mem>>) src(%dma_wait3A_1136 : memref<6x128xf32, #tpu.memory_space<vmem>>) dst(%dma_wait3A_1132 : memref<6x128xf32, #tpu.memory_space<hbm>>)
      tpu.yield
    }) : () -> ()
    return
  }
}

</mosaic_0001>

<sc_bundles>
// kernel: kernel.3.cloned.1.call-start
scs
__scs_entry_jumppad:
0x0: {  	(pc) =	sbr.rel $0x88, $3  }
0x1: {  	(tag) =	ssettag $0x0;
	lr =	simm.s32 $0x1  }
0x2: {  	[smem:$0x3F9E] =	sst lr;
	_ =	strace $0xD0000000  }
0x3: {  	_ = 	snop  }
0x4: {  	_ = 	snop  }
0x5: {  	_ = 	snop  }
0x6: {  	_ = 	snop  }
0x7: {  	_ = 	snop  }
__scs_overlays_trampoline_lowered:
0x8: {  	[smem:$0x3FAD] =	sst s0  }
0x9: {  	[smem:$0x3FAE] =	sst s1  }
0xa: {  	[smem:$0x3FAF] =	sst s2  }
0xb: {  	[smem:$0x3FB0] =	sst s3  }
0xc: {  	[smem:$0x3FB1] =	sst s4  }
0xd: {  	[smem:$0x3FB2] =	sst s5  }
0xe: {  	[smem:$0x3FB3] =	sst s6  }
0xf: {  	[smem:$0x3FB4] =	sst s7  }
0x10: {  	[smem:$0x3FB5] =	sst s8  }
0x11: {  	[smem:$0x3FB6] =	sst s9;
	s0 =	simm.s32 @!p0 $0x0  }
0x12: {  	s1 =	sld [smem:$0x3F9C];
	s0 =	simm.s32 @p0 $0x1  }
0x13: {  	[smem:$0x3FB7] =	sst s0;
	s0 =	simm.s32 @!p1 $0x0  }
0x14: {  	s2 =	sld [smem:$0x3F9B];
	s0 =	simm.s32 @p1 $0x1  }
0x15: {  	[smem:$0x3FB8] =	sst s0;
	s0 =	simm.s32 @!p2 $0x0  }
0x16: {  	s3 =	sld [smem:$0x3FDB];
	s0 =	simm.s32 @p2 $0x1  }
0x17: {  	s4 =	simm.s32 $0x1BF5;
	[smem:$0x3FBA] =	sst s0  }
0x18: {  	s0 =	sld [smem:$0x3F9D];
	_ =	swait.ge [sflag:s4], $0x0  }
0x19: {  	s7 =	sld [smem:$0x3F9E]  }
0x1a: {  	s8 =	sadd.s32 $0xFFFFE003, lr  }
0x1b: {  	s9 =	sadd.s32 $0xFFFFFEF7, lr;
	s5 =	simm.s32 $0xFFFFFFFF;
	p2 =	slt.u32 s8, $0xFFFFF086  }
0x1c: {  	p1 =	slt.u32 s9, $0xF7A;
	s5 =	simm.s32 @!p2 $0x0  }
0x1d: {  	s5 =	simm.s32 @p1 $0x1;
	p0 =	seq.s32 s7, s2  }
0x1e: {  	s7 =	smul.u32 @!p0 $0xF7A, s2;
	p2 =	seq.s32 @!p0 s5, $0x0  }
0x1f: {  	s9 =	smul.u32 $0xF7A, s1;
	s8 =	simm.s32 @!p0 $0x1BF5;
	p2 =	por !p2, p0  }
0x20: {  	[sflag:s8] =	ssyncset.s32 @!p0 $0xFFFFF086;
	s6 =	sadd.s32 @!p0 s3, s7;
	s7 =	simm.s32 @!p0 $0x108  }
0x21: {  	s3 =	sadd.s32 s3, s9;
	s6 =	sadd.s32 @!p0 $0x88, s6;
	s7 =	simm.s32 @p2 $0x1082  }
0x22: {  	[simem:s7], [sflag:s8] =	dma.local @!p0 [hbm:s6], $0xF7A  }
0x23: {  	s9 =	sor.u32 $0xD0000000, s2;
	s6 =	simm.s32 $0x108;
	_ =	swait.ge @!p0 [sflag:s8], $0x0  }
0x24: {  	s3 =	sadd.s32 $0x88, s3;
	s6 =	simm.s32 @!p1 $0x1082;
	[sflag:s4] =	ssyncset.s32 $0xFFFFF086  }
0x25: {  	[simem:s6], [sflag:s4] =	dma.local [hbm:s3], $0xF7A  }
0x26: {  	[smem:$0x3F9E] =	sst s1;
	(tag) =	ssettag s2;
	_ =	strace s9  }
0x27: {  	s1 =	sld [smem:$0x3FAE]  }
0x28: {  	s2 =	sld [smem:$0x3FAF]  }
0x29: {  	s4 =	sld [smem:$0x3FB1]  }
0x2a: {  	p0 =	seq.s32 s5, $0x0;
	s5 =	sld [smem:$0x3FB2]  }
0x2b: {  	s6 =	sld [smem:$0x3FB3]  }
0x2c: {  	s7 =	sld [smem:$0x3FB4]  }
0x2d: {  	s3 =	simm.s32 $0x108;
	s8 =	sld [smem:$0x3FB5]  }
0x2e: {  	s3 =	simm.s32 @!p0 $0x1082;
	s9 =	sld [smem:$0x3FB6]  }
0x2f: {  	lr =	sadd.s32 s0, s3;
	s0 =	sld [smem:$0x3FAD]  }
0x30: {  	s3 =	sld [smem:$0x3FB0]  }
0x31: {  	[smem:$0x3FB9] =	sst s10  }
0x32: {  	s10 =	sld [smem:$0x3FB7];
	_ =	sdelay $0x3  }
0x33: {  	p0 =	seq.s32 s10, $0x1;
	s10 =	sld [smem:$0x3FB9];
	_ =	sdelay $0x3  }
0x34: {  	[smem:$0x3FB9] =	sst s10  }
0x35: {  	s10 =	sld [smem:$0x3FB8];
	_ =	sdelay $0x3  }
0x36: {  	p1 =	seq.s32 s10, $0x1;
	s10 =	sld [smem:$0x3FB9];
	_ =	sdelay $0x3  }
0x37: {  	[smem:$0x3FB9] =	sst s10  }
0x38: {  	s10 =	sld [smem:$0x3FBA]  }
0x39: {  	_ = 	snop;
	(pc) =	sbr.ind lr, $3  }
0x3a: {  	_ = 	snop  }
0x3b: {  	_ = 	snop  }
0x3c: {  	p2 =	seq.s32 s10, $0x1;
	s10 =	sld [smem:$0x3FB9]  }
0x3d: {  	_ =	shalt  }
0x3e: {  	_ =	shalt  }
0x3f: {  	_ =	shalt  }
0x40: {  	_ =	shalt  }
0x41: {  	_ =	shalt  }
0x42: {  	_ =	shalt  }
0x43: {  	_ =	shalt  }
0x44: {  	_ =	shalt  }
0x45: {  	_ =	shalt  }
0x46: {  	_ =	shalt  }
0x47: {  	_ =	shalt  }
0x48: {  	_ =	shalt  }
0x49: {  	_ =	shalt  }
0x4a: {  	_ =	shalt  }
0x4b: {  	_ =	shalt  }
0x4c: {  	_ =	shalt  }
0x4d: {  	_ =	shalt  }
0x4e: {  	_ =	shalt  }
0x4f: {  	_ =	shalt  }
0x50: {  	_ =	shalt  }
0x51: {  	_ =	shalt  }
0x52: {  	_ =	shalt  }
0x53: {  	_ =	shalt  }
0x54: {  	_ =	shalt  }
0x55: {  	_ =	shalt  }
0x56: {  	_ =	shalt  }
0x57: {  	_ =	shalt  }
0x58: {  	_ =	shalt  }
0x59: {  	_ =	shalt  }
0x5a: {  	_ =	shalt  }
0x5b: {  	_ =	shalt  }
0x5c: {  	_ =	shalt  }
0x5d: {  	_ =	shalt  }
0x5e: {  	_ =	shalt  }
0x5f: {  	_ =	shalt  }
0x60: {  	_ =	shalt  }
0x61: {  	_ =	shalt  }
0x62: {  	_ =	shalt  }
0x63: {  	_ =	shalt  }
0x64: {  	_ =	shalt  }
0x65: {  	_ =	shalt  }
0x66: {  	_ =	shalt  }
0x67: {  	_ =	shalt  }
0x68: {  	_ =	shalt  }
0x69: {  	_ =	shalt  }
0x6a: {  	_ =	shalt  }
0x6b: {  	_ =	shalt  }
0x6c: {  	_ =	shalt  }
0x6d: {  	_ =	shalt  }
0x6e: {  	_ =	shalt  }
0x6f: {  	_ =	shalt  }
0x70: {  	_ =	shalt  }
0x71: {  	_ =	shalt  }
0x72: {  	_ =	shalt  }
0x73: {  	_ =	shalt  }
0x74: {  	_ =	shalt  }
0x75: {  	_ =	shalt  }
0x76: {  	_ =	shalt  }
0x77: {  	_ =	shalt  }
0x78: {  	_ =	shalt  }
0x79: {  	_ =	shalt  }
0x7a: {  	_ =	shalt  }
0x7b: {  	_ =	shalt  }
0x7c: {  	_ =	shalt  }
0x7d: {  	_ =	shalt  }
0x7e: {  	_ =	shalt  }
0x7f: {  	_ =	shalt  }
0x80: {  	_ =	shalt  }
0x81: {  	_ =	shalt  }
0x82: {  	_ =	shalt  }
0x83: {  	_ =	shalt  }
0x84: {  	_ =	shalt  }
0x85: {  	_ =	shalt  }
0x86: {  	_ =	shalt  }
0x87: {  	_ =	shalt  }
.Lfunc_end0:
.L_simem_size_0:
called_computation_lowered:
.L_overlay_start_0:
0x88: {  	s2 =	sld [smem:$0x3FD9]  }
0x89: {  	s3 =	sld [smem:$0x3FFE];
	_ =	sdelay $0x1  }
0x8a: {  	s1 =	srdreg.scid  }
0x8b: {  	s0 =	sand.u32 $0x1, s1  }
0x8c: {  	s14 =	sshll.u32 s0, $0xA;
	s2 =	sadd.s32 s3, s2  }
0x8d: {  	s2 =	sadd.s32 s2, s14  }
0x8e: {  	[smem:$0x3FC5] =	sst s2  }
0x8f: {  	_ = 	snop  }
0x90: {  	s2 =	sld [smem:$0x3FD0];
	_ =	sdelay $0x2  }
0x91: {  	s4 =	simm.s32 $0xA;
	s5 =	simm.s32 $0x10;
	s15 =	sld [smem:$0x3FC7]  }
0x92: {  	[smem:s5], [sflag:s4] =	dma.local [hbm:s2], $0x1  }
0x93: {  	_ =	swait.eq [sflag:s4], $0x1  }
0x94: {  	[sflag:s4] =	ssyncset.done $0x0  }
0x95: {  	s16 =	sld [smem:$0x10];
	[sflag:s4] =	ssyncadd.s32 $0xFFFFFFFF  }
0x96: {  	s17 =	sld [smem:$0x11];
	(tm) =	ssettm $0x1  }
0x97: {  	s18 =	sld [smem:$0x3FFB];
	_ =	sdelay $0x3  }
0x98: {  	_ =	strace s18  }
0x99: {  	s5 =	sld [smem:$0x3FFC];
	_ =	sdelay $0x3  }
0x9a: {  	_ =	strace s5  }
0x9b: {  	s5 =	sld [smem:$0x3FFD];
	_ =	sdelay $0x3  }
0x9c: {  	_ =	strace s5  }
0x9d: {  	_ =	strace $0x8FFFFFFF  }
0x9e: {  	s19 =	sld [smem:$0x3FDB];
	_ =	sdelay $0x1  }
0x9f: {  	s6 =	simm.s32 $_scs_section_size  }
0xa0: {  	s7 =	simm.s32 $_size__tile_overlayer_lowered;
	s8 =	simm.s32 $_tile_overlayer_lowered  }
0xa1: {  	s22 =	simm.s32 $0x1BFF;
	s21 =	sshll.u32 s8, $0x1;
	s5 =	sadd.s32 s6, s19  }
0xa2: {  	s9 =	simm.s32 $0x0;
	s20 =	sshll.u32 s7, $0x1;
	s7 =	sadd.s32 s21, s5  }
0xa3: {  	[timem:s9], [sflag:s22] =	dma.local [hbm:s7], s20  }
0xa4: {  	_ =	swait.ge [sflag:s22], s20  }
0xa5: {  	s6 =	ssub.s32 $0x0, s20;
	[sflag:s22] =	ssyncset.done $0x0  }
0xa6: {  	[sflag:s22] =	ssyncadd.s32 s6;
	_ =	sdelay $0x1  }
0xa7: {  	s23 =	simm.s32 $0x1B8B  }
0xa8: {  	_ =	swait.ge [sflag:s23], $0x1  }
0xa9: {  	[sflag:s23] =	ssyncset.done $0x0  }
0xaa: {  	s25 =	simm.s32 $0x1B8E;
	s24 =	sld [smem:$0x3FFE];
	[sflag:s23] =	ssyncadd.s32 $0xFFFFFFFF  }
0xab: {  	s26 =	simm.s32 $execute0_lowered;
	[smem:$0x3FD2] =	sst s25  }
0xac: {  	s7 =	sshll.u32 s26, $0x1;
	_ =	strace $0x80000046;
	[dreg:$0x1] =	wrdreg $0xFFFFFFFF  }
0xad: {  	s28 =	simm.s32 $_size_execute0_lowered;
	s5 =	sadd.s32 s5, s7;
	[dreg:$0x0] =	wrdreg $0x0  }
0xae: {  	s7 =	sshll.u32 s28, $0x1;
	[dreg:$0x2] =	wrdreg s5  }
0xaf: {  	[dreg:$0x3] =	wrdreg s7  }
0xb0: {  	[dreg:$0x4] =	wrdreg $0xC0  }
0xb1: {  	_ =	task [dreg:s9], $0x5FFFF  }
0xb2: {  	[dreg:$0x1] =	wrdreg $0xFFFFFFFF  }
0xb3: {  	[dreg:$0x0] =	wrdreg $0x60  }
0xb4: {  	[dreg:$0x2] =	wrdreg s24  }
0xb5: {  	[dreg:$0x3] =	wrdreg s15  }
0xb6: {  	[dreg:$0x4] =	wrdreg s16  }
0xb7: {  	[dreg:$0x5] =	wrdreg s17  }
0xb8: {  	[dreg:$0x6] =	wrdreg $0x9  }
0xb9: {  	_ =	task.clear_ibuf [dreg:s9], $0x7FFFF;
	_ =	strace $0x90000046  }
0xba: {  	s29 =	simm.s32 $0x9;
	_ =	strace $0x80000048  }
0xbb: {  	_ =	swait.ge [sflag:s29], $0x1  }
0xbc: {  	[sflag:s29] =	ssyncadd.s32 $0xFFFFFFFF  }
0xbd: {  	_ =	strace $0x90000048  }
0xbe: {  	_ =	sfence  }
0xbf: {  	s30 =	sld [smem:$0x0];
	_ =	sdelay $0x2  }
0xc0: {  	s31 =	sshll.u32 s1, $0xD;
	s1 =	sshrl.u32 s1, $0x2  }
0xc1: {  	s3 =	sand.u32 $0x4000, s31;
	s1 =	sadd.s32 s1, s30  }
0xc2: {  	s0 =	sor.u32 s3, s0;
	s1 =	sshll.u32 s1, $0x11  }
0xc3: {  	s0 =	sor.u32 s1, s0  }
0xc4: {  	s0 =	sadd.s32 $0x8F2B, s0  }
0xc5: {  	[sflag:s0] =	ssyncadd.remote.s32 $0x1  }
0xc6: {  	_ =	sfence.sel $0xFFFF  }
0xc7: {  	[dreg:$0x0] =	wrdreg $0xFFFFFFFF;
	(pc) =	sbr.abs _section_cstart, $3  }
0xc8: {  	[dreg:$0x1] =	wrdreg $0xFFFFFFFF  }
0xc9: {  	_ =	task.clear_ibuf [dreg:s9], $0x2FFFF;
	_ =	strace $0x9FFFFFFF  }
0xca: {  	(tm) =	ssettm $0x7FFFFFFF  }
0xcb: {  	_ =	shalt  }
tec
execute0_lowered:
.L_overlay_start_1:
0x0: {  	(tag) =	ssettag $0x1  }
0x1: {  	s1 =	rddreg [dreg:$0x0]  }
0x2: {  	s0 =	rddreg [dreg:$0x1]  }
0x3: {  	s2 =	srdreg.scid;
	s3 =	rddreg [dreg:$0x2]  }
0x4: {  	s6 =	stileid.u32;
	s5 =	rddreg [dreg:$0x3]  }
0x5: {  	s18 =	simm.s32 $0x280;
	s19 =	simm.s32 $0x300;
	s21 =	simm.s32 $0x880  }
0x6: {  	s22 =	simm.s32 $0x900;
	s4 =	sand.u32 $0x1, s2;
	s2 =	simm.s32 $0x0  }
0x7: {  	s28 =	simm.s32 $0x100;
	p0 =	por $0x0, $0x0;
	[smem:$0x7FF] =	sst s2  }
0x8: {  	s31 =	simm.s32 $0x1300;
	_ =	strace $0x80000047;
	[dreg:$0xe] =	wrdreg s18  }
0x9: {  	s30 =	simm.s32 $0x1380;
	s6 =	sshll.u32 s6, $0x3;
	[dreg:$0xf] =	wrdreg s19  }
0xa: {  	s7 =	sshll.u32 s4, $0x2;
	s20 =	ssub.s32 $0x2, s4;
	[dreg:$0x10] =	wrdreg s21  }
0xb: {  	s6 =	sor.u32 s7, s6;
	s4 =	sshrl.u32 s20, $0x1;
	[dreg:$0x11] =	wrdreg s22  }
0xc: {  	s19 =	sadd.s32 $0x69A8, s1;
	s18 =	sadd.s32 $0xCCD4, s1;
	s7 =	sshll.u32 s6, $0x4  }
0xd: {  	s23 =	sshll.u32 s6, $0x6;
	s24 =	sshll.u32 s6, $0x7;
	s8 =	sor.u32 $0x1, s6  }
0xe: {  	s11 =	sor.u32 $0x2, s6;
	s6 =	sor.u32 $0x3, s6;
	s0 =	sadd.s32 s0, s7  }
0xf: {  	s25 =	sadd.s32 s5, s24;
	s26 =	sshll.u32 s8, $0x6;
	[dreg:$0x5] =	wrdreg s0  }
0x10: {  	s14 =	sshll.u32 s6, $0x6;
	s24 =	simm.s32 $0xA00;
	[dreg:$0x7] =	wrdreg s25  }
0x11: {  	s16 =	sshll.u32 s6, $0x7;
	s6 =	simm.s32 $0xC00;
	[dreg:$0x13] =	wrdreg s24  }
0x12: {  	s9 =	sshll.u32 s8, $0x7;
	s8 =	simm.s32 $0xD00;
	[dreg:$0x18] =	wrdreg s6  }
0x13: {  	s21 =	sadd.s32 $0x12E7C, s1;
	s0 =	sadd.s32 s3, s23;
	[dreg:$0x1a] =	wrdreg s8  }
0x14: {  	s22 =	sadd.s32 $0x15F50, s1;
	s7 =	sadd.s32 s3, s26;
	[dreg:$0x6] =	wrdreg s0  }
0x15: {  	s12 =	sshll.u32 s11, $0x6;
	s10 =	sadd.s32 s5, s9;
	[dreg:$0x8] =	wrdreg s7  }
0x16: {  	s15 =	sadd.s32 s3, s14;
	s17 =	sadd.s32 s5, s16;
	[dreg:$0x9] =	wrdreg s10  }
0x17: {  	s23 =	simm.s32 $0x980;
	s25 =	simm.s32 $0xA80;
	[dreg:$0xc] =	wrdreg s15  }
0x18: {  	s26 =	simm.s32 $0x400;
	s9 =	simm.s32 $0xD80;
	[dreg:$0xd] =	wrdreg s17  }
0x19: {  	s24 =	simm.s32 $0x80;
	s14 =	simm.s32 $0x800;
	[dreg:$0x12] =	wrdreg s23  }
0x1a: {  	s16 =	simm.s32 $0xE80;
	s8 =	simm.s32 $0x500;
	[dreg:$0x14] =	wrdreg s25  }
0x1b: {  	s6 =	simm.s32 $0x700;
	s0 =	sadd.s32 s3, s12;
	[dreg:$0x15] =	wrdreg s26  }
0x1c: {  	s7 =	sshll.u32 s11, $0x7;
	s12 =	sadd.s32 $0x9C00, s1;
	[dreg:$0x1b] =	wrdreg s9  }
0x1d: {  	s3 =	ssub.s32 s20, s4;
	s17 =	sadd.s32 $0x38D4, s1;
	[dreg:$0x1e] =	wrdreg s16  }
0x1e: {  	s20 =	sadd.s32 $0xFDA8, s1;
	s4 =	simm.s32 $0x480;
	[smem:$0x7FA] =	sst s6  }
0x1f: {  	s23 =	sadd.s32 $0x19024, s1;
	s10 =	simm.s32 $0x580;
	[dreg:$0xa] =	wrdreg s0  }
0x20: {  	s15 =	simm.s32 $0x200;
	s11 =	simm.s32 $0x600;
	[dreg:$0x16] =	wrdreg s4  }
0x21: {  	s25 =	simm.s32 $0xF00;
	s26 =	simm.s32 $0xF80;
	[dreg:$0x1c] =	wrdreg s10  }
0x22: {  	s9 =	simm.s32 $0x780;
	s16 =	simm.s32 $0x1180;
	[dreg:$0x1d] =	wrdreg s11  }
0x23: {  	s6 =	simm.s32 $0x4;
	s13 =	sadd.s32 s5, s7;
	[dreg:$0x1f] =	wrdreg s25  }
0x24: {  	s5 =	simm.s32 $0xB80;
	s7 =	simm.s32 $0xC80;
	[smem:$0x7F7] =	sst s26  }
0x25: {  	s11 =	simm.s32 $0x380;
	s10 =	simm.s32 $0xB00;
	[smem:$0x7FB] =	sst s9  }
0x26: {  	s4 =	simm.s32 $0x1000;
	s26 =	simm.s32 $0x180;
	[smem:$0x7FC] =	sst s16  }
0x27: {  	[dreg:$0xb] =	wrdreg s13;
	s13 =	sadd.s32 $0x800, s1;
	s1 =	smax.u32 s3, $0x1  }
0x28: {  	s25 =	simm.s32 $0x1200;
	s0 =	rddreg [dreg:$0x5];
	p1 =	sne.s32 s1, $0x1  }
.Ltmp0:
0x29: {  	s16 =	simm.s32 $0x2;
	[dreg:$0x17] =	wrdreg s5;
	(pc) =	sbr.rel @!p1 .LBB2_1-.Ltmp0, $4  }
0x2a: {  	s9 =	simm.s32 $0x3;
	[dreg:$0x19] =	wrdreg s7;
	s3 =	simm.s32 $0x5  }
0x2b: {  	[smem:$0x7F8] =	sst s4;
	s5 =	simm.s32 $0x1080;
	s7 =	simm.s32 $0xE00  }
0x2c: {  	s4 =	simm.s32 $0x1100;
	[smem:$0x7FD] =	sst s25;
	s25 =	simm.s32 $0x1  }
0x2d: {  	[smem:$0x7F9] =	sst s5;
	s5 =	simm.s32 $0x680;
	s29 =	sadd.s32 $0xFFFFFFFF, s1  }
0x2e: {  	[tilespmem:s2], [sflag:$0x5] =	stream.linear.gather [hbm4b:s0+s2], $0x200, $0x38;
	[tilespmem:$0x1400] =	vst v63  }
0x2f: {  	_ =	swait.ge [sflag:s3], $0x200  }
0x30: {  	[sflag:s3] =	ssyncset.done $0x0  }
0x31: {  	[sflag:s3] =	ssyncadd.s32 $0xFFFFFE00  }
0x32: {  	[tilespmem:s15], [sflag:$0x1] =	stream.indirect.gather [hbm4b:s13+s24], $0x1, s2, s24, $0xb8;
	[tilespmem:$0x1400] =	vst v63  }
0x33: {  	s0 =	rddreg [dreg:$0xe]  }
0x34: {  	[tilespmem:s0], [sflag:$0x1] =	stream.indirect.gather [hbm4b:s17+s24], $0x1, s2, s24, $0xb8;
	[tilespmem:$0x1400] =	vst v63  }
0x35: {  	s1 =	rddreg [dreg:$0xf]  }
0x36: {  	[tilespmem:s1], [sflag:$0x1] =	stream.indirect.gather [hbm4b:s19+s24], $0x1, s2, s24, $0xb8;
	[tilespmem:$0x1400] =	vst v63  }
0x37: {  	_ = 	snop  }
0x38: {  	[tilespmem:s14], [sflag:$0x1] =	stream.indirect.gather [hbm4b:s12+s24], $0x1, s2, s24, $0xb8;
	[tilespmem:$0x1400] =	vst v63  }
0x39: {  	s0 =	rddreg [dreg:$0x10]  }
0x3a: {  	[tilespmem:s0], [sflag:$0x1] =	stream.indirect.gather [hbm4b:s18+s24], $0x1, s2, s24, $0xb8;
	[tilespmem:$0x1400] =	vst v63  }
0x3b: {  	s1 =	rddreg [dreg:$0x11]  }
0x3c: {  	[tilespmem:s1], [sflag:$0x1] =	stream.indirect.gather [hbm4b:s20+s24], $0x1, s2, s24, $0xb8;
	[tilespmem:$0x1400] =	vst v63  }
0x3d: {  	s0 =	rddreg [dreg:$0x12]  }
0x3e: {  	[tilespmem:s0], [sflag:$0x1] =	stream.indirect.gather [hbm4b:s21+s24], $0x1, s2, s24, $0xb8;
	[tilespmem:$0x1400] =	vst v63  }
0x3f: {  	s1 =	rddreg [dreg:$0x13]  }
0x40: {  	[tilespmem:s1], [sflag:$0x1] =	stream.indirect.gather [hbm4b:s22+s24], $0x1, s2, s24, $0xb8;
	[tilespmem:$0x1400] =	vst v63  }
0x41: {  	s0 =	rddreg [dreg:$0x14]  }
0x42: {  	[tilespmem:s0], [sflag:$0x1] =	stream.indirect.gather [hbm4b:s23+s24], $0x1, s2, s24, $0xb8;
	[tilespmem:$0x1400] =	vst v63  }
0x43: {  	_ = 	snop  }
0x44: {  	[tilespmem:s11], [sflag:$0x2] =	stream.indirect.gather [hbm4b:s13+s24], $0x1, s24, s24, $0xb8;
	[tilespmem:$0x1400] =	vst v63  }
0x45: {  	s0 =	rddreg [dreg:$0x15]  }
0x46: {  	[tilespmem:s0], [sflag:$0x2] =	stream.indirect.gather [hbm4b:s17+s24], $0x1, s24, s24, $0xb8;
	[tilespmem:$0x1400] =	vst v63  }
0x47: {  	s1 =	rddreg [dreg:$0x16]  }
0x48: {  	[tilespmem:s1], [sflag:$0x2] =	stream.indirect.gather [hbm4b:s19+s24], $0x1, s24, s24, $0xb8;
	[tilespmem:$0x1400] =	vst v63  }
0x49: {  	_ = 	snop  }
0x4a: {  	[tilespmem:s10], [sflag:$0x2] =	stream.indirect.gather [hbm4b:s12+s24], $0x1, s24, s24, $0xb8;
	[tilespmem:$0x1400] =	vst v63  }
0x4b: {  	s0 =	rddreg [dreg:$0x17]  }
0x4c: {  	[tilespmem:s0], [sflag:$0x2] =	stream.indirect.gather [hbm4b:s18+s24], $0x1, s24, s24, $0xb8;
	[tilespmem:$0x1400] =	vst v63  }
0x4d: {  	s1 =	rddreg [dreg:$0x18]  }
0x4e: {  	[tilespmem:s1], [sflag:$0x2] =	stream.indirect.gather [hbm4b:s20+s24], $0x1, s24, s24, $0xb8;
	[tilespmem:$0x1400] =	vst v63  }
0x4f: {  	s0 =	rddreg [dreg:$0x19]  }
0x50: {  	[tilespmem:s0], [sflag:$0x2] =	stream.indirect.gather [hbm4b:s21+s24], $0x1, s24, s24, $0xb8;
	[tilespmem:$0x1400] =	vst v63  }
0x51: {  	s1 =	rddreg [dreg:$0x1a]  }
0x52: {  	[tilespmem:s1], [sflag:$0x2] =	stream.indirect.gather [hbm4b:s22+s24], $0x1, s24, s24, $0xb8;
	[tilespmem:$0x1400] =	vst v63  }
0x53: {  	s0 =	rddreg [dreg:$0x1b]  }
0x54: {  	[tilespmem:s0], [sflag:$0x2] =	stream.indirect.gather [hbm4b:s23+s24], $0x1, s24, s24, $0xb8;
	[tilespmem:$0x1400] =	vst v63  }
0x55: {  	_ = 	snop  }
0x56: {  	[tilespmem:s8], [sflag:$0x3] =	stream.indirect.gather [hbm4b:s13+s24], $0x1, s28, s24, $0xb8;
	[tilespmem:$0x1400] =	vst v63  }
0x57: {  	s0 =	rddreg [dreg:$0x1c]  }
0x58: {  	[tilespmem:s0], [sflag:$0x3] =	stream.indirect.gather [hbm4b:s17+s24], $0x1, s28, s24, $0xb8;
	[tilespmem:$0x1400] =	vst v63  }
0x59: {  	s1 =	rddreg [dreg:$0x1d]  }
0x5a: {  	[tilespmem:s1], [sflag:$0x3] =	stream.indirect.gather [hbm4b:s19+s24], $0x1, s28, s24, $0xb8;
	[tilespmem:$0x1400] =	vst v63  }
0x5b: {  	s0 =	rddreg [dreg:$0x1e]  }
0x5c: {  	[tilespmem:s7], [sflag:$0x3] =	stream.indirect.gather [hbm4b:s12+s24], $0x1, s28, s24, $0xb8;
	[tilespmem:$0x1400] =	vst v63  }
0x5d: {  	s1 =	rddreg [dreg:$0x1f]  }
0x5e: {  	[tilespmem:s0], [sflag:$0x3] =	stream.indirect.gather [hbm4b:s18+s24], $0x1, s28, s24, $0xb8;
	[tilespmem:$0x1400] =	vst v63  }
0x5f: {  	s0 =	sld [smem:$0x7F7]  }
0x60: {  	[tilespmem:s1], [sflag:$0x3] =	stream.indirect.gather [hbm4b:s20+s24], $0x1, s28, s24, $0xb8;
	[tilespmem:$0x1400] =	vst v63  }
0x61: {  	s1 =	sld [smem:$0x7F8]  }
0x62: {  	[tilespmem:s0], [sflag:$0x3] =	stream.indirect.gather [hbm4b:s21+s24], $0x1, s28, s24, $0xb8;
	[tilespmem:$0x1400] =	vst v63  }
0x63: {  	s0 =	sld [smem:$0x7F9]  }
0x64: {  	[tilespmem:s1], [sflag:$0x3] =	stream.indirect.gather [hbm4b:s22+s24], $0x1, s28, s24, $0xb8;
	[tilespmem:$0x1400] =	vst v63  }
0x65: {  	_ = 	snop  }
0x66: {  	[tilespmem:s0], [sflag:$0x3] =	stream.indirect.gather [hbm4b:s23+s24], $0x1, s28, s24, $0xb8;
	[tilespmem:$0x1400] =	vst v63  }
0x67: {  	s0 =	sld [smem:$0x7FA]  }
0x68: {  	[tilespmem:s5], [sflag:$0x4] =	stream.indirect.gather [hbm4b:s13+s24], $0x1, s26, s24, $0xb8;
	[tilespmem:$0x1400] =	vst v63  }
0x69: {  	s1 =	sld [smem:$0x7FB]  }
0x6a: {  	[tilespmem:s0], [sflag:$0x4] =	stream.indirect.gather [hbm4b:s17+s24], $0x1, s26, s24, $0xb8;
	[tilespmem:$0x1400] =	vst v63  }
0x6b: {  	_ = 	snop  }
0x6c: {  	[tilespmem:s1], [sflag:$0x4] =	stream.indirect.gather [hbm4b:s19+s24], $0x1, s26, s24, $0xb8;
	[tilespmem:$0x1400] =	vst v63  }
0x6d: {  	s0 =	sld [smem:$0x7FC]  }
0x6e: {  	[tilespmem:s4], [sflag:$0x4] =	stream.indirect.gather [hbm4b:s12+s24], $0x1, s26, s24, $0xb8;
	[tilespmem:$0x1400] =	vst v63  }
0x6f: {  	s1 =	sld [smem:$0x7FD]  }
0x70: {  	[tilespmem:s0], [sflag:$0x4] =	stream.indirect.gather [hbm4b:s18+s24], $0x1, s26, s24, $0xb8;
	[tilespmem:$0x1400] =	vst v63  }
0x71: {  	_ = 	snop  }
0x72: {  	[tilespmem:s1], [sflag:$0x4] =	stream.indirect.gather [hbm4b:s20+s24], $0x1, s26, s24, $0xb8;
	[tilespmem:$0x1400] =	vst v63  }
0x73: {  	s1 =	simm.s32 $0x1280  }
0x74: {  	[tilespmem:s1], [sflag:$0x4] =	stream.indirect.gather [hbm4b:s21+s24], $0x1, s26, s24, $0xb8;
	[tilespmem:$0x1400] =	vst v63  }
0x75: {  	_ = 	snop  }
0x76: {  	[tilespmem:s31], [sflag:$0x4] =	stream.indirect.gather [hbm4b:s22+s24], $0x1, s26, s24, $0xb8;
	[tilespmem:$0x1400] =	vst v63  }
0x77: {  	_ = 	snop  }
0x78: {  	[tilespmem:s30], [sflag:$0x4] =	stream.indirect.gather [hbm4b:s23+s24], $0x1, s26, s24, $0xb8;
	[tilespmem:$0x1400] =	vst v63  }
0x79: {  	_ =	swait.ge [sflag:s25], $0x80  }
0x7a: {  	[sflag:s25] =	ssyncset.done $0x0  }
0x7b: {  	[sflag:s25] =	ssyncadd.s32 $0xFFFFFF80  }
0x7c: {  	_ =	swait.ge [sflag:s25], $0x80  }
0x7d: {  	[sflag:s25] =	ssyncset.done $0x0  }
0x7e: {  	[sflag:s25] =	ssyncadd.s32 $0xFFFFFF80  }
0x7f: {  	_ =	swait.ge [sflag:s25], $0x80  }
0x80: {  	[sflag:s25] =	ssyncset.done $0x0  }
0x81: {  	[sflag:s25] =	ssyncadd.s32 $0xFFFFFF80  }
0x82: {  	_ =	swait.ge [sflag:s25], $0x80  }
0x83: {  	[sflag:s25] =	ssyncset.done $0x0  }
0x84: {  	[sflag:s25] =	ssyncadd.s32 $0xFFFFFF80  }
0x85: {  	_ =	swait.ge [sflag:s25], $0x80  }
0x86: {  	[sflag:s25] =	ssyncset.done $0x0  }
0x87: {  	[sflag:s25] =	ssyncadd.s32 $0xFFFFFF80  }
0x88: {  	_ =	swait.ge [sflag:s25], $0x80  }
0x89: {  	[sflag:s25] =	ssyncset.done $0x0  }
0x8a: {  	[sflag:s25] =	ssyncadd.s32 $0xFFFFFF80  }
0x8b: {  	_ =	swait.ge [sflag:s25], $0x80  }
0x8c: {  	[sflag:s25] =	ssyncset.done $0x0  }
0x8d: {  	[sflag:s25] =	ssyncadd.s32 $0xFFFFFF80  }
0x8e: {  	_ =	swait.ge [sflag:s25], $0x80  }
0x8f: {  	[sflag:s25] =	ssyncset.done $0x0  }
0x90: {  	[sflag:s25] =	ssyncadd.s32 $0xFFFFFF80  }
0x91: {  	_ =	swait.ge [sflag:s25], $0x80  }
0x92: {  	[sflag:s25] =	ssyncset.done $0x0  }
0x93: {  	s1 =	rddreg [dreg:$0x6];
	[sflag:s25] =	ssyncadd.s32 $0xFFFFFF80  }
0x94: {  	[hbm4b:s1+s2] =	stream.linear.scatter [tilespmem:s15], [sflag:$0x5], $0x180, $0x38;
	[tilespmem:$0x1400] =	vst v63  }
0x95: {  	_ =	swait.ge [sflag:s3], $0x180  }
0x96: {  	[sflag:s3] =	ssyncset.done $0x0  }
0x97: {  	s1 =	rddreg [dreg:$0x7];
	[sflag:s3] =	ssyncadd.s32 $0xFFFFFE80  }
0x98: {  	[hbm4b:s1+s2] =	stream.linear.scatter [tilespmem:s14], [sflag:$0x5], $0x300, $0x38;
	[tilespmem:$0x1400] =	vst v63  }
0x99: {  	_ =	swait.ge [sflag:s3], $0x300  }
0x9a: {  	[sflag:s3] =	ssyncset.done $0x0  }
0x9b: {  	[sflag:s3] =	ssyncadd.s32 $0xFFFFFD00  }
0x9c: {  	_ =	swait.ge [sflag:s16], $0x80  }
0x9d: {  	[sflag:s16] =	ssyncset.done $0x0  }
0x9e: {  	[sflag:s16] =	ssyncadd.s32 $0xFFFFFF80  }
0x9f: {  	_ =	swait.ge [sflag:s16], $0x80  }
0xa0: {  	[sflag:s16] =	ssyncset.done $0x0  }
0xa1: {  	[sflag:s16] =	ssyncadd.s32 $0xFFFFFF80  }
0xa2: {  	_ =	swait.ge [sflag:s16], $0x80  }
0xa3: {  	[sflag:s16] =	ssyncset.done $0x0  }
0xa4: {  	[sflag:s16] =	ssyncadd.s32 $0xFFFFFF80  }
0xa5: {  	_ =	swait.ge [sflag:s16], $0x80  }
0xa6: {  	[sflag:s16] =	ssyncset.done $0x0  }
0xa7: {  	[sflag:s16] =	ssyncadd.s32 $0xFFFFFF80  }
0xa8: {  	_ =	swait.ge [sflag:s16], $0x80  }
0xa9: {  	[sflag:s16] =	ssyncset.done $0x0  }
0xaa: {  	[sflag:s16] =	ssyncadd.s32 $0xFFFFFF80  }
0xab: {  	_ =	swait.ge [sflag:s16], $0x80  }
0xac: {  	[sflag:s16] =	ssyncset.done $0x0  }
0xad: {  	[sflag:s16] =	ssyncadd.s32 $0xFFFFFF80  }
0xae: {  	_ =	swait.ge [sflag:s16], $0x80  }
0xaf: {  	[sflag:s16] =	ssyncset.done $0x0  }
0xb0: {  	[sflag:s16] =	ssyncadd.s32 $0xFFFFFF80  }
0xb1: {  	_ =	swait.ge [sflag:s16], $0x80  }
0xb2: {  	[sflag:s16] =	ssyncset.done $0x0  }
0xb3: {  	[sflag:s16] =	ssyncadd.s32 $0xFFFFFF80  }
0xb4: {  	_ =	swait.ge [sflag:s16], $0x80  }
0xb5: {  	[sflag:s16] =	ssyncset.done $0x0  }
0xb6: {  	s1 =	rddreg [dreg:$0x8];
	[sflag:s16] =	ssyncadd.s32 $0xFFFFFF80  }
0xb7: {  	[hbm4b:s1+s2] =	stream.linear.scatter [tilespmem:s11], [sflag:$0x5], $0x180, $0x38;
	[tilespmem:$0x1400] =	vst v63  }
0xb8: {  	_ =	swait.ge [sflag:s3], $0x180  }
0xb9: {  	[sflag:s3] =	ssyncset.done $0x0  }
0xba: {  	s1 =	rddreg [dreg:$0x9];
	[sflag:s3] =	ssyncadd.s32 $0xFFFFFE80  }
0xbb: {  	[hbm4b:s1+s2] =	stream.linear.scatter [tilespmem:s10], [sflag:$0x5], $0x300, $0x38;
	[tilespmem:$0x1400] =	vst v63  }
0xbc: {  	_ =	swait.ge [sflag:s3], $0x300  }
0xbd: {  	[sflag:s3] =	ssyncset.done $0x0  }
0xbe: {  	[sflag:s3] =	ssyncadd.s32 $0xFFFFFD00  }
0xbf: {  	_ =	swait.ge [sflag:s9], $0x80  }
0xc0: {  	[sflag:s9] =	ssyncset.done $0x0  }
0xc1: {  	[sflag:s9] =	ssyncadd.s32 $0xFFFFFF80  }
0xc2: {  	_ =	swait.ge [sflag:s9], $0x80  }
0xc3: {  	[sflag:s9] =	ssyncset.done $0x0  }
0xc4: {  	[sflag:s9] =	ssyncadd.s32 $0xFFFFFF80  }
0xc5: {  	_ =	swait.ge [sflag:s9], $0x80  }
0xc6: {  	[sflag:s9] =	ssyncset.done $0x0  }
0xc7: {  	[sflag:s9] =	ssyncadd.s32 $0xFFFFFF80  }
0xc8: {  	_ =	swait.ge [sflag:s9], $0x80  }
0xc9: {  	[sflag:s9] =	ssyncset.done $0x0  }
0xca: {  	[sflag:s9] =	ssyncadd.s32 $0xFFFFFF80  }
0xcb: {  	_ =	swait.ge [sflag:s9], $0x80  }
0xcc: {  	[sflag:s9] =	ssyncset.done $0x0  }
0xcd: {  	[sflag:s9] =	ssyncadd.s32 $0xFFFFFF80  }
0xce: {  	_ =	swait.ge [sflag:s9], $0x80  }
0xcf: {  	[sflag:s9] =	ssyncset.done $0x0  }
0xd0: {  	[sflag:s9] =	ssyncadd.s32 $0xFFFFFF80  }
0xd1: {  	_ =	swait.ge [sflag:s9], $0x80  }
0xd2: {  	[sflag:s9] =	ssyncset.done $0x0  }
0xd3: {  	[sflag:s9] =	ssyncadd.s32 $0xFFFFFF80  }
0xd4: {  	_ =	swait.ge [sflag:s9], $0x80  }
0xd5: {  	[sflag:s9] =	ssyncset.done $0x0  }
0xd6: {  	[sflag:s9] =	ssyncadd.s32 $0xFFFFFF80  }
0xd7: {  	_ =	swait.ge [sflag:s9], $0x80  }
0xd8: {  	[sflag:s9] =	ssyncset.done $0x0  }
0xd9: {  	s1 =	rddreg [dreg:$0xa];
	[sflag:s9] =	ssyncadd.s32 $0xFFFFFF80  }
0xda: {  	[hbm4b:s1+s2] =	stream.linear.scatter [tilespmem:s8], [sflag:$0x5], $0x180, $0x38;
	[tilespmem:$0x1400] =	vst v63  }
0xdb: {  	_ =	swait.ge [sflag:s3], $0x180  }
0xdc: {  	[sflag:s3] =	ssyncset.done $0x0  }
0xdd: {  	s1 =	rddreg [dreg:$0xb];
	[sflag:s3] =	ssyncadd.s32 $0xFFFFFE80  }
0xde: {  	[hbm4b:s1+s2] =	stream.linear.scatter [tilespmem:s7], [sflag:$0x5], $0x300, $0x38;
	[tilespmem:$0x1400] =	vst v63  }
0xdf: {  	_ =	swait.ge [sflag:s3], $0x300  }
0xe0: {  	[sflag:s3] =	ssyncset.done $0x0  }
0xe1: {  	[sflag:s3] =	ssyncadd.s32 $0xFFFFFD00  }
0xe2: {  	_ =	swait.ge [sflag:s6], $0x80  }
0xe3: {  	[sflag:s6] =	ssyncset.done $0x0  }
0xe4: {  	[sflag:s6] =	ssyncadd.s32 $0xFFFFFF80  }
0xe5: {  	_ =	swait.ge [sflag:s6], $0x80  }
0xe6: {  	[sflag:s6] =	ssyncset.done $0x0  }
0xe7: {  	[sflag:s6] =	ssyncadd.s32 $0xFFFFFF80  }
0xe8: {  	_ =	swait.ge [sflag:s6], $0x80  }
0xe9: {  	[sflag:s6] =	ssyncset.done $0x0  }
0xea: {  	[sflag:s6] =	ssyncadd.s32 $0xFFFFFF80  }
0xeb: {  	_ =	swait.ge [sflag:s6], $0x80  }
0xec: {  	[sflag:s6] =	ssyncset.done $0x0  }
0xed: {  	[sflag:s6] =	ssyncadd.s32 $0xFFFFFF80  }
0xee: {  	_ =	swait.ge [sflag:s6], $0x80  }
0xef: {  	[sflag:s6] =	ssyncset.done $0x0  }
0xf0: {  	[sflag:s6] =	ssyncadd.s32 $0xFFFFFF80  }
0xf1: {  	_ =	swait.ge [sflag:s6], $0x80  }
0xf2: {  	[sflag:s6] =	ssyncset.done $0x0  }
0xf3: {  	[sflag:s6] =	ssyncadd.s32 $0xFFFFFF80  }
0xf4: {  	_ =	swait.ge [sflag:s6], $0x80  }
0xf5: {  	[sflag:s6] =	ssyncset.done $0x0  }
0xf6: {  	[sflag:s6] =	ssyncadd.s32 $0xFFFFFF80  }
0xf7: {  	_ =	swait.ge [sflag:s6], $0x80  }
0xf8: {  	[sflag:s6] =	ssyncset.done $0x0  }
0xf9: {  	[sflag:s6] =	ssyncadd.s32 $0xFFFFFF80  }
0xfa: {  	_ =	swait.ge [sflag:s6], $0x80  }
0xfb: {  	[sflag:s6] =	ssyncset.done $0x0  }
0xfc: {  	s1 =	rddreg [dreg:$0xc];
	[sflag:s6] =	ssyncadd.s32 $0xFFFFFF80  }
0xfd: {  	[hbm4b:s1+s2] =	stream.linear.scatter [tilespmem:s5], [sflag:$0x5], $0x180, $0x38;
	[tilespmem:$0x1400] =	vst v63  }
0xfe: {  	p1 =	sne.s32 s29, $0x1;
	_ =	swait.ge [sflag:s3], $0x180  }
.Ltmp1:
0xff: {  	[sflag:s3] =	ssyncset.done $0x0;
	(pc) =	sbr.rel @!p1 .LBB2_3-.Ltmp1, $4  }
0x100: {  	s1 =	rddreg [dreg:$0xd];
	[sflag:s3] =	ssyncadd.s32 $0xFFFFFE80  }
0x101: {  	[hbm4b:s1+s2] =	stream.linear.scatter [tilespmem:s4], [sflag:$0x5], $0x300, $0x38;
	[tilespmem:$0x1400] =	vst v63  }
0x102: {  	p0 =	por $0x1, $0x1;
	_ =	swait.ge [sflag:s3], $0x300  }
0x103: {  	s1 =	sadd.s32 $0xFFFFFFFF, s29;
	s0 =	rddreg [dreg:$0x5];
	[sflag:s3] =	ssyncset.done $0x0  }
.LBB2_4:
0x104: {  	[sflag:s3] =	ssyncadd.s32 $0xFFFFFD00  }
0x105: {  	[tilespmem:s2], [sflag:$0x5] =	stream.linear.gather [hbm4b:s0+s2], $0x200, $0x38;
	[tilespmem:$0x1400] =	vst v63  }
0x106: {  	_ =	swait.ge [sflag:s3], $0x200  }
0x107: {  	[sflag:s3] =	ssyncset.done $0x0  }
0x108: {  	[sflag:s3] =	ssyncadd.s32 $0xFFFFFE00  }
0x109: {  	[tilespmem:s15], [sflag:$0x1] =	stream.indirect.gather [hbm4b:s13+s24], $0x1, s2, s24, $0xb8;
	[tilespmem:$0x1400] =	vst v63  }
0x10a: {  	s0 =	rddreg [dreg:$0xe]  }
0x10b: {  	[tilespmem:s0], [sflag:$0x1] =	stream.indirect.gather [hbm4b:s17+s24], $0x1, s2, s24, $0xb8;
	[tilespmem:$0x1400] =	vst v63  }
0x10c: {  	s29 =	rddreg [dreg:$0xf]  }
0x10d: {  	[tilespmem:s29], [sflag:$0x1] =	stream.indirect.gather [hbm4b:s19+s24], $0x1, s2, s24, $0xb8;
	[tilespmem:$0x1400] =	vst v63  }
0x10e: {  	_ = 	snop  }
0x10f: {  	[tilespmem:s14], [sflag:$0x1] =	stream.indirect.gather [hbm4b:s12+s24], $0x1, s2, s24, $0xb8;
	[tilespmem:$0x1400] =	vst v63  }
0x110: {  	s0 =	rddreg [dreg:$0x10]  }
0x111: {  	[tilespmem:s0], [sflag:$0x1] =	stream.indirect.gather [hbm4b:s18+s24], $0x1, s2, s24, $0xb8;
	[tilespmem:$0x1400] =	vst v63  }
0x112: {  	s29 =	rddreg [dreg:$0x11]  }
0x113: {  	[tilespmem:s29], [sflag:$0x1] =	stream.indirect.gather [hbm4b:s20+s24], $0x1, s2, s24, $0xb8;
	[tilespmem:$0x1400] =	vst v63  }
0x114: {  	s0 =	rddreg [dreg:$0x12]  }
0x115: {  	[tilespmem:s0], [sflag:$0x1] =	stream.indirect.gather [hbm4b:s21+s24], $0x1, s2, s24, $0xb8;
	[tilespmem:$0x1400] =	vst v63  }
0x116: {  	s29 =	rddreg [dreg:$0x13]  }
0x117: {  	[tilespmem:s29], [sflag:$0x1] =	stream.indirect.gather [hbm4b:s22+s24], $0x1, s2, s24, $0xb8;
	[tilespmem:$0x1400] =	vst v63  }
0x118: {  	s0 =	rddreg [dreg:$0x14]  }
0x119: {  	[tilespmem:s0], [sflag:$0x1] =	stream.indirect.gather [hbm4b:s23+s24], $0x1, s2, s24, $0xb8;
	[tilespmem:$0x1400] =	vst v63  }
0x11a: {  	_ = 	snop  }
0x11b: {  	[tilespmem:s11], [sflag:$0x2] =	stream.indirect.gather [hbm4b:s13+s24], $0x1, s24, s24, $0xb8;
	[tilespmem:$0x1400] =	vst v63  }
0x11c: {  	s0 =	rddreg [dreg:$0x15]  }
0x11d: {  	[tilespmem:s0], [sflag:$0x2] =	stream.indirect.gather [hbm4b:s17+s24], $0x1, s24, s24, $0xb8;
	[tilespmem:$0x1400] =	vst v63  }
0x11e: {  	s29 =	rddreg [dreg:$0x16]  }
0x11f: {  	[tilespmem:s29], [sflag:$0x2] =	stream.indirect.gather [hbm4b:s19+s24], $0x1, s24, s24, $0xb8;
	[tilespmem:$0x1400] =	vst v63  }
0x120: {  	_ = 	snop  }
0x121: {  	[tilespmem:s10], [sflag:$0x2] =	stream.indirect.gather [hbm4b:s12+s24], $0x1, s24, s24, $0xb8;
	[tilespmem:$0x1400] =	vst v63  }
0x122: {  	s0 =	rddreg [dreg:$0x17]  }
0x123: {  	[tilespmem:s0], [sflag:$0x2] =	stream.indirect.gather [hbm4b:s18+s24], $0x1, s24, s24, $0xb8;
	[tilespmem:$0x1400] =	vst v63  }
0x124: {  	s29 =	rddreg [dreg:$0x18]  }
0x125: {  	[tilespmem:s29], [sflag:$0x2] =	stream.indirect.gather [hbm4b:s20+s24], $0x1, s24, s24, $0xb8;
	[tilespmem:$0x1400] =	vst v63  }
0x126: {  	s0 =	rddreg [dreg:$0x19]  }
0x127: {  	[tilespmem:s0], [sflag:$0x2] =	stream.indirect.gather [hbm4b:s21+s24], $0x1, s24, s24, $0xb8;
	[tilespmem:$0x1400] =	vst v63  }
0x128: {  	s29 =	rddreg [dreg:$0x1a]  }
0x129: {  	[tilespmem:s29], [sflag:$0x2] =	stream.indirect.gather [hbm4b:s22+s24], $0x1, s24, s24, $0xb8;
	[tilespmem:$0x1400] =	vst v63  }
0x12a: {  	s0 =	rddreg [dreg:$0x1b]  }
0x12b: {  	[tilespmem:s0], [sflag:$0x2] =	stream.indirect.gather [hbm4b:s23+s24], $0x1, s24, s24, $0xb8;
	[tilespmem:$0x1400] =	vst v63  }
0x12c: {  	_ = 	snop  }
0x12d: {  	[tilespmem:s8], [sflag:$0x3] =	stream.indirect.gather [hbm4b:s13+s24], $0x1, s28, s24, $0xb8;
	[tilespmem:$0x1400] =	vst v63  }
0x12e: {  	s0 =	rddreg [dreg:$0x1c]  }
0x12f: {  	[tilespmem:s0], [sflag:$0x3] =	stream.indirect.gather [hbm4b:s17+s24], $0x1, s28, s24, $0xb8;
	[tilespmem:$0x1400] =	vst v63  }
0x130: {  	s29 =	rddreg [dreg:$0x1d]  }
0x131: {  	[tilespmem:s29], [sflag:$0x3] =	stream.indirect.gather [hbm4b:s19+s24], $0x1, s28, s24, $0xb8;
	[tilespmem:$0x1400] =	vst v63  }
0x132: {  	s0 =	rddreg [dreg:$0x1e]  }
0x133: {  	[tilespmem:s7], [sflag:$0x3] =	stream.indirect.gather [hbm4b:s12+s24], $0x1, s28, s24, $0xb8;
	[tilespmem:$0x1400] =	vst v63  }
0x134: {  	s29 =	rddreg [dreg:$0x1f]  }
0x135: {  	[tilespmem:s0], [sflag:$0x3] =	stream.indirect.gather [hbm4b:s18+s24], $0x1, s28, s24, $0xb8;
	[tilespmem:$0x1400] =	vst v63  }
0x136: {  	s0 =	sld [smem:$0x7F7]  }
0x137: {  	[tilespmem:s29], [sflag:$0x3] =	stream.indirect.gather [hbm4b:s20+s24], $0x1, s28, s24, $0xb8;
	[tilespmem:$0x1400] =	vst v63  }
0x138: {  	s29 =	sld [smem:$0x7F8]  }
0x139: {  	[tilespmem:s0], [sflag:$0x3] =	stream.indirect.gather [hbm4b:s21+s24], $0x1, s28, s24, $0xb8;
	[tilespmem:$0x1400] =	vst v63  }
0x13a: {  	s0 =	sld [smem:$0x7F9]  }
0x13b: {  	[tilespmem:s29], [sflag:$0x3] =	stream.indirect.gather [hbm4b:s22+s24], $0x1, s28, s24, $0xb8;
	[tilespmem:$0x1400] =	vst v63  }
0x13c: {  	_ = 	snop  }
0x13d: {  	[tilespmem:s0], [sflag:$0x3] =	stream.indirect.gather [hbm4b:s23+s24], $0x1, s28, s24, $0xb8;
	[tilespmem:$0x1400] =	vst v63  }
0x13e: {  	s0 =	sld [smem:$0x7FA]  }
0x13f: {  	[tilespmem:s5], [sflag:$0x4] =	stream.indirect.gather [hbm4b:s13+s24], $0x1, s26, s24, $0xb8;
	[tilespmem:$0x1400] =	vst v63  }
0x140: {  	s29 =	sld [smem:$0x7FB]  }
0x141: {  	[tilespmem:s0], [sflag:$0x4] =	stream.indirect.gather [hbm4b:s17+s24], $0x1, s26, s24, $0xb8;
	[tilespmem:$0x1400] =	vst v63  }
0x142: {  	_ = 	snop  }
0x143: {  	[tilespmem:s29], [sflag:$0x4] =	stream.indirect.gather [hbm4b:s19+s24], $0x1, s26, s24, $0xb8;
	[tilespmem:$0x1400] =	vst v63  }
0x144: {  	s0 =	sld [smem:$0x7FC]  }
0x145: {  	[tilespmem:s4], [sflag:$0x4] =	stream.indirect.gather [hbm4b:s12+s24], $0x1, s26, s24, $0xb8;
	[tilespmem:$0x1400] =	vst v63  }
0x146: {  	s29 =	sld [smem:$0x7FD]  }
0x147: {  	[tilespmem:s0], [sflag:$0x4] =	stream.indirect.gather [hbm4b:s18+s24], $0x1, s26, s24, $0xb8;
	[tilespmem:$0x1400] =	vst v63  }
0x148: {  	_ = 	snop  }
0x149: {  	[tilespmem:s29], [sflag:$0x4] =	stream.indirect.gather [hbm4b:s20+s24], $0x1, s26, s24, $0xb8;
	[tilespmem:$0x1400] =	vst v63  }
0x14a: {  	s29 =	simm.s32 $0x1280  }
0x14b: {  	[tilespmem:s29], [sflag:$0x4] =	stream.indirect.gather [hbm4b:s21+s24], $0x1, s26, s24, $0xb8;
	[tilespmem:$0x1400] =	vst v63  }
0x14c: {  	_ = 	snop  }
0x14d: {  	[tilespmem:s31], [sflag:$0x4] =	stream.indirect.gather [hbm4b:s22+s24], $0x1, s26, s24, $0xb8;
	[tilespmem:$0x1400] =	vst v63  }
0x14e: {  	_ = 	snop  }
0x14f: {  	[tilespmem:s30], [sflag:$0x4] =	stream.indirect.gather [hbm4b:s23+s24], $0x1, s26, s24, $0xb8;
	[tilespmem:$0x1400] =	vst v63  }
0x150: {  	_ =	swait.ge [sflag:s25], $0x80  }
0x151: {  	[sflag:s25] =	ssyncset.done $0x0  }
0x152: {  	[sflag:s25] =	ssyncadd.s32 $0xFFFFFF80  }
0x153: {  	_ =	swait.ge [sflag:s25], $0x80  }
0x154: {  	[sflag:s25] =	ssyncset.done $0x0  }
0x155: {  	[sflag:s25] =	ssyncadd.s32 $0xFFFFFF80  }
0x156: {  	_ =	swait.ge [sflag:s25], $0x80  }
0x157: {  	[sflag:s25] =	ssyncset.done $0x0  }
0x158: {  	[sflag:s25] =	ssyncadd.s32 $0xFFFFFF80  }
0x159: {  	_ =	swait.ge [sflag:s25], $0x80  }
0x15a: {  	[sflag:s25] =	ssyncset.done $0x0  }
0x15b: {  	[sflag:s25] =	ssyncadd.s32 $0xFFFFFF80  }
0x15c: {  	_ =	swait.ge [sflag:s25], $0x80  }
0x15d: {  	[sflag:s25] =	ssyncset.done $0x0  }
0x15e: {  	[sflag:s25] =	ssyncadd.s32 $0xFFFFFF80  }
0x15f: {  	_ =	swait.ge [sflag:s25], $0x80  }
0x160: {  	[sflag:s25] =	ssyncset.done $0x0  }
0x161: {  	[sflag:s25] =	ssyncadd.s32 $0xFFFFFF80  }
0x162: {  	_ =	swait.ge [sflag:s25], $0x80  }
0x163: {  	[sflag:s25] =	ssyncset.done $0x0  }
0x164: {  	[sflag:s25] =	ssyncadd.s32 $0xFFFFFF80  }
0x165: {  	_ =	swait.ge [sflag:s25], $0x80  }
0x166: {  	[sflag:s25] =	ssyncset.done $0x0  }
0x167: {  	[sflag:s25] =	ssyncadd.s32 $0xFFFFFF80  }
0x168: {  	_ =	swait.ge [sflag:s25], $0x80  }
0x169: {  	[sflag:s25] =	ssyncset.done $0x0  }
0x16a: {  	s29 =	rddreg [dreg:$0x6];
	[sflag:s25] =	ssyncadd.s32 $0xFFFFFF80  }
0x16b: {  	[hbm4b:s29+s2] =	stream.linear.scatter [tilespmem:s15], [sflag:$0x5], $0x180, $0x38;
	[tilespmem:$0x1400] =	vst v63  }
0x16c: {  	_ =	swait.ge [sflag:s3], $0x180  }
0x16d: {  	[sflag:s3] =	ssyncset.done $0x0  }
0x16e: {  	s29 =	rddreg [dreg:$0x7];
	[sflag:s3] =	ssyncadd.s32 $0xFFFFFE80  }
0x16f: {  	[hbm4b:s29+s2] =	stream.linear.scatter [tilespmem:s14], [sflag:$0x5], $0x300, $0x38;
	[tilespmem:$0x1400] =	vst v63  }
0x170: {  	_ =	swait.ge [sflag:s3], $0x300  }
0x171: {  	[sflag:s3] =	ssyncset.done $0x0  }
0x172: {  	[sflag:s3] =	ssyncadd.s32 $0xFFFFFD00  }
0x173: {  	_ =	swait.ge [sflag:s16], $0x80  }
0x174: {  	[sflag:s16] =	ssyncset.done $0x0  }
0x175: {  	[sflag:s16] =	ssyncadd.s32 $0xFFFFFF80  }
0x176: {  	_ =	swait.ge [sflag:s16], $0x80  }
0x177: {  	[sflag:s16] =	ssyncset.done $0x0  }
0x178: {  	[sflag:s16] =	ssyncadd.s32 $0xFFFFFF80  }
0x179: {  	_ =	swait.ge [sflag:s16], $0x80  }
0x17a: {  	[sflag:s16] =	ssyncset.done $0x0  }
0x17b: {  	[sflag:s16] =	ssyncadd.s32 $0xFFFFFF80  }
0x17c: {  	_ =	swait.ge [sflag:s16], $0x80  }
0x17d: {  	[sflag:s16] =	ssyncset.done $0x0  }
0x17e: {  	[sflag:s16] =	ssyncadd.s32 $0xFFFFFF80  }
0x17f: {  	_ =	swait.ge [sflag:s16], $0x80  }
0x180: {  	[sflag:s16] =	ssyncset.done $0x0  }
0x181: {  	[sflag:s16] =	ssyncadd.s32 $0xFFFFFF80  }
0x182: {  	_ =	swait.ge [sflag:s16], $0x80  }
0x183: {  	[sflag:s16] =	ssyncset.done $0x0  }
0x184: {  	[sflag:s16] =	ssyncadd.s32 $0xFFFFFF80  }
0x185: {  	_ =	swait.ge [sflag:s16], $0x80  }
0x186: {  	[sflag:s16] =	ssyncset.done $0x0  }
0x187: {  	[sflag:s16] =	ssyncadd.s32 $0xFFFFFF80  }
0x188: {  	_ =	swait.ge [sflag:s16], $0x80  }
0x189: {  	[sflag:s16] =	ssyncset.done $0x0  }
0x18a: {  	[sflag:s16] =	ssyncadd.s32 $0xFFFFFF80  }
0x18b: {  	_ =	swait.ge [sflag:s16], $0x80  }
0x18c: {  	[sflag:s16] =	ssyncset.done $0x0  }
0x18d: {  	s29 =	rddreg [dreg:$0x8];
	[sflag:s16] =	ssyncadd.s32 $0xFFFFFF80  }
0x18e: {  	[hbm4b:s29+s2] =	stream.linear.scatter [tilespmem:s11], [sflag:$0x5], $0x180, $0x38;
	[tilespmem:$0x1400] =	vst v63  }
0x18f: {  	_ =	swait.ge [sflag:s3], $0x180  }
0x190: {  	[sflag:s3] =	ssyncset.done $0x0  }
0x191: {  	s29 =	rddreg [dreg:$0x9];
	[sflag:s3] =	ssyncadd.s32 $0xFFFFFE80  }
0x192: {  	[hbm4b:s29+s2] =	stream.linear.scatter [tilespmem:s10], [sflag:$0x5], $0x300, $0x38;
	[tilespmem:$0x1400] =	vst v63  }
0x193: {  	_ =	swait.ge [sflag:s3], $0x300  }
0x194: {  	[sflag:s3] =	ssyncset.done $0x0  }
0x195: {  	[sflag:s3] =	ssyncadd.s32 $0xFFFFFD00  }
0x196: {  	_ =	swait.ge [sflag:s9], $0x80  }
0x197: {  	[sflag:s9] =	ssyncset.done $0x0  }
0x198: {  	[sflag:s9] =	ssyncadd.s32 $0xFFFFFF80  }
0x199: {  	_ =	swait.ge [sflag:s9], $0x80  }
0x19a: {  	[sflag:s9] =	ssyncset.done $0x0  }
0x19b: {  	[sflag:s9] =	ssyncadd.s32 $0xFFFFFF80  }
0x19c: {  	_ =	swait.ge [sflag:s9], $0x80  }
0x19d: {  	[sflag:s9] =	ssyncset.done $0x0  }
0x19e: {  	[sflag:s9] =	ssyncadd.s32 $0xFFFFFF80  }
0x19f: {  	_ =	swait.ge [sflag:s9], $0x80  }
0x1a0: {  	[sflag:s9] =	ssyncset.done $0x0  }
0x1a1: {  	[sflag:s9] =	ssyncadd.s32 $0xFFFFFF80  }
0x1a2: {  	_ =	swait.ge [sflag:s9], $0x80  }
0x1a3: {  	[sflag:s9] =	ssyncset.done $0x0  }
0x1a4: {  	[sflag:s9] =	ssyncadd.s32 $0xFFFFFF80  }
0x1a5: {  	_ =	swait.ge [sflag:s9], $0x80  }
0x1a6: {  	[sflag:s9] =	ssyncset.done $0x0  }
0x1a7: {  	[sflag:s9] =	ssyncadd.s32 $0xFFFFFF80  }
0x1a8: {  	_ =	swait.ge [sflag:s9], $0x80  }
0x1a9: {  	[sflag:s9] =	ssyncset.done $0x0  }
0x1aa: {  	[sflag:s9] =	ssyncadd.s32 $0xFFFFFF80  }
0x1ab: {  	_ =	swait.ge [sflag:s9], $0x80  }
0x1ac: {  	[sflag:s9] =	ssyncset.done $0x0  }
0x1ad: {  	[sflag:s9] =	ssyncadd.s32 $0xFFFFFF80  }
0x1ae: {  	_ =	swait.ge [sflag:s9], $0x80  }
0x1af: {  	[sflag:s9] =	ssyncset.done $0x0  }
0x1b0: {  	s29 =	rddreg [dreg:$0xa];
	[sflag:s9] =	ssyncadd.s32 $0xFFFFFF80  }
0x1b1: {  	[hbm4b:s29+s2] =	stream.linear.scatter [tilespmem:s8], [sflag:$0x5], $0x180, $0x38;
	[tilespmem:$0x1400] =	vst v63  }
0x1b2: {  	_ =	swait.ge [sflag:s3], $0x180  }
0x1b3: {  	[sflag:s3] =	ssyncset.done $0x0  }
0x1b4: {  	s29 =	rddreg [dreg:$0xb];
	[sflag:s3] =	ssyncadd.s32 $0xFFFFFE80  }
0x1b5: {  	[hbm4b:s29+s2] =	stream.linear.scatter [tilespmem:s7], [sflag:$0x5], $0x300, $0x38;
	[tilespmem:$0x1400] =	vst v63  }
0x1b6: {  	_ =	swait.ge [sflag:s3], $0x300  }
0x1b7: {  	[sflag:s3] =	ssyncset.done $0x0  }
0x1b8: {  	[sflag:s3] =	ssyncadd.s32 $0xFFFFFD00  }
0x1b9: {  	_ =	swait.ge [sflag:s6], $0x80  }
0x1ba: {  	[sflag:s6] =	ssyncset.done $0x0  }
0x1bb: {  	[sflag:s6] =	ssyncadd.s32 $0xFFFFFF80  }
0x1bc: {  	_ =	swait.ge [sflag:s6], $0x80  }
0x1bd: {  	[sflag:s6] =	ssyncset.done $0x0  }
0x1be: {  	[sflag:s6] =	ssyncadd.s32 $0xFFFFFF80  }
0x1bf: {  	_ =	swait.ge [sflag:s6], $0x80  }
0x1c0: {  	[sflag:s6] =	ssyncset.done $0x0  }
0x1c1: {  	[sflag:s6] =	ssyncadd.s32 $0xFFFFFF80  }
0x1c2: {  	_ =	swait.ge [sflag:s6], $0x80  }
0x1c3: {  	[sflag:s6] =	ssyncset.done $0x0  }
0x1c4: {  	[sflag:s6] =	ssyncadd.s32 $0xFFFFFF80  }
0x1c5: {  	_ =	swait.ge [sflag:s6], $0x80  }
0x1c6: {  	[sflag:s6] =	ssyncset.done $0x0  }
0x1c7: {  	[sflag:s6] =	ssyncadd.s32 $0xFFFFFF80  }
0x1c8: {  	_ =	swait.ge [sflag:s6], $0x80  }
0x1c9: {  	[sflag:s6] =	ssyncset.done $0x0  }
0x1ca: {  	[sflag:s6] =	ssyncadd.s32 $0xFFFFFF80  }
0x1cb: {  	_ =	swait.ge [sflag:s6], $0x80  }
0x1cc: {  	[sflag:s6] =	ssyncset.done $0x0  }
0x1cd: {  	[sflag:s6] =	ssyncadd.s32 $0xFFFFFF80  }
0x1ce: {  	_ =	swait.ge [sflag:s6], $0x80  }
0x1cf: {  	[sflag:s6] =	ssyncset.done $0x0  }
0x1d0: {  	[sflag:s6] =	ssyncadd.s32 $0xFFFFFF80  }
0x1d1: {  	_ =	swait.ge [sflag:s6], $0x80  }
0x1d2: {  	[sflag:s6] =	ssyncset.done $0x0  }
0x1d3: {  	s29 =	rddreg [dreg:$0xc];
	[sflag:s6] =	ssyncadd.s32 $0xFFFFFF80  }
0x1d4: {  	[hbm4b:s29+s2] =	stream.linear.scatter [tilespmem:s5], [sflag:$0x5], $0x180, $0x38;
	[tilespmem:$0x1400] =	vst v63  }
0x1d5: {  	p1 =	sne.s32 s1, $0x1;
	_ =	swait.ge [sflag:s3], $0x180  }
.Ltmp2:
0x1d6: {  	[sflag:s3] =	ssyncset.done $0x0;
	(pc) =	sbr.rel @p1 .LBB2_4-.Ltmp2, $4  }
0x1d7: {  	s29 =	rddreg [dreg:$0xd];
	[sflag:s3] =	ssyncadd.s32 $0xFFFFFE80  }
0x1d8: {  	[hbm4b:s29+s2] =	stream.linear.scatter [tilespmem:s4], [sflag:$0x5], $0x300, $0x38;
	[tilespmem:$0x1400] =	vst v63  }
0x1d9: {  	_ =	swait.ge [sflag:s3], $0x300  }
0x1da: {  	s1 =	sadd.s32 $0xFFFFFFFF, s1;
	s0 =	rddreg [dreg:$0x5];
	[sflag:s3] =	ssyncset.done $0x0  }
0x1db: {  	s29 =	simm.s32 $0x1380;
	s31 =	simm.s32 $0x1300;
	s30 =	simm.s32 $0x1280  }
.LBB2_6:
0x1dc: {  	[sflag:s3] =	ssyncadd.s32 @p0 $0xFFFFFD00  }
0x1dd: {  	[tilespmem:s2], [sflag:$0x5] =	stream.linear.gather [hbm4b:s0+s2], $0x200, $0x38;
	[tilespmem:$0x1400] =	vst v63  }
0x1de: {  	_ =	swait.ge [sflag:s3], $0x200  }
0x1df: {  	[sflag:s3] =	ssyncset.done $0x0  }
0x1e0: {  	[sflag:s3] =	ssyncadd.s32 $0xFFFFFE00  }
0x1e1: {  	[tilespmem:s15], [sflag:$0x1] =	stream.indirect.gather [hbm4b:s13+s24], $0x1, s2, s24, $0xb8;
	[tilespmem:$0x1400] =	vst v63  }
0x1e2: {  	s0 =	rddreg [dreg:$0xe]  }
0x1e3: {  	[tilespmem:s0], [sflag:$0x1] =	stream.indirect.gather [hbm4b:s17+s24], $0x1, s2, s24, $0xb8;
	[tilespmem:$0x1400] =	vst v63  }
0x1e4: {  	s1 =	rddreg [dreg:$0xf]  }
0x1e5: {  	[tilespmem:s1], [sflag:$0x1] =	stream.indirect.gather [hbm4b:s19+s24], $0x1, s2, s24, $0xb8;
	[tilespmem:$0x1400] =	vst v63  }
0x1e6: {  	_ = 	snop  }
0x1e7: {  	[tilespmem:s14], [sflag:$0x1] =	stream.indirect.gather [hbm4b:s12+s24], $0x1, s2, s24, $0xb8;
	[tilespmem:$0x1400] =	vst v63  }
0x1e8: {  	s0 =	rddreg [dreg:$0x10]  }
0x1e9: {  	[tilespmem:s0], [sflag:$0x1] =	stream.indirect.gather [hbm4b:s18+s24], $0x1, s2, s24, $0xb8;
	[tilespmem:$0x1400] =	vst v63  }
0x1ea: {  	s1 =	rddreg [dreg:$0x11]  }
0x1eb: {  	[tilespmem:s1], [sflag:$0x1] =	stream.indirect.gather [hbm4b:s20+s24], $0x1, s2, s24, $0xb8;
	[tilespmem:$0x1400] =	vst v63  }
0x1ec: {  	s0 =	rddreg [dreg:$0x12]  }
0x1ed: {  	[tilespmem:s0], [sflag:$0x1] =	stream.indirect.gather [hbm4b:s21+s24], $0x1, s2, s24, $0xb8;
	[tilespmem:$0x1400] =	vst v63  }
0x1ee: {  	s1 =	rddreg [dreg:$0x13]  }
0x1ef: {  	[tilespmem:s1], [sflag:$0x1] =	stream.indirect.gather [hbm4b:s22+s24], $0x1, s2, s24, $0xb8;
	[tilespmem:$0x1400] =	vst v63  }
0x1f0: {  	s0 =	rddreg [dreg:$0x14]  }
0x1f1: {  	[tilespmem:s0], [sflag:$0x1] =	stream.indirect.gather [hbm4b:s23+s24], $0x1, s2, s24, $0xb8;
	[tilespmem:$0x1400] =	vst v63  }
0x1f2: {  	_ = 	snop  }
0x1f3: {  	[tilespmem:s11], [sflag:$0x2] =	stream.indirect.gather [hbm4b:s13+s24], $0x1, s24, s24, $0xb8;
	[tilespmem:$0x1400] =	vst v63  }
0x1f4: {  	s0 =	rddreg [dreg:$0x15]  }
0x1f5: {  	[tilespmem:s0], [sflag:$0x2] =	stream.indirect.gather [hbm4b:s17+s24], $0x1, s24, s24, $0xb8;
	[tilespmem:$0x1400] =	vst v63  }
0x1f6: {  	s1 =	rddreg [dreg:$0x16]  }
0x1f7: {  	[tilespmem:s1], [sflag:$0x2] =	stream.indirect.gather [hbm4b:s19+s24], $0x1, s24, s24, $0xb8;
	[tilespmem:$0x1400] =	vst v63  }
0x1f8: {  	_ = 	snop  }
0x1f9: {  	[tilespmem:s10], [sflag:$0x2] =	stream.indirect.gather [hbm4b:s12+s24], $0x1, s24, s24, $0xb8;
	[tilespmem:$0x1400] =	vst v63  }
0x1fa: {  	s0 =	rddreg [dreg:$0x17]  }
0x1fb: {  	[tilespmem:s0], [sflag:$0x2] =	stream.indirect.gather [hbm4b:s18+s24], $0x1, s24, s24, $0xb8;
	[tilespmem:$0x1400] =	vst v63  }
0x1fc: {  	s1 =	rddreg [dreg:$0x18]  }
0x1fd: {  	[tilespmem:s1], [sflag:$0x2] =	stream.indirect.gather [hbm4b:s20+s24], $0x1, s24, s24, $0xb8;
	[tilespmem:$0x1400] =	vst v63  }
0x1fe: {  	s0 =	rddreg [dreg:$0x19]  }
0x1ff: {  	[tilespmem:s0], [sflag:$0x2] =	stream.indirect.gather [hbm4b:s21+s24], $0x1, s24, s24, $0xb8;
	[tilespmem:$0x1400] =	vst v63  }
0x200: {  	s1 =	rddreg [dreg:$0x1a]  }
0x201: {  	[tilespmem:s1], [sflag:$0x2] =	stream.indirect.gather [hbm4b:s22+s24], $0x1, s24, s24, $0xb8;
	[tilespmem:$0x1400] =	vst v63  }
0x202: {  	s0 =	rddreg [dreg:$0x1b]  }
0x203: {  	[tilespmem:s0], [sflag:$0x2] =	stream.indirect.gather [hbm4b:s23+s24], $0x1, s24, s24, $0xb8;
	[tilespmem:$0x1400] =	vst v63  }
0x204: {  	_ = 	snop  }
0x205: {  	[tilespmem:s8], [sflag:$0x3] =	stream.indirect.gather [hbm4b:s13+s24], $0x1, s28, s24, $0xb8;
	[tilespmem:$0x1400] =	vst v63  }
0x206: {  	s0 =	rddreg [dreg:$0x1c]  }
0x207: {  	[tilespmem:s0], [sflag:$0x3] =	stream.indirect.gather [hbm4b:s17+s24], $0x1, s28, s24, $0xb8;
	[tilespmem:$0x1400] =	vst v63  }
0x208: {  	s1 =	rddreg [dreg:$0x1d]  }
0x209: {  	[tilespmem:s1], [sflag:$0x3] =	stream.indirect.gather [hbm4b:s19+s24], $0x1, s28, s24, $0xb8;
	[tilespmem:$0x1400] =	vst v63  }
0x20a: {  	s0 =	rddreg [dreg:$0x1e]  }
0x20b: {  	[tilespmem:s7], [sflag:$0x3] =	stream.indirect.gather [hbm4b:s12+s24], $0x1, s28, s24, $0xb8;
	[tilespmem:$0x1400] =	vst v63  }
0x20c: {  	s1 =	rddreg [dreg:$0x1f]  }
0x20d: {  	[tilespmem:s0], [sflag:$0x3] =	stream.indirect.gather [hbm4b:s18+s24], $0x1, s28, s24, $0xb8;
	[tilespmem:$0x1400] =	vst v63  }
0x20e: {  	s0 =	sld [smem:$0x7F7]  }
0x20f: {  	[tilespmem:s1], [sflag:$0x3] =	stream.indirect.gather [hbm4b:s20+s24], $0x1, s28, s24, $0xb8;
	[tilespmem:$0x1400] =	vst v63  }
0x210: {  	s1 =	sld [smem:$0x7F8]  }
0x211: {  	[tilespmem:s0], [sflag:$0x3] =	stream.indirect.gather [hbm4b:s21+s24], $0x1, s28, s24, $0xb8;
	[tilespmem:$0x1400] =	vst v63  }
0x212: {  	s0 =	sld [smem:$0x7F9]  }
0x213: {  	[tilespmem:s1], [sflag:$0x3] =	stream.indirect.gather [hbm4b:s22+s24], $0x1, s28, s24, $0xb8;
	[tilespmem:$0x1400] =	vst v63  }
0x214: {  	_ = 	snop  }
0x215: {  	[tilespmem:s0], [sflag:$0x3] =	stream.indirect.gather [hbm4b:s23+s24], $0x1, s28, s24, $0xb8;
	[tilespmem:$0x1400] =	vst v63  }
0x216: {  	s1 =	sld [smem:$0x7FA]  }
0x217: {  	[tilespmem:s5], [sflag:$0x4] =	stream.indirect.gather [hbm4b:s13+s24], $0x1, s26, s24, $0xb8;
	[tilespmem:$0x1400] =	vst v63  }
0x218: {  	s13 =	sld [smem:$0x7FB]  }
0x219: {  	[tilespmem:s1], [sflag:$0x4] =	stream.indirect.gather [hbm4b:s17+s24], $0x1, s26, s24, $0xb8;
	[tilespmem:$0x1400] =	vst v63  }
0x21a: {  	_ = 	snop  }
0x21b: {  	[tilespmem:s13], [sflag:$0x4] =	stream.indirect.gather [hbm4b:s19+s24], $0x1, s26, s24, $0xb8;
	[tilespmem:$0x1400] =	vst v63  }
0x21c: {  	s17 =	sld [smem:$0x7FC]  }
0x21d: {  	[tilespmem:s4], [sflag:$0x4] =	stream.indirect.gather [hbm4b:s12+s24], $0x1, s26, s24, $0xb8;
	[tilespmem:$0x1400] =	vst v63  }
0x21e: {  	s19 =	sld [smem:$0x7FD]  }
0x21f: {  	[tilespmem:s17], [sflag:$0x4] =	stream.indirect.gather [hbm4b:s18+s24], $0x1, s26, s24, $0xb8;
	[tilespmem:$0x1400] =	vst v63  }
0x220: {  	_ = 	snop  }
0x221: {  	[tilespmem:s19], [sflag:$0x4] =	stream.indirect.gather [hbm4b:s20+s24], $0x1, s26, s24, $0xb8;
	[tilespmem:$0x1400] =	vst v63  }
0x222: {  	_ = 	snop  }
0x223: {  	[tilespmem:s30], [sflag:$0x4] =	stream.indirect.gather [hbm4b:s21+s24], $0x1, s26, s24, $0xb8;
	[tilespmem:$0x1400] =	vst v63  }
0x224: {  	_ = 	snop  }
0x225: {  	[tilespmem:s31], [sflag:$0x4] =	stream.indirect.gather [hbm4b:s22+s24], $0x1, s26, s24, $0xb8;
	[tilespmem:$0x1400] =	vst v63  }
0x226: {  	_ = 	snop  }
0x227: {  	[tilespmem:s29], [sflag:$0x4] =	stream.indirect.gather [hbm4b:s23+s24], $0x1, s26, s24, $0xb8;
	[tilespmem:$0x1400] =	vst v63  }
0x228: {  	_ =	swait.ge [sflag:s25], $0x80  }
0x229: {  	[sflag:s25] =	ssyncset.done $0x0  }
0x22a: {  	[sflag:s25] =	ssyncadd.s32 $0xFFFFFF80  }
0x22b: {  	_ =	swait.ge [sflag:s25], $0x80  }
0x22c: {  	[sflag:s25] =	ssyncset.done $0x0  }
0x22d: {  	[sflag:s25] =	ssyncadd.s32 $0xFFFFFF80  }
0x22e: {  	_ =	swait.ge [sflag:s25], $0x80  }
0x22f: {  	[sflag:s25] =	ssyncset.done $0x0  }
0x230: {  	[sflag:s25] =	ssyncadd.s32 $0xFFFFFF80  }
0x231: {  	_ =	swait.ge [sflag:s25], $0x80  }
0x232: {  	[sflag:s25] =	ssyncset.done $0x0  }
0x233: {  	[sflag:s25] =	ssyncadd.s32 $0xFFFFFF80  }
0x234: {  	_ =	swait.ge [sflag:s25], $0x80  }
0x235: {  	[sflag:s25] =	ssyncset.done $0x0  }
0x236: {  	[sflag:s25] =	ssyncadd.s32 $0xFFFFFF80  }
0x237: {  	_ =	swait.ge [sflag:s25], $0x80  }
0x238: {  	[sflag:s25] =	ssyncset.done $0x0  }
0x239: {  	[sflag:s25] =	ssyncadd.s32 $0xFFFFFF80  }
0x23a: {  	_ =	swait.ge [sflag:s25], $0x80  }
0x23b: {  	[sflag:s25] =	ssyncset.done $0x0  }
0x23c: {  	[sflag:s25] =	ssyncadd.s32 $0xFFFFFF80  }
0x23d: {  	_ =	swait.ge [sflag:s25], $0x80  }
0x23e: {  	[sflag:s25] =	ssyncset.done $0x0  }
0x23f: {  	[sflag:s25] =	ssyncadd.s32 $0xFFFFFF80  }
0x240: {  	_ =	swait.ge [sflag:s25], $0x80  }
0x241: {  	[sflag:s25] =	ssyncset.done $0x0  }
0x242: {  	s22 =	rddreg [dreg:$0x6];
	[sflag:s25] =	ssyncadd.s32 $0xFFFFFF80  }
0x243: {  	[hbm4b:s22+s2] =	stream.linear.scatter [tilespmem:s15], [sflag:$0x5], $0x180, $0x38;
	[tilespmem:$0x1400] =	vst v63  }
0x244: {  	_ =	swait.ge [sflag:s3], $0x180  }
0x245: {  	[sflag:s3] =	ssyncset.done $0x0  }
0x246: {  	s23 =	rddreg [dreg:$0x7];
	[sflag:s3] =	ssyncadd.s32 $0xFFFFFE80  }
0x247: {  	[hbm4b:s23+s2] =	stream.linear.scatter [tilespmem:s14], [sflag:$0x5], $0x300, $0x38;
	[tilespmem:$0x1400] =	vst v63  }
0x248: {  	_ =	swait.ge [sflag:s3], $0x300  }
0x249: {  	[sflag:s3] =	ssyncset.done $0x0  }
0x24a: {  	[sflag:s3] =	ssyncadd.s32 $0xFFFFFD00  }
0x24b: {  	_ =	swait.ge [sflag:s16], $0x80  }
0x24c: {  	[sflag:s16] =	ssyncset.done $0x0  }
0x24d: {  	[sflag:s16] =	ssyncadd.s32 $0xFFFFFF80  }
0x24e: {  	_ =	swait.ge [sflag:s16], $0x80  }
0x24f: {  	[sflag:s16] =	ssyncset.done $0x0  }
0x250: {  	[sflag:s16] =	ssyncadd.s32 $0xFFFFFF80  }
0x251: {  	_ =	swait.ge [sflag:s16], $0x80  }
0x252: {  	[sflag:s16] =	ssyncset.done $0x0  }
0x253: {  	[sflag:s16] =	ssyncadd.s32 $0xFFFFFF80  }
0x254: {  	_ =	swait.ge [sflag:s16], $0x80  }
0x255: {  	[sflag:s16] =	ssyncset.done $0x0  }
0x256: {  	[sflag:s16] =	ssyncadd.s32 $0xFFFFFF80  }
0x257: {  	_ =	swait.ge [sflag:s16], $0x80  }
0x258: {  	[sflag:s16] =	ssyncset.done $0x0  }
0x259: {  	[sflag:s16] =	ssyncadd.s32 $0xFFFFFF80  }
0x25a: {  	_ =	swait.ge [sflag:s16], $0x80  }
0x25b: {  	[sflag:s16] =	ssyncset.done $0x0  }
0x25c: {  	[sflag:s16] =	ssyncadd.s32 $0xFFFFFF80  }
0x25d: {  	_ =	swait.ge [sflag:s16], $0x80  }
0x25e: {  	[sflag:s16] =	ssyncset.done $0x0  }
0x25f: {  	[sflag:s16] =	ssyncadd.s32 $0xFFFFFF80  }
0x260: {  	_ =	swait.ge [sflag:s16], $0x80  }
0x261: {  	[sflag:s16] =	ssyncset.done $0x0  }
0x262: {  	[sflag:s16] =	ssyncadd.s32 $0xFFFFFF80  }
0x263: {  	_ =	swait.ge [sflag:s16], $0x80  }
0x264: {  	[sflag:s16] =	ssyncset.done $0x0  }
0x265: {  	s24 =	rddreg [dreg:$0x8];
	[sflag:s16] =	ssyncadd.s32 $0xFFFFFF80  }
0x266: {  	[hbm4b:s24+s2] =	stream.linear.scatter [tilespmem:s11], [sflag:$0x5], $0x180, $0x38;
	[tilespmem:$0x1400] =	vst v63  }
0x267: {  	_ =	swait.ge [sflag:s3], $0x180  }
0x268: {  	[sflag:s3] =	ssyncset.done $0x0  }
0x269: {  	s25 =	rddreg [dreg:$0x9];
	[sflag:s3] =	ssyncadd.s32 $0xFFFFFE80  }
0x26a: {  	[hbm4b:s25+s2] =	stream.linear.scatter [tilespmem:s10], [sflag:$0x5], $0x300, $0x38;
	[tilespmem:$0x1400] =	vst v63  }
0x26b: {  	_ =	swait.ge [sflag:s3], $0x300  }
0x26c: {  	[sflag:s3] =	ssyncset.done $0x0  }
0x26d: {  	[sflag:s3] =	ssyncadd.s32 $0xFFFFFD00  }
0x26e: {  	_ =	swait.ge [sflag:s9], $0x80  }
0x26f: {  	[sflag:s9] =	ssyncset.done $0x0  }
0x270: {  	[sflag:s9] =	ssyncadd.s32 $0xFFFFFF80  }
0x271: {  	_ =	swait.ge [sflag:s9], $0x80  }
0x272: {  	[sflag:s9] =	ssyncset.done $0x0  }
0x273: {  	[sflag:s9] =	ssyncadd.s32 $0xFFFFFF80  }
0x274: {  	_ =	swait.ge [sflag:s9], $0x80  }
0x275: {  	[sflag:s9] =	ssyncset.done $0x0  }
0x276: {  	[sflag:s9] =	ssyncadd.s32 $0xFFFFFF80  }
0x277: {  	_ =	swait.ge [sflag:s9], $0x80  }
0x278: {  	[sflag:s9] =	ssyncset.done $0x0  }
0x279: {  	[sflag:s9] =	ssyncadd.s32 $0xFFFFFF80  }
0x27a: {  	_ =	swait.ge [sflag:s9], $0x80  }
0x27b: {  	[sflag:s9] =	ssyncset.done $0x0  }
0x27c: {  	[sflag:s9] =	ssyncadd.s32 $0xFFFFFF80  }
0x27d: {  	_ =	swait.ge [sflag:s9], $0x80  }
0x27e: {  	[sflag:s9] =	ssyncset.done $0x0  }
0x27f: {  	[sflag:s9] =	ssyncadd.s32 $0xFFFFFF80  }
0x280: {  	_ =	swait.ge [sflag:s9], $0x80  }
0x281: {  	[sflag:s9] =	ssyncset.done $0x0  }
0x282: {  	[sflag:s9] =	ssyncadd.s32 $0xFFFFFF80  }
0x283: {  	_ =	swait.ge [sflag:s9], $0x80  }
0x284: {  	[sflag:s9] =	ssyncset.done $0x0  }
0x285: {  	[sflag:s9] =	ssyncadd.s32 $0xFFFFFF80  }
0x286: {  	_ =	swait.ge [sflag:s9], $0x80  }
0x287: {  	[sflag:s9] =	ssyncset.done $0x0  }
0x288: {  	s26 =	rddreg [dreg:$0xa];
	[sflag:s9] =	ssyncadd.s32 $0xFFFFFF80  }
0x289: {  	[hbm4b:s26+s2] =	stream.linear.scatter [tilespmem:s8], [sflag:$0x5], $0x180, $0x38;
	[tilespmem:$0x1400] =	vst v63  }
0x28a: {  	_ =	swait.ge [sflag:s3], $0x180  }
0x28b: {  	[sflag:s3] =	ssyncset.done $0x0  }
0x28c: {  	s28 =	rddreg [dreg:$0xb];
	[sflag:s3] =	ssyncadd.s32 $0xFFFFFE80  }
0x28d: {  	[hbm4b:s28+s2] =	stream.linear.scatter [tilespmem:s7], [sflag:$0x5], $0x300, $0x38;
	[tilespmem:$0x1400] =	vst v63  }
0x28e: {  	_ =	swait.ge [sflag:s3], $0x300  }
0x28f: {  	[sflag:s3] =	ssyncset.done $0x0  }
0x290: {  	[sflag:s3] =	ssyncadd.s32 $0xFFFFFD00  }
0x291: {  	_ =	swait.ge [sflag:s6], $0x80  }
0x292: {  	[sflag:s6] =	ssyncset.done $0x0  }
0x293: {  	[sflag:s6] =	ssyncadd.s32 $0xFFFFFF80  }
0x294: {  	_ =	swait.ge [sflag:s6], $0x80  }
0x295: {  	[sflag:s6] =	ssyncset.done $0x0  }
0x296: {  	[sflag:s6] =	ssyncadd.s32 $0xFFFFFF80  }
0x297: {  	_ =	swait.ge [sflag:s6], $0x80  }
0x298: {  	[sflag:s6] =	ssyncset.done $0x0  }
0x299: {  	[sflag:s6] =	ssyncadd.s32 $0xFFFFFF80  }
0x29a: {  	_ =	swait.ge [sflag:s6], $0x80  }
0x29b: {  	[sflag:s6] =	ssyncset.done $0x0  }
0x29c: {  	[sflag:s6] =	ssyncadd.s32 $0xFFFFFF80  }
0x29d: {  	_ =	swait.ge [sflag:s6], $0x80  }
0x29e: {  	[sflag:s6] =	ssyncset.done $0x0  }
0x29f: {  	[sflag:s6] =	ssyncadd.s32 $0xFFFFFF80  }
0x2a0: {  	_ =	swait.ge [sflag:s6], $0x80  }
0x2a1: {  	[sflag:s6] =	ssyncset.done $0x0  }
0x2a2: {  	[sflag:s6] =	ssyncadd.s32 $0xFFFFFF80  }
0x2a3: {  	_ =	swait.ge [sflag:s6], $0x80  }
0x2a4: {  	[sflag:s6] =	ssyncset.done $0x0  }
0x2a5: {  	[sflag:s6] =	ssyncadd.s32 $0xFFFFFF80  }
0x2a6: {  	_ =	swait.ge [sflag:s6], $0x80  }
0x2a7: {  	[sflag:s6] =	ssyncset.done $0x0  }
0x2a8: {  	[sflag:s6] =	ssyncadd.s32 $0xFFFFFF80  }
0x2a9: {  	_ =	swait.ge [sflag:s6], $0x80  }
0x2aa: {  	[sflag:s6] =	ssyncset.done $0x0  }
0x2ab: {  	s29 =	rddreg [dreg:$0xc];
	[sflag:s6] =	ssyncadd.s32 $0xFFFFFF80  }
0x2ac: {  	[hbm4b:s29+s2] =	stream.linear.scatter [tilespmem:s5], [sflag:$0x5], $0x180, $0x38;
	[tilespmem:$0x1400] =	vst v63  }
0x2ad: {  	_ =	swait.ge [sflag:s3], $0x180  }
0x2ae: {  	[sflag:s3] =	ssyncset.done $0x0  }
0x2af: {  	s30 =	rddreg [dreg:$0xd];
	[sflag:s3] =	ssyncadd.s32 $0xFFFFFE80  }
0x2b0: {  	[hbm4b:s30+s2] =	stream.linear.scatter [tilespmem:s4], [sflag:$0x5], $0x300, $0x38;
	[tilespmem:$0x1400] =	vst v63  }
0x2b1: {  	_ =	swait.ge [sflag:s3], $0x300  }
0x2b2: {  	[sflag:s3] =	ssyncset.done $0x0  }
0x2b3: {  	[sflag:s3] =	ssyncadd.s32 $0xFFFFFD00  }
0x2b4: {  	_ =	sfence.sel $0x180000  }
0x2b5: {  	[bflag:$0x0] =	sbarrier.arrive $0xFFFF  }
0x2b6: {  	_ =	strace $0x90000047  }
0x2b7: {  	s31 =	stileid.u32;
	[bflag:$0x2] =	sbarrier.arrive $0xFFFF  }
0x2b8: {  	p0 =	sne.s32 s31, $0x0;
	s0 =	rddreg [dreg:$0x4]  }
0x2b9: {  	s0 =	sadd.s32 @!p0 $0x100000, s0  }
0x2ba: {  	[sflag:s0] =	ssyncadd.tile.s32 @!p0 $0x1;
	_ =	shalt  }
.LBB2_1:
.Ltmp3:
0x2bb: {  	(pc) =	sbr.rel .LBB2_6-.Ltmp3, $2  }
0x2bc: {  	_ =	sdelay $0x2  }
0x2bd: {  	s29 =	simm.s32 $0x1380;
	s31 =	simm.s32 $0x1300;
	s30 =	simm.s32 $0x1280  }
.LBB2_3:
.Ltmp4:
0x2be: {  	(pc) =	sbr.rel .LBB2_6-.Ltmp4, $2  }
0x2bf: {  	_ =	sdelay $0x2  }
0x2c0: {  	s29 =	simm.s32 $0x1380;
	s31 =	simm.s32 $0x1300;
	s30 =	simm.s32 $0x1280  }
.Lfunc_end2:
_tile_overlayer_lowered:
.L_overlay_start_2:
0x2c1: {  	(tag) =	ssettag $0x2  }
0x2c2: {  	s0 =	rddreg [dreg:$0x0];
	s2 =	stileid.u32  }
0x2c3: {  	s1 =	rddreg [dreg:$0x1];
	p0 =	sne.s32 s2, $0x0  }
0x2c4: {  	s3 =	rddreg [dreg:$0x2];
	[bflag:$0x3] =	sbarrier.arrive $0xFFFF;
	s2 =	simm.s32 @!p0 $0x1C05  }
0x2c5: {  	[timem:s3], [sflag:s2] =	dma.local @!p0 [hbm:s0], s1  }
0x2c6: {  	s0 =	simm.s32 @!p0 $0x5  }
0x2c7: {  	_ =	swait.ge @!p0 [sflag:s0], s1  }
0x2c8: {  	s1 =	ssub.s32 @!p0 $0x0, s1;
	[sflag:s0] =	ssyncset.done @!p0 $0x0  }
0x2c9: {  	[sflag:s0] =	ssyncadd.s32 @!p0 s1  }
0x2ca: {  	[bflag:$0x3] =	sbarrier.arrive $0xFFFF  }
0x2cb: {  	_ =	shalt  }

</sc_bundles>
